<compile_context>
chip_gen: v7x
topology: tpu7x:2x2x1
jax: 0.10.2.dev20260603
libtpu: 0.0.44.dev20260713+nightly
codegen_flags: <defaults>
</compile_context>

<pallas_src>
import functools

import jax
import jax.numpy as jnp
from jax import lax
from jax.experimental import pallas as pl
from jax.experimental.pallas import tpu as pltpu
from jax.experimental.pallas import tpu_sc as plsc

NUSER = 1000000
NITEM = 100000
HID = 64
BATCH = 4096

_info = plsc.get_sparse_core_info()
_NC, _NS, _NL = _info.num_cores, _info.num_subcores, _info.num_lanes
_NW = _NC * _NS
_BPW = BATCH // _NW
_NBUF = 4
_NG = _BPW // 16


@functools.partial(
    pl.kernel,
    mesh=plsc.VectorSubcoreMesh(core_axis_name="c", subcore_axis_name="s"),
    out_type=[
        jax.ShapeDtypeStruct((HID, BATCH), jnp.float32),
        jax.ShapeDtypeStruct((HID, BATCH), jnp.float32),
    ],
    scratch_types=(
        [pltpu.VMEM((_BPW,), jnp.int32)] * 2
        + [pltpu.VMEM((HID, 128), jnp.float32)] * (2 * _NBUF)
        + [pltpu.VMEM((HID, _BPW), jnp.float32)] * 2
        + [pltpu.SemaphoreType.DMA] * 2
    ),
    compiler_params=pltpu.CompilerParams(
        needs_layout_passes=False, disable_bounds_checks=True
    ),
)
def _lookup(user_hbm, item_hbm, uft_hbm, ift_hbm, uout_hbm, iout_hbm,
            uidx_v, iidx_v,
            ublk0, ublk1, ublk2, ublk3, iblk0, iblk1, iblk2, iblk3,
            ucols_v, icols_v, usem, isem):
    ublks = (ublk0, ublk1, ublk2, ublk3)
    iblks = (iblk0, iblk1, iblk2, iblk3)
    wid = lax.axis_index("s") * _NC + lax.axis_index("c")
    base = pl.multiple_of(wid * _BPW, _BPW)
    pltpu.sync_copy(user_hbm.at[pl.ds(base, _BPW)], uidx_v)
    pltpu.sync_copy(item_hbm.at[pl.ds(base, _BPW)], iidx_v)
    lanes = lax.iota(jnp.int32, _NL)

    def extract(blk, cols, rr, r):
        rr_v = jnp.full((_NL,), rr, jnp.int32)
        r_v = jnp.full((_NL,), r, jnp.int32)
        for k in range(HID // _NL):
            cvec = k * _NL + lanes
            val = plsc.load_gather(blk, [cvec, rr_v])
            plsc.store_scatter(cols, [cvec, r_v], val)

    def fire(tbl, blk, sem, vec, h):
        r0 = pl.multiple_of((vec[h] >> 7) * 128, 128)
        pltpu.async_copy(tbl.at[:, pl.ds(r0, 128)], blk, sem)

    uvec0 = uidx_v[pl.ds(0, 16)]
    ivec0 = iidx_v[pl.ds(0, 16)]
    for b in range(_NBUF):
        fire(uft_hbm, ublks[b], usem, uvec0, b)
        fire(ift_hbm, iblks[b], isem, ivec0, b)

    def group(g):
        uvec = uidx_v[pl.ds(g * 16, 16)]
        ivec = iidx_v[pl.ds(g * 16, 16)]
        gn = jnp.minimum(g + 1, _NG - 1) * 16
        unxt = uidx_v[pl.ds(gn, 16)]
        inxt = iidx_v[pl.ds(gn, 16)]
        not_last = g < _NG - 1
        for h in range(16):
            b = h % _NBUF
            r = g * 16 + h
            pltpu.make_async_copy(
                uft_hbm.at[:, pl.ds(0, 128)], ublks[b], usem).wait()
            extract(ublks[b], ucols_v, uvec[h] & 127, r)
            if h < 16 - _NBUF:
                fire(uft_hbm, ublks[b], usem, uvec, h + _NBUF)
            else:
                @pl.when(not_last)
                def _():
                    fire(uft_hbm, ublks[b], usem, unxt, h + _NBUF - 16)
            pltpu.make_async_copy(
                ift_hbm.at[:, pl.ds(0, 128)], iblks[b], isem).wait()
            extract(iblks[b], icols_v, ivec[h] & 127, r)
            if h < 16 - _NBUF:
                fire(ift_hbm, iblks[b], isem, ivec, h + _NBUF)
            else:
                @pl.when(not_last)
                def _():
                    fire(ift_hbm, iblks[b], isem, inxt, h + _NBUF - 16)

    pl.loop(0, _NG)(group)
    uw = pltpu.async_copy(ucols_v, uout_hbm.at[:, pl.ds(base, _BPW)], usem)
    iw = pltpu.async_copy(icols_v, iout_hbm.at[:, pl.ds(base, _BPW)], isem)
    uw.wait()
    iw.wait()


def kernel(user, item, user_factor, item_factor):
    user = user.astype(jnp.int32)
    item = item.astype(jnp.int32)
    uout_t, iout_t = _lookup(user, item, user_factor.T, item_factor.T)
    return (uout_t.T, iout_t.T)

# --- scband reference (transcript-rebuilt; emitter-appended) ---
"""Pipeline reference for scband-uiembedding-for-recommendation-88210038325539 (READ-ONLY COPY).

The authoritative reference and input builder live on the scoring server;
editing this copy changes nothing except your own understanding.
"""

import jax, jax.numpy as jnp
import numpy as np

NUSER = 1000000
NITEM = 100000
HID = 64
BATCH = 4096


def setup_inputs(seed: int = 0) -> dict:
    key = jax.random.key(seed)
    k1, k2, k3, k4 = jax.random.split(key, 4)
    user = jax.random.randint(k1, (BATCH,), 0, NUSER, dtype=jnp.int64) if jax.config.jax_enable_x64 else jax.random.randint(k1, (BATCH,), 0, NUSER, dtype=jnp.int32)
    item = jax.random.randint(k2, (BATCH,), 0, NITEM, dtype=jnp.int32)
    user_factor = jax.random.normal(k3, (NUSER, HID), dtype=jnp.float32) * 0.0001
    item_factor = jax.random.normal(k4, (NITEM, HID), dtype=jnp.float32) * 0.0001
    return {"user": user, "item": item, "user_factor": user_factor, "item_factor": item_factor}


def reference(user, item, user_factor, item_factor):
    # get_user_embedding: self.user_factor[user]
    user_emb = jnp.take(user_factor, user, axis=0)
    # get_item_embedding: self.item_factor[item]
    item_emb = jnp.take(item_factor, item, axis=0)
    return (user_emb, item_emb)

if __name__ == "__main__":
    import jax
    _d = setup_inputs()
    print(jax.jit(kernel)(*tuple(_d.values())))

</pallas_src>

<mosaic_0001>
#map = affine_map<(d0, d1) -> (0)>
#map1 = affine_map<(d0, d1) -> (0, 0)>
module attributes {stable_mosaic.version = 14 : i64} {
  func.func @_lookup(%arg0: i32, %arg1: i32, %arg2: memref<4096xi32, #tpu.memory_space<hbm>>, %arg3: memref<4096xi32, #tpu.memory_space<hbm>>, %arg4: memref<64x1000000xf32, #tpu.memory_space<hbm>>, %arg5: memref<64x100000xf32, #tpu.memory_space<hbm>>, %arg6: memref<64x4096xf32, #tpu.memory_space<hbm>>, %arg7: memref<64x4096xf32, #tpu.memory_space<hbm>>, %arg8: memref<128xi32, #tpu.memory_space<vmem>>, %arg9: memref<128xi32, #tpu.memory_space<vmem>>, %arg10: memref<64x128xf32, #tpu.memory_space<vmem>>, %arg11: memref<64x128xf32, #tpu.memory_space<vmem>>, %arg12: memref<64x128xf32, #tpu.memory_space<vmem>>, %arg13: memref<64x128xf32, #tpu.memory_space<vmem>>, %arg14: memref<64x128xf32, #tpu.memory_space<vmem>>, %arg15: memref<64x128xf32, #tpu.memory_space<vmem>>, %arg16: memref<64x128xf32, #tpu.memory_space<vmem>>, %arg17: memref<64x128xf32, #tpu.memory_space<vmem>>, %arg18: memref<64x128xf32, #tpu.memory_space<vmem>>, %arg19: memref<64x128xf32, #tpu.memory_space<vmem>>, %arg20: memref<!tpu.dma_semaphore, #tpu.memory_space<semaphore_mem>>, %arg21: memref<!tpu.dma_semaphore, #tpu.memory_space<semaphore_mem>>) attributes {dimension_semantics = [#tpu.dimension_semantics<core_parallel>, #tpu.dimension_semantics<subcore_parallel>], iteration_bounds = array<i64: 2, 16>, scalar_prefetch = 0 : i64, scratch_operands = 14 : i64, tpu.core_type = #tpu.core_type<sc_vector_subcore>, window_params = [{transform_indices = #map}, {transform_indices = #map}, {transform_indices = #map1}, {transform_indices = #map1}, {transform_indices = #map1}, {transform_indices = #map1}]} {
    %mul3A = arith.constant 2 : i32
    %mul3A_0 = arith.muli %arg1, %mul3A : i32
    %add3A = arith.addi %mul3A_0, %arg0 : i32
    %mul3A_1 = arith.constant 128 : i32
    %mul3A_2 = arith.muli %add3A, %mul3A_1 : i32
    %multiple_of3A = tpu.assume_multiple %mul3A_2, 128 : i32
    "tpu.region"() ({
      %run_scoped3A = tpu.sem_alloc : memref<!tpu.dma_semaphore, #tpu.memory_space<semaphore_mem>>
      %dma_start3A_109 = tpu.memref_slice %arg2[%multiple_of3A] : memref<4096xi32, #tpu.memory_space<hbm>> -> memref<128xi32, #tpu.memory_space<hbm>>
      %dma_start3A_110 = tpu.memref_slice %arg2[%multiple_of3A] : memref<4096xi32, #tpu.memory_space<hbm>> -> memref<128xi32, #tpu.memory_space<hbm>>
      tpu.enqueue_dma source(%dma_start3A_110 : memref<128xi32, #tpu.memory_space<hbm>>) target(%arg8 : memref<128xi32, #tpu.memory_space<vmem>>) target_semaphore(%run_scoped3A : memref<!tpu.dma_semaphore, #tpu.memory_space<semaphore_mem>>)
      %dma_wait3A_111 = tpu.memref_slice %arg2[%multiple_of3A] : memref<4096xi32, #tpu.memory_space<hbm>> -> memref<128xi32, #tpu.memory_space<hbm>>
      %dma_wait3A_112 = tpu.memref_slice %arg2[%multiple_of3A] : memref<4096xi32, #tpu.memory_space<hbm>> -> memref<128xi32, #tpu.memory_space<hbm>>
      tpu.wait_dma2 semaphore(%run_scoped3A : memref<!tpu.dma_semaphore, #tpu.memory_space<semaphore_mem>>) src(%dma_wait3A_112 : memref<128xi32, #tpu.memory_space<hbm>>) dst(%arg8 : memref<128xi32, #tpu.memory_space<vmem>>)
      tpu.yield
    }) : () -> ()
    "tpu.region"() ({
      %run_scoped3A = tpu.sem_alloc : memref<!tpu.dma_semaphore, #tpu.memory_space<semaphore_mem>>
      %dma_start3A_109 = tpu.memref_slice %arg3[%multiple_of3A] : memref<4096xi32, #tpu.memory_space<hbm>> -> memref<128xi32, #tpu.memory_space<hbm>>
      %dma_start3A_110 = tpu.memref_slice %arg3[%multiple_of3A] : memref<4096xi32, #tpu.memory_space<hbm>> -> memref<128xi32, #tpu.memory_space<hbm>>
      tpu.enqueue_dma source(%dma_start3A_110 : memref<128xi32, #tpu.memory_space<hbm>>) target(%arg9 : memref<128xi32, #tpu.memory_space<vmem>>) target_semaphore(%run_scoped3A : memref<!tpu.dma_semaphore, #tpu.memory_space<semaphore_mem>>)
      %dma_wait3A_111 = tpu.memref_slice %arg3[%multiple_of3A] : memref<4096xi32, #tpu.memory_space<hbm>> -> memref<128xi32, #tpu.memory_space<hbm>>
      %dma_wait3A_112 = tpu.memref_slice %arg3[%multiple_of3A] : memref<4096xi32, #tpu.memory_space<hbm>> -> memref<128xi32, #tpu.memory_space<hbm>>
      tpu.wait_dma2 semaphore(%run_scoped3A : memref<!tpu.dma_semaphore, #tpu.memory_space<semaphore_mem>>) src(%dma_wait3A_112 : memref<128xi32, #tpu.memory_space<hbm>>) dst(%arg9 : memref<128xi32, #tpu.memory_space<vmem>>)
      tpu.yield
    }) : () -> ()
    %iota3A = tpu.iota {dimensions = array<i32: 0>} : vector<16xi32>
    %get3A = arith.constant 0 : index
    %get3A_3 = tpu.vector_load %arg8[%get3A] {strides = array<i32>} : memref<128xi32, #tpu.memory_space<vmem>>, vector<16xi32>,
    %get3A_4 = arith.constant 0 : index
    %get3A_5 = tpu.vector_load %arg9[%get3A_4] {strides = array<i32>} : memref<128xi32, #tpu.memory_space<vmem>>, vector<16xi32>,
    %slice3A = vector.extract_strided_slice %get3A_3 {offsets = [0], sizes = [1], strides = [1]} : vector<16xi32> to vector<1xi32>
    %squeeze3A = vector.extract %slice3A[0] : i32 from vector<1xi32>
    %shift_right_arithmetic3A = arith.constant 7 : i32
    %shift_right_arithmetic3A_6 = arith.shrsi %squeeze3A, %shift_right_arithmetic3A : i32
    %mul3A_7 = arith.constant 128 : i32
    %mul3A_8 = arith.muli %shift_right_arithmetic3A_6, %mul3A_7 : i32
    %multiple_of3A_9 = tpu.assume_multiple %mul3A_8, 128 : i32
    %dma_start3A = arith.constant 0 : i32
    %dma_start3A_10 = tpu.memref_slice %arg4[%dma_start3A, %multiple_of3A_9] : memref<64x1000000xf32, #tpu.memory_space<hbm>> -> memref<64x128xf32, #tpu.memory_space<hbm>>
    %dma_start3A_11 = arith.constant 0 : i32
    %dma_start3A_12 = tpu.memref_slice %arg4[%dma_start3A_11, %multiple_of3A_9] : memref<64x1000000xf32, #tpu.memory_space<hbm>> -> memref<64x128xf32, #tpu.memory_space<hbm>>
    tpu.enqueue_dma source(%dma_start3A_12 : memref<64x128xf32, #tpu.memory_space<hbm>>) target(%arg10 : memref<64x128xf32, #tpu.memory_space<vmem>>) target_semaphore(%arg20 : memref<!tpu.dma_semaphore, #tpu.memory_space<semaphore_mem>>)
    %slice3A_13 = vector.extract_strided_slice %get3A_5 {offsets = [0], sizes = [1], strides = [1]} : vector<16xi32> to vector<1xi32>
    %squeeze3A_14 = vector.extract %slice3A_13[0] : i32 from vector<1xi32>
    %shift_right_arithmetic3A_15 = arith.constant 7 : i32
    %shift_right_arithmetic3A_16 = arith.shrsi %squeeze3A_14, %shift_right_arithmetic3A_15 : i32
    %mul3A_17 = arith.constant 128 : i32
    %mul3A_18 = arith.muli %shift_right_arithmetic3A_16, %mul3A_17 : i32
    %multiple_of3A_19 = tpu.assume_multiple %mul3A_18, 128 : i32
    %dma_start3A_20 = arith.constant 0 : i32
    %dma_start3A_21 = tpu.memref_slice %arg5[%dma_start3A_20, %multiple_of3A_19] : memref<64x100000xf32, #tpu.memory_space<hbm>> -> memref<64x128xf32, #tpu.memory_space<hbm>>
    %dma_start3A_22 = arith.constant 0 : i32
    %dma_start3A_23 = tpu.memref_slice %arg5[%dma_start3A_22, %multiple_of3A_19] : memref<64x100000xf32, #tpu.memory_space<hbm>> -> memref<64x128xf32, #tpu.memory_space<hbm>>
    tpu.enqueue_dma source(%dma_start3A_23 : memref<64x128xf32, #tpu.memory_space<hbm>>) target(%arg14 : memref<64x128xf32, #tpu.memory_space<vmem>>) target_semaphore(%arg21 : memref<!tpu.dma_semaphore, #tpu.memory_space<semaphore_mem>>)
    %slice3A_24 = vector.extract_strided_slice %get3A_3 {offsets = [1], sizes = [1], strides = [1]} : vector<16xi32> to vector<1xi32>
    %squeeze3A_25 = vector.extract %slice3A_24[0] : i32 from vector<1xi32>
    %shift_right_arithmetic3A_26 = arith.constant 7 : i32
    %shift_right_arithmetic3A_27 = arith.shrsi %squeeze3A_25, %shift_right_arithmetic3A_26 : i32
    %mul3A_28 = arith.constant 128 : i32
    %mul3A_29 = arith.muli %shift_right_arithmetic3A_27, %mul3A_28 : i32
    %multiple_of3A_30 = tpu.assume_multiple %mul3A_29, 128 : i32
    %dma_start3A_31 = arith.constant 0 : i32
    %dma_start3A_32 = tpu.memref_slice %arg4[%dma_start3A_31, %multiple_of3A_30] : memref<64x1000000xf32, #tpu.memory_space<hbm>> -> memref<64x128xf32, #tpu.memory_space<hbm>>
    %dma_start3A_33 = arith.constant 0 : i32
    %dma_start3A_34 = tpu.memref_slice %arg4[%dma_start3A_33, %multiple_of3A_30] : memref<64x1000000xf32, #tpu.memory_space<hbm>> -> memref<64x128xf32, #tpu.memory_space<hbm>>
    tpu.enqueue_dma source(%dma_start3A_34 : memref<64x128xf32, #tpu.memory_space<hbm>>) target(%arg11 : memref<64x128xf32, #tpu.memory_space<vmem>>) target_semaphore(%arg20 : memref<!tpu.dma_semaphore, #tpu.memory_space<semaphore_mem>>)
    %slice3A_35 = vector.extract_strided_slice %get3A_5 {offsets = [1], sizes = [1], strides = [1]} : vector<16xi32> to vector<1xi32>
    %squeeze3A_36 = vector.extract %slice3A_35[0] : i32 from vector<1xi32>
    %shift_right_arithmetic3A_37 = arith.constant 7 : i32
    %shift_right_arithmetic3A_38 = arith.shrsi %squeeze3A_36, %shift_right_arithmetic3A_37 : i32
    %mul3A_39 = arith.constant 128 : i32
    %mul3A_40 = arith.muli %shift_right_arithmetic3A_38, %mul3A_39 : i32
    %multiple_of3A_41 = tpu.assume_multiple %mul3A_40, 128 : i32
    %dma_start3A_42 = arith.constant 0 : i32
    %dma_start3A_43 = tpu.memref_slice %arg5[%dma_start3A_42, %multiple_of3A_41] : memref<64x100000xf32, #tpu.memory_space<hbm>> -> memref<64x128xf32, #tpu.memory_space<hbm>>
    %dma_start3A_44 = arith.constant 0 : i32
    %dma_start3A_45 = tpu.memref_slice %arg5[%dma_start3A_44, %multiple_of3A_41] : memref<64x100000xf32, #tpu.memory_space<hbm>> -> memref<64x128xf32, #tpu.memory_space<hbm>>
    tpu.enqueue_dma source(%dma_start3A_45 : memref<64x128xf32, #tpu.memory_space<hbm>>) target(%arg15 : memref<64x128xf32, #tpu.memory_space<vmem>>) target_semaphore(%arg21 : memref<!tpu.dma_semaphore, #tpu.memory_space<semaphore_mem>>)
    %slice3A_46 = vector.extract_strided_slice %get3A_3 {offsets = [2], sizes = [1], strides = [1]} : vector<16xi32> to vector<1xi32>
    %squeeze3A_47 = vector.extract %slice3A_46[0] : i32 from vector<1xi32>
    %shift_right_arithmetic3A_48 = arith.constant 7 : i32
    %shift_right_arithmetic3A_49 = arith.shrsi %squeeze3A_47, %shift_right_arithmetic3A_48 : i32
    %mul3A_50 = arith.constant 128 : i32
    %mul3A_51 = arith.muli %shift_right_arithmetic3A_49, %mul3A_50 : i32
    %multiple_of3A_52 = tpu.assume_multiple %mul3A_51, 128 : i32
    %dma_start3A_53 = arith.constant 0 : i32
    %dma_start3A_54 = tpu.memref_slice %arg4[%dma_start3A_53, %multiple_of3A_52] : memref<64x1000000xf32, #tpu.memory_space<hbm>> -> memref<64x128xf32, #tpu.memory_space<hbm>>
    %dma_start3A_55 = arith.constant 0 : i32
    %dma_start3A_56 = tpu.memref_slice %arg4[%dma_start3A_55, %multiple_of3A_52] : memref<64x1000000xf32, #tpu.memory_space<hbm>> -> memref<64x128xf32, #tpu.memory_space<hbm>>
    tpu.enqueue_dma source(%dma_start3A_56 : memref<64x128xf32, #tpu.memory_space<hbm>>) target(%arg12 : memref<64x128xf32, #tpu.memory_space<vmem>>) target_semaphore(%arg20 : memref<!tpu.dma_semaphore, #tpu.memory_space<semaphore_mem>>)
    %slice3A_57 = vector.extract_strided_slice %get3A_5 {offsets = [2], sizes = [1], strides = [1]} : vector<16xi32> to vector<1xi32>
    %squeeze3A_58 = vector.extract %slice3A_57[0] : i32 from vector<1xi32>
    %shift_right_arithmetic3A_59 = arith.constant 7 : i32
    %shift_right_arithmetic3A_60 = arith.shrsi %squeeze3A_58, %shift_right_arithmetic3A_59 : i32
    %mul3A_61 = arith.constant 128 : i32
    %mul3A_62 = arith.muli %shift_right_arithmetic3A_60, %mul3A_61 : i32
    %multiple_of3A_63 = tpu.assume_multiple %mul3A_62, 128 : i32
    %dma_start3A_64 = arith.constant 0 : i32
    %dma_start3A_65 = tpu.memref_slice %arg5[%dma_start3A_64, %multiple_of3A_63] : memref<64x100000xf32, #tpu.memory_space<hbm>> -> memref<64x128xf32, #tpu.memory_space<hbm>>
    %dma_start3A_66 = arith.constant 0 : i32
    %dma_start3A_67 = tpu.memref_slice %arg5[%dma_start3A_66, %multiple_of3A_63] : memref<64x100000xf32, #tpu.memory_space<hbm>> -> memref<64x128xf32, #tpu.memory_space<hbm>>
    tpu.enqueue_dma source(%dma_start3A_67 : memref<64x128xf32, #tpu.memory_space<hbm>>) target(%arg16 : memref<64x128xf32, #tpu.memory_space<vmem>>) target_semaphore(%arg21 : memref<!tpu.dma_semaphore, #tpu.memory_space<semaphore_mem>>)
    %slice3A_68 = vector.extract_strided_slice %get3A_3 {offsets = [3], sizes = [1], strides = [1]} : vector<16xi32> to vector<1xi32>
    %squeeze3A_69 = vector.extract %slice3A_68[0] : i32 from vector<1xi32>
    %shift_right_arithmetic3A_70 = arith.constant 7 : i32
    %shift_right_arithmetic3A_71 = arith.shrsi %squeeze3A_69, %shift_right_arithmetic3A_70 : i32
    %mul3A_72 = arith.constant 128 : i32
    %mul3A_73 = arith.muli %shift_right_arithmetic3A_71, %mul3A_72 : i32
    %multiple_of3A_74 = tpu.assume_multiple %mul3A_73, 128 : i32
    %dma_start3A_75 = arith.constant 0 : i32
    %dma_start3A_76 = tpu.memref_slice %arg4[%dma_start3A_75, %multiple_of3A_74] : memref<64x1000000xf32, #tpu.memory_space<hbm>> -> memref<64x128xf32, #tpu.memory_space<hbm>>
    %dma_start3A_77 = arith.constant 0 : i32
    %dma_start3A_78 = tpu.memref_slice %arg4[%dma_start3A_77, %multiple_of3A_74] : memref<64x1000000xf32, #tpu.memory_space<hbm>> -> memref<64x128xf32, #tpu.memory_space<hbm>>
    tpu.enqueue_dma source(%dma_start3A_78 : memref<64x128xf32, #tpu.memory_space<hbm>>) target(%arg13 : memref<64x128xf32, #tpu.memory_space<vmem>>) target_semaphore(%arg20 : memref<!tpu.dma_semaphore, #tpu.memory_space<semaphore_mem>>)
    %slice3A_79 = vector.extract_strided_slice %get3A_5 {offsets = [3], sizes = [1], strides = [1]} : vector<16xi32> to vector<1xi32>
    %squeeze3A_80 = vector.extract %slice3A_79[0] : i32 from vector<1xi32>
    %shift_right_arithmetic3A_81 = arith.constant 7 : i32
    %shift_right_arithmetic3A_82 = arith.shrsi %squeeze3A_80, %shift_right_arithmetic3A_81 : i32
    %mul3A_83 = arith.constant 128 : i32
    %mul3A_84 = arith.muli %shift_right_arithmetic3A_82, %mul3A_83 : i32
    %multiple_of3A_85 = tpu.assume_multiple %mul3A_84, 128 : i32
    %dma_start3A_86 = arith.constant 0 : i32
    %dma_start3A_87 = tpu.memref_slice %arg5[%dma_start3A_86, %multiple_of3A_85] : memref<64x100000xf32, #tpu.memory_space<hbm>> -> memref<64x128xf32, #tpu.memory_space<hbm>>
    %dma_start3A_88 = arith.constant 0 : i32
    %dma_start3A_89 = tpu.memref_slice %arg5[%dma_start3A_88, %multiple_of3A_85] : memref<64x100000xf32, #tpu.memory_space<hbm>> -> memref<64x128xf32, #tpu.memory_space<hbm>>
    tpu.enqueue_dma source(%dma_start3A_89 : memref<64x128xf32, #tpu.memory_space<hbm>>) target(%arg17 : memref<64x128xf32, #tpu.memory_space<vmem>>) target_semaphore(%arg21 : memref<!tpu.dma_semaphore, #tpu.memory_space<semaphore_mem>>)
    %scan3A = arith.constant 0 : i32
    %scan3A_90 = arith.constant 8 : i32
    %scan3A_91 = arith.addi %scan3A, %scan3A_90 : i32
    %scan3A_92 = arith.constant 1 : i32
    scf.for %scan3A_109 = %scan3A to %scan3A_91 step %scan3A_92  : i32 {
      %mul3A_110 = arith.constant 1 : i32
      %mul3A_111 = arith.muli %scan3A_109, %mul3A_110 : i32
      %add3A_112 = arith.constant 0 : i32
      %add3A_113 = arith.addi %add3A_112, %mul3A_111 : i32
      %mul3A_114 = arith.constant 16 : i32
      %mul3A_115 = arith.muli %add3A_113, %mul3A_114 : i32
      %get3A_116 = arith.index_cast %mul3A_115 : i32 to index
      %get3A_117 = tpu.vector_load %arg8[%get3A_116] {strides = array<i32>} : memref<128xi32, #tpu.memory_space<vmem>>, vector<16xi32>,
      %mul3A_118 = arith.constant 16 : i32
      %mul3A_119 = arith.muli %add3A_113, %mul3A_118 : i32
      %get3A_120 = arith.index_cast %mul3A_119 : i32 to index
      %get3A_121 = tpu.vector_load %arg9[%get3A_120] {strides = array<i32>} : memref<128xi32, #tpu.memory_space<vmem>>, vector<16xi32>,
      %add3A_122 = arith.constant 1 : i32
      %add3A_123 = arith.addi %add3A_113, %add3A_122 : i32
      %min3A = arith.constant 7 : i32
      %min3A_124 = arith.minsi %add3A_123, %min3A : i32
      %mul3A_125 = arith.constant 16 : i32
      %mul3A_126 = arith.muli %min3A_124, %mul3A_125 : i32
      %get3A_127 = arith.index_cast %mul3A_126 : i32 to index
      %get3A_128 = tpu.vector_load %arg8[%get3A_127] {strides = array<i32>} : memref<128xi32, #tpu.memory_space<vmem>>, vector<16xi32>,
      %get3A_129 = arith.index_cast %mul3A_126 : i32 to index
      %get3A_130 = tpu.vector_load %arg9[%get3A_129] {strides = array<i32>} : memref<128xi32, #tpu.memory_space<vmem>>, vector<16xi32>,
      %lt3A = arith.constant 7 : i32
      %lt3A_131 = arith.cmpi slt, %add3A_113, %lt3A : i32
      %mul3A_132 = arith.constant 16 : i32
      %mul3A_133 = arith.muli %add3A_113, %mul3A_132 : i32
      %add3A_134 = arith.constant 0 : i32
      %add3A_135 = arith.addi %mul3A_133, %add3A_134 : i32
      %dma_wait3A_136 = arith.constant 0 : i32
      %dma_wait3A_137 = arith.constant 0 : i32
      %dma_wait3A_138 = tpu.memref_slice %arg4[%dma_wait3A_136, %dma_wait3A_137] : memref<64x1000000xf32, #tpu.memory_space<hbm>> -> memref<64x128xf32, #tpu.memory_space<hbm>>
      %dma_wait3A_139 = arith.constant 0 : i32
      %dma_wait3A_140 = arith.constant 0 : i32
      %dma_wait3A_141 = tpu.memref_slice %arg4[%dma_wait3A_139, %dma_wait3A_140] : memref<64x1000000xf32, #tpu.memory_space<hbm>> -> memref<64x128xf32, #tpu.memory_space<hbm>>
      tpu.wait_dma2 semaphore(%arg20 : memref<!tpu.dma_semaphore, #tpu.memory_space<semaphore_mem>>) src(%dma_wait3A_141 : memref<64x128xf32, #tpu.memory_space<hbm>>) dst(%arg10 : memref<64x128xf32, #tpu.memory_space<vmem>>)
      %slice3A_142 = vector.extract_strided_slice %get3A_117 {offsets = [0], sizes = [1], strides = [1]} : vector<16xi32> to vector<1xi32>
      %squeeze3A_143 = vector.extract %slice3A_142[0] : i32 from vector<1xi32>
      %and3A = arith.constant 127 : i32
      %and3A_144 = arith.andi %squeeze3A_143, %and3A : i32
      %broadcast_in_dim3A = vector.broadcast %and3A_144 : i32 to vector<16xi32>
      %broadcast_in_dim3A_145 = vector.broadcast %add3A_135 : i32 to vector<16xi32>
      %add3A_146 = arith.constant 0 : i32
      %add3A_147 = vector.broadcast %add3A_146 : i32 to vector<16xi32>
      %add3A_148 = arith.addi %add3A_147, %iota3A : vector<16xi32>
      %gather3A = tpu.vector_load_idx %arg10[%add3A_148, %broadcast_in_dim3A] : memref<64x128xf32, #tpu.memory_space<vmem>>[vector<16xi32>, vector<16xi32>], vector<16xf32>,
      tpu.vector_store_idx %arg18[%add3A_148, %broadcast_in_dim3A_145], %gather3A : memref<64x128xf32, #tpu.memory_space<vmem>>[vector<16xi32>, vector<16xi32>], vector<16xf32>,
      %add3A_149 = arith.constant 16 : i32
      %add3A_150 = vector.broadcast %add3A_149 : i32 to vector<16xi32>
      %add3A_151 = arith.addi %add3A_150, %iota3A : vector<16xi32>
      %gather3A_152 = tpu.vector_load_idx %arg10[%add3A_151, %broadcast_in_dim3A] : memref<64x128xf32, #tpu.memory_space<vmem>>[vector<16xi32>, vector<16xi32>], vector<16xf32>,
      tpu.vector_store_idx %arg18[%add3A_151, %broadcast_in_dim3A_145], %gather3A_152 : memref<64x128xf32, #tpu.memory_space<vmem>>[vector<16xi32>, vector<16xi32>], vector<16xf32>,
      %add3A_153 = arith.constant 32 : i32
      %add3A_154 = vector.broadcast %add3A_153 : i32 to vector<16xi32>
      %add3A_155 = arith.addi %add3A_154, %iota3A : vector<16xi32>
      %gather3A_156 = tpu.vector_load_idx %arg10[%add3A_155, %broadcast_in_dim3A] : memref<64x128xf32, #tpu.memory_space<vmem>>[vector<16xi32>, vector<16xi32>], vector<16xf32>,
      tpu.vector_store_idx %arg18[%add3A_155, %broadcast_in_dim3A_145], %gather3A_156 : memref<64x128xf32, #tpu.memory_space<vmem>>[vector<16xi32>, vector<16xi32>], vector<16xf32>,
      %add3A_157 = arith.constant 48 : i32
      %add3A_158 = vector.broadcast %add3A_157 : i32 to vector<16xi32>
      %add3A_159 = arith.addi %add3A_158, %iota3A : vector<16xi32>
      %gather3A_160 = tpu.vector_load_idx %arg10[%add3A_159, %broadcast_in_dim3A] : memref<64x128xf32, #tpu.memory_space<vmem>>[vector<16xi32>, vector<16xi32>], vector<16xf32>,
      tpu.vector_store_idx %arg18[%add3A_159, %broadcast_in_dim3A_145], %gather3A_160 : memref<64x128xf32, #tpu.memory_space<vmem>>[vector<16xi32>, vector<16xi32>], vector<16xf32>,
      %slice3A_161 = vector.extract_strided_slice %get3A_117 {offsets = [4], sizes = [1], strides = [1]} : vector<16xi32> to vector<1xi32>
      %squeeze3A_162 = vector.extract %slice3A_161[0] : i32 from vector<1xi32>
      %shift_right_arithmetic3A_163 = arith.constant 7 : i32
      %shift_right_arithmetic3A_164 = arith.shrsi %squeeze3A_162, %shift_right_arithmetic3A_163 : i32
      %mul3A_165 = arith.constant 128 : i32
      %mul3A_166 = arith.muli %shift_right_arithmetic3A_164, %mul3A_165 : i32
      %multiple_of3A_167 = tpu.assume_multiple %mul3A_166, 128 : i32
      %dma_start3A_168 = arith.constant 0 : i32
      %dma_start3A_169 = tpu.memref_slice %arg4[%dma_start3A_168, %multiple_of3A_167] : memref<64x1000000xf32, #tpu.memory_space<hbm>> -> memref<64x128xf32, #tpu.memory_space<hbm>>
      %dma_start3A_170 = arith.constant 0 : i32
      %dma_start3A_171 = tpu.memref_slice %arg4[%dma_start3A_170, %multiple_of3A_167] : memref<64x1000000xf32, #tpu.memory_space<hbm>> -> memref<64x128xf32, #tpu.memory_space<hbm>>
      tpu.enqueue_dma source(%dma_start3A_171 : memref<64x128xf32, #tpu.memory_space<hbm>>) target(%arg10 : memref<64x128xf32, #tpu.memory_space<vmem>>) target_semaphore(%arg20 : memref<!tpu.dma_semaphore, #tpu.memory_space<semaphore_mem>>)
      %dma_wait3A_172 = arith.constant 0 : i32
      %dma_wait3A_173 = arith.constant 0 : i32
      %dma_wait3A_174 = tpu.memref_slice %arg5[%dma_wait3A_172, %dma_wait3A_173] : memref<64x100000xf32, #tpu.memory_space<hbm>> -> memref<64x128xf32, #tpu.memory_space<hbm>>
      %dma_wait3A_175 = arith.constant 0 : i32
      %dma_wait3A_176 = arith.constant 0 : i32
      %dma_wait3A_177 = tpu.memref_slice %arg5[%dma_wait3A_175, %dma_wait3A_176] : memref<64x100000xf32, #tpu.memory_space<hbm>> -> memref<64x128xf32, #tpu.memory_space<hbm>>
      tpu.wait_dma2 semaphore(%arg21 : memref<!tpu.dma_semaphore, #tpu.memory_space<semaphore_mem>>) src(%dma_wait3A_177 : memref<64x128xf32, #tpu.memory_space<hbm>>) dst(%arg14 : memref<64x128xf32, #tpu.memory_space<vmem>>)
      %slice3A_178 = vector.extract_strided_slice %get3A_121 {offsets = [0], sizes = [1], strides = [1]} : vector<16xi32> to vector<1xi32>
      %squeeze3A_179 = vector.extract %slice3A_178[0] : i32 from vector<1xi32>
      %and3A_180 = arith.constant 127 : i32
      %and3A_181 = arith.andi %squeeze3A_179, %and3A_180 : i32
      %broadcast_in_dim3A_182 = vector.broadcast %and3A_181 : i32 to vector<16xi32>
      %broadcast_in_dim3A_183 = vector.broadcast %add3A_135 : i32 to vector<16xi32>
      %add3A_184 = arith.constant 0 : i32
      %add3A_185 = vector.broadcast %add3A_184 : i32 to vector<16xi32>
      %add3A_186 = arith.addi %add3A_185, %iota3A : vector<16xi32>
      %gather3A_187 = tpu.vector_load_idx %arg14[%add3A_186, %broadcast_in_dim3A_182] : memref<64x128xf32, #tpu.memory_space<vmem>>[vector<16xi32>, vector<16xi32>], vector<16xf32>,
      tpu.vector_store_idx %arg19[%add3A_186, %broadcast_in_dim3A_183], %gather3A_187 : memref<64x128xf32, #tpu.memory_space<vmem>>[vector<16xi32>, vector<16xi32>], vector<16xf32>,
      %add3A_188 = arith.constant 16 : i32
      %add3A_189 = vector.broadcast %add3A_188 : i32 to vector<16xi32>
      %add3A_190 = arith.addi %add3A_189, %iota3A : vector<16xi32>
      %gather3A_191 = tpu.vector_load_idx %arg14[%add3A_190, %broadcast_in_dim3A_182] : memref<64x128xf32, #tpu.memory_space<vmem>>[vector<16xi32>, vector<16xi32>], vector<16xf32>,
      tpu.vector_store_idx %arg19[%add3A_190, %broadcast_in_dim3A_183], %gather3A_191 : memref<64x128xf32, #tpu.memory_space<vmem>>[vector<16xi32>, vector<16xi32>], vector<16xf32>,
      %add3A_192 = arith.constant 32 : i32
      %add3A_193 = vector.broadcast %add3A_192 : i32 to vector<16xi32>
      %add3A_194 = arith.addi %add3A_193, %iota3A : vector<16xi32>
      %gather3A_195 = tpu.vector_load_idx %arg14[%add3A_194, %broadcast_in_dim3A_182] : memref<64x128xf32, #tpu.memory_space<vmem>>[vector<16xi32>, vector<16xi32>], vector<16xf32>,
      tpu.vector_store_idx %arg19[%add3A_194, %broadcast_in_dim3A_183], %gather3A_195 : memref<64x128xf32, #tpu.memory_space<vmem>>[vector<16xi32>, vector<16xi32>], vector<16xf32>,
      %add3A_196 = arith.constant 48 : i32
      %add3A_197 = vector.broadcast %add3A_196 : i32 to vector<16xi32>
      %add3A_198 = arith.addi %add3A_197, %iota3A : vector<16xi32>
      %gather3A_199 = tpu.vector_load_idx %arg14[%add3A_198, %broadcast_in_dim3A_182] : memref<64x128xf32, #tpu.memory_space<vmem>>[vector<16xi32>, vector<16xi32>], vector<16xf32>,
      tpu.vector_store_idx %arg19[%add3A_198, %broadcast_in_dim3A_183], %gather3A_199 : memref<64x128xf32, #tpu.memory_space<vmem>>[vector<16xi32>, vector<16xi32>], vector<16xf32>,
      %slice3A_200 = vector.extract_strided_slice %get3A_121 {offsets = [4], sizes = [1], strides = [1]} : vector<16xi32> to vector<1xi32>
      %squeeze3A_201 = vector.extract %slice3A_200[0] : i32 from vector<1xi32>
      %shift_right_arithmetic3A_202 = arith.constant 7 : i32
      %shift_right_arithmetic3A_203 = arith.shrsi %squeeze3A_201, %shift_right_arithmetic3A_202 : i32
      %mul3A_204 = arith.constant 128 : i32
      %mul3A_205 = arith.muli %shift_right_arithmetic3A_203, %mul3A_204 : i32
      %multiple_of3A_206 = tpu.assume_multiple %mul3A_205, 128 : i32
      %dma_start3A_207 = arith.constant 0 : i32
      %dma_start3A_208 = tpu.memref_slice %arg5[%dma_start3A_207, %multiple_of3A_206] : memref<64x100000xf32, #tpu.memory_space<hbm>> -> memref<64x128xf32, #tpu.memory_space<hbm>>
      %dma_start3A_209 = arith.constant 0 : i32
      %dma_start3A_210 = tpu.memref_slice %arg5[%dma_start3A_209, %multiple_of3A_206] : memref<64x100000xf32, #tpu.memory_space<hbm>> -> memref<64x128xf32, #tpu.memory_space<hbm>>
      tpu.enqueue_dma source(%dma_start3A_210 : memref<64x128xf32, #tpu.memory_space<hbm>>) target(%arg14 : memref<64x128xf32, #tpu.memory_space<vmem>>) target_semaphore(%arg21 : memref<!tpu.dma_semaphore, #tpu.memory_space<semaphore_mem>>)
      %mul3A_211 = arith.constant 16 : i32
      %mul3A_212 = arith.muli %add3A_113, %mul3A_211 : i32
      %add3A_213 = arith.constant 1 : i32
      %add3A_214 = arith.addi %mul3A_212, %add3A_213 : i32
      %dma_wait3A_215 = arith.constant 0 : i32
      %dma_wait3A_216 = arith.constant 0 : i32
      %dma_wait3A_217 = tpu.memref_slice %arg4[%dma_wait3A_215, %dma_wait3A_216] : memref<64x1000000xf32, #tpu.memory_space<hbm>> -> memref<64x128xf32, #tpu.memory_space<hbm>>
      %dma_wait3A_218 = arith.constant 0 : i32
      %dma_wait3A_219 = arith.constant 0 : i32
      %dma_wait3A_220 = tpu.memref_slice %arg4[%dma_wait3A_218, %dma_wait3A_219] : memref<64x1000000xf32, #tpu.memory_space<hbm>> -> memref<64x128xf32, #tpu.memory_space<hbm>>
      tpu.wait_dma2 semaphore(%arg20 : memref<!tpu.dma_semaphore, #tpu.memory_space<semaphore_mem>>) src(%dma_wait3A_220 : memref<64x128xf32, #tpu.memory_space<hbm>>) dst(%arg11 : memref<64x128xf32, #tpu.memory_space<vmem>>)
      %slice3A_221 = vector.extract_strided_slice %get3A_117 {offsets = [1], sizes = [1], strides = [1]} : vector<16xi32> to vector<1xi32>
      %squeeze3A_222 = vector.extract %slice3A_221[0] : i32 from vector<1xi32>
      %and3A_223 = arith.constant 127 : i32
      %and3A_224 = arith.andi %squeeze3A_222, %and3A_223 : i32
      %broadcast_in_dim3A_225 = vector.broadcast %and3A_224 : i32 to vector<16xi32>
      %broadcast_in_dim3A_226 = vector.broadcast %add3A_214 : i32 to vector<16xi32>
      %add3A_227 = arith.constant 0 : i32
      %add3A_228 = vector.broadcast %add3A_227 : i32 to vector<16xi32>
      %add3A_229 = arith.addi %add3A_228, %iota3A : vector<16xi32>
      %gather3A_230 = tpu.vector_load_idx %arg11[%add3A_229, %broadcast_in_dim3A_225] : memref<64x128xf32, #tpu.memory_space<vmem>>[vector<16xi32>, vector<16xi32>], vector<16xf32>,
      tpu.vector_store_idx %arg18[%add3A_229, %broadcast_in_dim3A_226], %gather3A_230 : memref<64x128xf32, #tpu.memory_space<vmem>>[vector<16xi32>, vector<16xi32>], vector<16xf32>,
      %add3A_231 = arith.constant 16 : i32
      %add3A_232 = vector.broadcast %add3A_231 : i32 to vector<16xi32>
      %add3A_233 = arith.addi %add3A_232, %iota3A : vector<16xi32>
      %gather3A_234 = tpu.vector_load_idx %arg11[%add3A_233, %broadcast_in_dim3A_225] : memref<64x128xf32, #tpu.memory_space<vmem>>[vector<16xi32>, vector<16xi32>], vector<16xf32>,
      tpu.vector_store_idx %arg18[%add3A_233, %broadcast_in_dim3A_226], %gather3A_234 : memref<64x128xf32, #tpu.memory_space<vmem>>[vector<16xi32>, vector<16xi32>], vector<16xf32>,
      %add3A_235 = arith.constant 32 : i32
      %add3A_236 = vector.broadcast %add3A_235 : i32 to vector<16xi32>
      %add3A_237 = arith.addi %add3A_236, %iota3A : vector<16xi32>
      %gather3A_238 = tpu.vector_load_idx %arg11[%add3A_237, %broadcast_in_dim3A_225] : memref<64x128xf32, #tpu.memory_space<vmem>>[vector<16xi32>, vector<16xi32>], vector<16xf32>,
      tpu.vector_store_idx %arg18[%add3A_237, %broadcast_in_dim3A_226], %gather3A_238 : memref<64x128xf32, #tpu.memory_space<vmem>>[vector<16xi32>, vector<16xi32>], vector<16xf32>,
      %add3A_239 = arith.constant 48 : i32
      %add3A_240 = vector.broadcast %add3A_239 : i32 to vector<16xi32>
      %add3A_241 = arith.addi %add3A_240, %iota3A : vector<16xi32>
      %gather3A_242 = tpu.vector_load_idx %arg11[%add3A_241, %broadcast_in_dim3A_225] : memref<64x128xf32, #tpu.memory_space<vmem>>[vector<16xi32>, vector<16xi32>], vector<16xf32>,
      tpu.vector_store_idx %arg18[%add3A_241, %broadcast_in_dim3A_226], %gather3A_242 : memref<64x128xf32, #tpu.memory_space<vmem>>[vector<16xi32>, vector<16xi32>], vector<16xf32>,
      %slice3A_243 = vector.extract_strided_slice %get3A_117 {offsets = [5], sizes = [1], strides = [1]} : vector<16xi32> to vector<1xi32>
      %squeeze3A_244 = vector.extract %slice3A_243[0] : i32 from vector<1xi32>
      %shift_right_arithmetic3A_245 = arith.constant 7 : i32
      %shift_right_arithmetic3A_246 = arith.shrsi %squeeze3A_244, %shift_right_arithmetic3A_245 : i32
      %mul3A_247 = arith.constant 128 : i32
      %mul3A_248 = arith.muli %shift_right_arithmetic3A_246, %mul3A_247 : i32
      %multiple_of3A_249 = tpu.assume_multiple %mul3A_248, 128 : i32
      %dma_start3A_250 = arith.constant 0 : i32
      %dma_start3A_251 = tpu.memref_slice %arg4[%dma_start3A_250, %multiple_of3A_249] : memref<64x1000000xf32, #tpu.memory_space<hbm>> -> memref<64x128xf32, #tpu.memory_space<hbm>>
      %dma_start3A_252 = arith.constant 0 : i32
      %dma_start3A_253 = tpu.memref_slice %arg4[%dma_start3A_252, %multiple_of3A_249] : memref<64x1000000xf32, #tpu.memory_space<hbm>> -> memref<64x128xf32, #tpu.memory_space<hbm>>
      tpu.enqueue_dma source(%dma_start3A_253 : memref<64x128xf32, #tpu.memory_space<hbm>>) target(%arg11 : memref<64x128xf32, #tpu.memory_space<vmem>>) target_semaphore(%arg20 : memref<!tpu.dma_semaphore, #tpu.memory_space<semaphore_mem>>)
      %dma_wait3A_254 = arith.constant 0 : i32
      %dma_wait3A_255 = arith.constant 0 : i32
      %dma_wait3A_256 = tpu.memref_slice %arg5[%dma_wait3A_254, %dma_wait3A_255] : memref<64x100000xf32, #tpu.memory_space<hbm>> -> memref<64x128xf32, #tpu.memory_space<hbm>>
      %dma_wait3A_257 = arith.constant 0 : i32
      %dma_wait3A_258 = arith.constant 0 : i32
      %dma_wait3A_259 = tpu.memref_slice %arg5[%dma_wait3A_257, %dma_wait3A_258] : memref<64x100000xf32, #tpu.memory_space<hbm>> -> memref<64x128xf32, #tpu.memory_space<hbm>>
      tpu.wait_dma2 semaphore(%arg21 : memref<!tpu.dma_semaphore, #tpu.memory_space<semaphore_mem>>) src(%dma_wait3A_259 : memref<64x128xf32, #tpu.memory_space<hbm>>) dst(%arg15 : memref<64x128xf32, #tpu.memory_space<vmem>>)
      %slice3A_260 = vector.extract_strided_slice %get3A_121 {offsets = [1], sizes = [1], strides = [1]} : vector<16xi32> to vector<1xi32>
      %squeeze3A_261 = vector.extract %slice3A_260[0] : i32 from vector<1xi32>
      %and3A_262 = arith.constant 127 : i32
      %and3A_263 = arith.andi %squeeze3A_261, %and3A_262 : i32
      %broadcast_in_dim3A_264 = vector.broadcast %and3A_263 : i32 to vector<16xi32>
      %broadcast_in_dim3A_265 = vector.broadcast %add3A_214 : i32 to vector<16xi32>
      %add3A_266 = arith.constant 0 : i32
      %add3A_267 = vector.broadcast %add3A_266 : i32 to vector<16xi32>
      %add3A_268 = arith.addi %add3A_267, %iota3A : vector<16xi32>
      %gather3A_269 = tpu.vector_load_idx %arg15[%add3A_268, %broadcast_in_dim3A_264] : memref<64x128xf32, #tpu.memory_space<vmem>>[vector<16xi32>, vector<16xi32>], vector<16xf32>,
      tpu.vector_store_idx %arg19[%add3A_268, %broadcast_in_dim3A_265], %gather3A_269 : memref<64x128xf32, #tpu.memory_space<vmem>>[vector<16xi32>, vector<16xi32>], vector<16xf32>,
      %add3A_270 = arith.constant 16 : i32
      %add3A_271 = vector.broadcast %add3A_270 : i32 to vector<16xi32>
      %add3A_272 = arith.addi %add3A_271, %iota3A : vector<16xi32>
      %gather3A_273 = tpu.vector_load_idx %arg15[%add3A_272, %broadcast_in_dim3A_264] : memref<64x128xf32, #tpu.memory_space<vmem>>[vector<16xi32>, vector<16xi32>], vector<16xf32>,
      tpu.vector_store_idx %arg19[%add3A_272, %broadcast_in_dim3A_265], %gather3A_273 : memref<64x128xf32, #tpu.memory_space<vmem>>[vector<16xi32>, vector<16xi32>], vector<16xf32>,
      %add3A_274 = arith.constant 32 : i32
      %add3A_275 = vector.broadcast %add3A_274 : i32 to vector<16xi32>
      %add3A_276 = arith.addi %add3A_275, %iota3A : vector<16xi32>
      %gather3A_277 = tpu.vector_load_idx %arg15[%add3A_276, %broadcast_in_dim3A_264] : memref<64x128xf32, #tpu.memory_space<vmem>>[vector<16xi32>, vector<16xi32>], vector<16xf32>,
      tpu.vector_store_idx %arg19[%add3A_276, %broadcast_in_dim3A_265], %gather3A_277 : memref<64x128xf32, #tpu.memory_space<vmem>>[vector<16xi32>, vector<16xi32>], vector<16xf32>,
      %add3A_278 = arith.constant 48 : i32
      %add3A_279 = vector.broadcast %add3A_278 : i32 to vector<16xi32>
      %add3A_280 = arith.addi %add3A_279, %iota3A : vector<16xi32>
      %gather3A_281 = tpu.vector_load_idx %arg15[%add3A_280, %broadcast_in_dim3A_264] : memref<64x128xf32, #tpu.memory_space<vmem>>[vector<16xi32>, vector<16xi32>], vector<16xf32>,
      tpu.vector_store_idx %arg19[%add3A_280, %broadcast_in_dim3A_265], %gather3A_281 : memref<64x128xf32, #tpu.memory_space<vmem>>[vector<16xi32>, vector<16xi32>], vector<16xf32>,
      %slice3A_282 = vector.extract_strided_slice %get3A_121 {offsets = [5], sizes = [1], strides = [1]} : vector<16xi32> to vector<1xi32>
      %squeeze3A_283 = vector.extract %slice3A_282[0] : i32 from vector<1xi32>
      %shift_right_arithmetic3A_284 = arith.constant 7 : i32
      %shift_right_arithmetic3A_285 = arith.shrsi %squeeze3A_283, %shift_right_arithmetic3A_284 : i32
      %mul3A_286 = arith.constant 128 : i32
      %mul3A_287 = arith.muli %shift_right_arithmetic3A_285, %mul3A_286 : i32
      %multiple_of3A_288 = tpu.assume_multiple %mul3A_287, 128 : i32
      %dma_start3A_289 = arith.constant 0 : i32
      %dma_start3A_290 = tpu.memref_slice %arg5[%dma_start3A_289, %multiple_of3A_288] : memref<64x100000xf32, #tpu.memory_space<hbm>> -> memref<64x128xf32, #tpu.memory_space<hbm>>
      %dma_start3A_291 = arith.constant 0 : i32
      %dma_start3A_292 = tpu.memref_slice %arg5[%dma_start3A_291, %multiple_of3A_288] : memref<64x100000xf32, #tpu.memory_space<hbm>> -> memref<64x128xf32, #tpu.memory_space<hbm>>
      tpu.enqueue_dma source(%dma_start3A_292 : memref<64x128xf32, #tpu.memory_space<hbm>>) target(%arg15 : memref<64x128xf32, #tpu.memory_space<vmem>>) target_semaphore(%arg21 : memref<!tpu.dma_semaphore, #tpu.memory_space<semaphore_mem>>)
      %mul3A_293 = arith.constant 16 : i32
      %mul3A_294 = arith.muli %add3A_113, %mul3A_293 : i32
      %add3A_295 = arith.constant 2 : i32
      %add3A_296 = arith.addi %mul3A_294, %add3A_295 : i32
      %dma_wait3A_297 = arith.constant 0 : i32
      %dma_wait3A_298 = arith.constant 0 : i32
      %dma_wait3A_299 = tpu.memref_slice %arg4[%dma_wait3A_297, %dma_wait3A_298] : memref<64x1000000xf32, #tpu.memory_space<hbm>> -> memref<64x128xf32, #tpu.memory_space<hbm>>
      %dma_wait3A_300 = arith.constant 0 : i32
      %dma_wait3A_301 = arith.constant 0 : i32
      %dma_wait3A_302 = tpu.memref_slice %arg4[%dma_wait3A_300, %dma_wait3A_301] : memref<64x1000000xf32, #tpu.memory_space<hbm>> -> memref<64x128xf32, #tpu.memory_space<hbm>>
      tpu.wait_dma2 semaphore(%arg20 : memref<!tpu.dma_semaphore, #tpu.memory_space<semaphore_mem>>) src(%dma_wait3A_302 : memref<64x128xf32, #tpu.memory_space<hbm>>) dst(%arg12 : memref<64x128xf32, #tpu.memory_space<vmem>>)
      %slice3A_303 = vector.extract_strided_slice %get3A_117 {offsets = [2], sizes = [1], strides = [1]} : vector<16xi32> to vector<1xi32>
      %squeeze3A_304 = vector.extract %slice3A_303[0] : i32 from vector<1xi32>
      %and3A_305 = arith.constant 127 : i32
      %and3A_306 = arith.andi %squeeze3A_304, %and3A_305 : i32
      %broadcast_in_dim3A_307 = vector.broadcast %and3A_306 : i32 to vector<16xi32>
      %broadcast_in_dim3A_308 = vector.broadcast %add3A_296 : i32 to vector<16xi32>
      %add3A_309 = arith.constant 0 : i32
      %add3A_310 = vector.broadcast %add3A_309 : i32 to vector<16xi32>
      %add3A_311 = arith.addi %add3A_310, %iota3A : vector<16xi32>
      %gather3A_312 = tpu.vector_load_idx %arg12[%add3A_311, %broadcast_in_dim3A_307] : memref<64x128xf32, #tpu.memory_space<vmem>>[vector<16xi32>, vector<16xi32>], vector<16xf32>,
      tpu.vector_store_idx %arg18[%add3A_311, %broadcast_in_dim3A_308], %gather3A_312 : memref<64x128xf32, #tpu.memory_space<vmem>>[vector<16xi32>, vector<16xi32>], vector<16xf32>,
      %add3A_313 = arith.constant 16 : i32
      %add3A_314 = vector.broadcast %add3A_313 : i32 to vector<16xi32>
      %add3A_315 = arith.addi %add3A_314, %iota3A : vector<16xi32>
      %gather3A_316 = tpu.vector_load_idx %arg12[%add3A_315, %broadcast_in_dim3A_307] : memref<64x128xf32, #tpu.memory_space<vmem>>[vector<16xi32>, vector<16xi32>], vector<16xf32>,
      tpu.vector_store_idx %arg18[%add3A_315, %broadcast_in_dim3A_308], %gather3A_316 : memref<64x128xf32, #tpu.memory_space<vmem>>[vector<16xi32>, vector<16xi32>], vector<16xf32>,
      %add3A_317 = arith.constant 32 : i32
      %add3A_318 = vector.broadcast %add3A_317 : i32 to vector<16xi32>
      %add3A_319 = arith.addi %add3A_318, %iota3A : vector<16xi32>
      %gather3A_320 = tpu.vector_load_idx %arg12[%add3A_319, %broadcast_in_dim3A_307] : memref<64x128xf32, #tpu.memory_space<vmem>>[vector<16xi32>, vector<16xi32>], vector<16xf32>,
      tpu.vector_store_idx %arg18[%add3A_319, %broadcast_in_dim3A_308], %gather3A_320 : memref<64x128xf32, #tpu.memory_space<vmem>>[vector<16xi32>, vector<16xi32>], vector<16xf32>,
      %add3A_321 = arith.constant 48 : i32
      %add3A_322 = vector.broadcast %add3A_321 : i32 to vector<16xi32>
      %add3A_323 = arith.addi %add3A_322, %iota3A : vector<16xi32>
      %gather3A_324 = tpu.vector_load_idx %arg12[%add3A_323, %broadcast_in_dim3A_307] : memref<64x128xf32, #tpu.memory_space<vmem>>[vector<16xi32>, vector<16xi32>], vector<16xf32>,
      tpu.vector_store_idx %arg18[%add3A_323, %broadcast_in_dim3A_308], %gather3A_324 : memref<64x128xf32, #tpu.memory_space<vmem>>[vector<16xi32>, vector<16xi32>], vector<16xf32>,
      %slice3A_325 = vector.extract_strided_slice %get3A_117 {offsets = [6], sizes = [1], strides = [1]} : vector<16xi32> to vector<1xi32>
      %squeeze3A_326 = vector.extract %slice3A_325[0] : i32 from vector<1xi32>
      %shift_right_arithmetic3A_327 = arith.constant 7 : i32
      %shift_right_arithmetic3A_328 = arith.shrsi %squeeze3A_326, %shift_right_arithmetic3A_327 : i32
      %mul3A_329 = arith.constant 128 : i32
      %mul3A_330 = arith.muli %shift_right_arithmetic3A_328, %mul3A_329 : i32
      %multiple_of3A_331 = tpu.assume_multiple %mul3A_330, 128 : i32
      %dma_start3A_332 = arith.constant 0 : i32
      %dma_start3A_333 = tpu.memref_slice %arg4[%dma_start3A_332, %multiple_of3A_331] : memref<64x1000000xf32, #tpu.memory_space<hbm>> -> memref<64x128xf32, #tpu.memory_space<hbm>>
      %dma_start3A_334 = arith.constant 0 : i32
      %dma_start3A_335 = tpu.memref_slice %arg4[%dma_start3A_334, %multiple_of3A_331] : memref<64x1000000xf32, #tpu.memory_space<hbm>> -> memref<64x128xf32, #tpu.memory_space<hbm>>
      tpu.enqueue_dma source(%dma_start3A_335 : memref<64x128xf32, #tpu.memory_space<hbm>>) target(%arg12 : memref<64x128xf32, #tpu.memory_space<vmem>>) target_semaphore(%arg20 : memref<!tpu.dma_semaphore, #tpu.memory_space<semaphore_mem>>)
      %dma_wait3A_336 = arith.constant 0 : i32
      %dma_wait3A_337 = arith.constant 0 : i32
      %dma_wait3A_338 = tpu.memref_slice %arg5[%dma_wait3A_336, %dma_wait3A_337] : memref<64x100000xf32, #tpu.memory_space<hbm>> -> memref<64x128xf32, #tpu.memory_space<hbm>>
      %dma_wait3A_339 = arith.constant 0 : i32
      %dma_wait3A_340 = arith.constant 0 : i32
      %dma_wait3A_341 = tpu.memref_slice %arg5[%dma_wait3A_339, %dma_wait3A_340] : memref<64x100000xf32, #tpu.memory_space<hbm>> -> memref<64x128xf32, #tpu.memory_space<hbm>>
      tpu.wait_dma2 semaphore(%arg21 : memref<!tpu.dma_semaphore, #tpu.memory_space<semaphore_mem>>) src(%dma_wait3A_341 : memref<64x128xf32, #tpu.memory_space<hbm>>) dst(%arg16 : memref<64x128xf32, #tpu.memory_space<vmem>>)
      %slice3A_342 = vector.extract_strided_slice %get3A_121 {offsets = [2], sizes = [1], strides = [1]} : vector<16xi32> to vector<1xi32>
      %squeeze3A_343 = vector.extract %slice3A_342[0] : i32 from vector<1xi32>
      %and3A_344 = arith.constant 127 : i32
      %and3A_345 = arith.andi %squeeze3A_343, %and3A_344 : i32
      %broadcast_in_dim3A_346 = vector.broadcast %and3A_345 : i32 to vector<16xi32>
      %broadcast_in_dim3A_347 = vector.broadcast %add3A_296 : i32 to vector<16xi32>
      %add3A_348 = arith.constant 0 : i32
      %add3A_349 = vector.broadcast %add3A_348 : i32 to vector<16xi32>
      %add3A_350 = arith.addi %add3A_349, %iota3A : vector<16xi32>
      %gather3A_351 = tpu.vector_load_idx %arg16[%add3A_350, %broadcast_in_dim3A_346] : memref<64x128xf32, #tpu.memory_space<vmem>>[vector<16xi32>, vector<16xi32>], vector<16xf32>,
      tpu.vector_store_idx %arg19[%add3A_350, %broadcast_in_dim3A_347], %gather3A_351 : memref<64x128xf32, #tpu.memory_space<vmem>>[vector<16xi32>, vector<16xi32>], vector<16xf32>,
      %add3A_352 = arith.constant 16 : i32
      %add3A_353 = vector.broadcast %add3A_352 : i32 to vector<16xi32>
      %add3A_354 = arith.addi %add3A_353, %iota3A : vector<16xi32>
      %gather3A_355 = tpu.vector_load_idx %arg16[%add3A_354, %broadcast_in_dim3A_346] : memref<64x128xf32, #tpu.memory_space<vmem>>[vector<16xi32>, vector<16xi32>], vector<16xf32>,
      tpu.vector_store_idx %arg19[%add3A_354, %broadcast_in_dim3A_347], %gather3A_355 : memref<64x128xf32, #tpu.memory_space<vmem>>[vector<16xi32>, vector<16xi32>], vector<16xf32>,
      %add3A_356 = arith.constant 32 : i32
      %add3A_357 = vector.broadcast %add3A_356 : i32 to vector<16xi32>
      %add3A_358 = arith.addi %add3A_357, %iota3A : vector<16xi32>
      %gather3A_359 = tpu.vector_load_idx %arg16[%add3A_358, %broadcast_in_dim3A_346] : memref<64x128xf32, #tpu.memory_space<vmem>>[vector<16xi32>, vector<16xi32>], vector<16xf32>,
      tpu.vector_store_idx %arg19[%add3A_358, %broadcast_in_dim3A_347], %gather3A_359 : memref<64x128xf32, #tpu.memory_space<vmem>>[vector<16xi32>, vector<16xi32>], vector<16xf32>,
      %add3A_360 = arith.constant 48 : i32
      %add3A_361 = vector.broadcast %add3A_360 : i32 to vector<16xi32>
      %add3A_362 = arith.addi %add3A_361, %iota3A : vector<16xi32>
      %gather3A_363 = tpu.vector_load_idx %arg16[%add3A_362, %broadcast_in_dim3A_346] : memref<64x128xf32, #tpu.memory_space<vmem>>[vector<16xi32>, vector<16xi32>], vector<16xf32>,
      tpu.vector_store_idx %arg19[%add3A_362, %broadcast_in_dim3A_347], %gather3A_363 : memref<64x128xf32, #tpu.memory_space<vmem>>[vector<16xi32>, vector<16xi32>], vector<16xf32>,
      %slice3A_364 = vector.extract_strided_slice %get3A_121 {offsets = [6], sizes = [1], strides = [1]} : vector<16xi32> to vector<1xi32>
      %squeeze3A_365 = vector.extract %slice3A_364[0] : i32 from vector<1xi32>
      %shift_right_arithmetic3A_366 = arith.constant 7 : i32
      %shift_right_arithmetic3A_367 = arith.shrsi %squeeze3A_365, %shift_right_arithmetic3A_366 : i32
      %mul3A_368 = arith.constant 128 : i32
      %mul3A_369 = arith.muli %shift_right_arithmetic3A_367, %mul3A_368 : i32
      %multiple_of3A_370 = tpu.assume_multiple %mul3A_369, 128 : i32
      %dma_start3A_371 = arith.constant 0 : i32
      %dma_start3A_372 = tpu.memref_slice %arg5[%dma_start3A_371, %multiple_of3A_370] : memref<64x100000xf32, #tpu.memory_space<hbm>> -> memref<64x128xf32, #tpu.memory_space<hbm>>
      %dma_start3A_373 = arith.constant 0 : i32
      %dma_start3A_374 = tpu.memref_slice %arg5[%dma_start3A_373, %multiple_of3A_370] : memref<64x100000xf32, #tpu.memory_space<hbm>> -> memref<64x128xf32, #tpu.memory_space<hbm>>
      tpu.enqueue_dma source(%dma_start3A_374 : memref<64x128xf32, #tpu.memory_space<hbm>>) target(%arg16 : memref<64x128xf32, #tpu.memory_space<vmem>>) target_semaphore(%arg21 : memref<!tpu.dma_semaphore, #tpu.memory_space<semaphore_mem>>)
      %mul3A_375 = arith.constant 16 : i32
      %mul3A_376 = arith.muli %add3A_113, %mul3A_375 : i32
      %add3A_377 = arith.constant 3 : i32
      %add3A_378 = arith.addi %mul3A_376, %add3A_377 : i32
      %dma_wait3A_379 = arith.constant 0 : i32
      %dma_wait3A_380 = arith.constant 0 : i32
      %dma_wait3A_381 = tpu.memref_slice %arg4[%dma_wait3A_379, %dma_wait3A_380] : memref<64x1000000xf32, #tpu.memory_space<hbm>> -> memref<64x128xf32, #tpu.memory_space<hbm>>
      %dma_wait3A_382 = arith.constant 0 : i32
      %dma_wait3A_383 = arith.constant 0 : i32
      %dma_wait3A_384 = tpu.memref_slice %arg4[%dma_wait3A_382, %dma_wait3A_383] : memref<64x1000000xf32, #tpu.memory_space<hbm>> -> memref<64x128xf32, #tpu.memory_space<hbm>>
      tpu.wait_dma2 semaphore(%arg20 : memref<!tpu.dma_semaphore, #tpu.memory_space<semaphore_mem>>) src(%dma_wait3A_384 : memref<64x128xf32, #tpu.memory_space<hbm>>) dst(%arg13 : memref<64x128xf32, #tpu.memory_space<vmem>>)
      %slice3A_385 = vector.extract_strided_slice %get3A_117 {offsets = [3], sizes = [1], strides = [1]} : vector<16xi32> to vector<1xi32>
      %squeeze3A_386 = vector.extract %slice3A_385[0] : i32 from vector<1xi32>
      %and3A_387 = arith.constant 127 : i32
      %and3A_388 = arith.andi %squeeze3A_386, %and3A_387 : i32
      %broadcast_in_dim3A_389 = vector.broadcast %and3A_388 : i32 to vector<16xi32>
      %broadcast_in_dim3A_390 = vector.broadcast %add3A_378 : i32 to vector<16xi32>
      %add3A_391 = arith.constant 0 : i32
      %add3A_392 = vector.broadcast %add3A_391 : i32 to vector<16xi32>
      %add3A_393 = arith.addi %add3A_392, %iota3A : vector<16xi32>
      %gather3A_394 = tpu.vector_load_idx %arg13[%add3A_393, %broadcast_in_dim3A_389] : memref<64x128xf32, #tpu.memory_space<vmem>>[vector<16xi32>, vector<16xi32>], vector<16xf32>,
      tpu.vector_store_idx %arg18[%add3A_393, %broadcast_in_dim3A_390], %gather3A_394 : memref<64x128xf32, #tpu.memory_space<vmem>>[vector<16xi32>, vector<16xi32>], vector<16xf32>,
      %add3A_395 = arith.constant 16 : i32
      %add3A_396 = vector.broadcast %add3A_395 : i32 to vector<16xi32>
      %add3A_397 = arith.addi %add3A_396, %iota3A : vector<16xi32>
      %gather3A_398 = tpu.vector_load_idx %arg13[%add3A_397, %broadcast_in_dim3A_389] : memref<64x128xf32, #tpu.memory_space<vmem>>[vector<16xi32>, vector<16xi32>], vector<16xf32>,
      tpu.vector_store_idx %arg18[%add3A_397, %broadcast_in_dim3A_390], %gather3A_398 : memref<64x128xf32, #tpu.memory_space<vmem>>[vector<16xi32>, vector<16xi32>], vector<16xf32>,
      %add3A_399 = arith.constant 32 : i32
      %add3A_400 = vector.broadcast %add3A_399 : i32 to vector<16xi32>
      %add3A_401 = arith.addi %add3A_400, %iota3A : vector<16xi32>
      %gather3A_402 = tpu.vector_load_idx %arg13[%add3A_401, %broadcast_in_dim3A_389] : memref<64x128xf32, #tpu.memory_space<vmem>>[vector<16xi32>, vector<16xi32>], vector<16xf32>,
      tpu.vector_store_idx %arg18[%add3A_401, %broadcast_in_dim3A_390], %gather3A_402 : memref<64x128xf32, #tpu.memory_space<vmem>>[vector<16xi32>, vector<16xi32>], vector<16xf32>,
      %add3A_403 = arith.constant 48 : i32
      %add3A_404 = vector.broadcast %add3A_403 : i32 to vector<16xi32>
      %add3A_405 = arith.addi %add3A_404, %iota3A : vector<16xi32>
      %gather3A_406 = tpu.vector_load_idx %arg13[%add3A_405, %broadcast_in_dim3A_389] : memref<64x128xf32, #tpu.memory_space<vmem>>[vector<16xi32>, vector<16xi32>], vector<16xf32>,
      tpu.vector_store_idx %arg18[%add3A_405, %broadcast_in_dim3A_390], %gather3A_406 : memref<64x128xf32, #tpu.memory_space<vmem>>[vector<16xi32>, vector<16xi32>], vector<16xf32>,
      %slice3A_407 = vector.extract_strided_slice %get3A_117 {offsets = [7], sizes = [1], strides = [1]} : vector<16xi32> to vector<1xi32>
      %squeeze3A_408 = vector.extract %slice3A_407[0] : i32 from vector<1xi32>
      %shift_right_arithmetic3A_409 = arith.constant 7 : i32
      %shift_right_arithmetic3A_410 = arith.shrsi %squeeze3A_408, %shift_right_arithmetic3A_409 : i32
      %mul3A_411 = arith.constant 128 : i32
      %mul3A_412 = arith.muli %shift_right_arithmetic3A_410, %mul3A_411 : i32
      %multiple_of3A_413 = tpu.assume_multiple %mul3A_412, 128 : i32
      %dma_start3A_414 = arith.constant 0 : i32
      %dma_start3A_415 = tpu.memref_slice %arg4[%dma_start3A_414, %multiple_of3A_413] : memref<64x1000000xf32, #tpu.memory_space<hbm>> -> memref<64x128xf32, #tpu.memory_space<hbm>>
      %dma_start3A_416 = arith.constant 0 : i32
      %dma_start3A_417 = tpu.memref_slice %arg4[%dma_start3A_416, %multiple_of3A_413] : memref<64x1000000xf32, #tpu.memory_space<hbm>> -> memref<64x128xf32, #tpu.memory_space<hbm>>
      tpu.enqueue_dma source(%dma_start3A_417 : memref<64x128xf32, #tpu.memory_space<hbm>>) target(%arg13 : memref<64x128xf32, #tpu.memory_space<vmem>>) target_semaphore(%arg20 : memref<!tpu.dma_semaphore, #tpu.memory_space<semaphore_mem>>)
      %dma_wait3A_418 = arith.constant 0 : i32
      %dma_wait3A_419 = arith.constant 0 : i32
      %dma_wait3A_420 = tpu.memref_slice %arg5[%dma_wait3A_418, %dma_wait3A_419] : memref<64x100000xf32, #tpu.memory_space<hbm>> -> memref<64x128xf32, #tpu.memory_space<hbm>>
      %dma_wait3A_421 = arith.constant 0 : i32
      %dma_wait3A_422 = arith.constant 0 : i32
      %dma_wait3A_423 = tpu.memref_slice %arg5[%dma_wait3A_421, %dma_wait3A_422] : memref<64x100000xf32, #tpu.memory_space<hbm>> -> memref<64x128xf32, #tpu.memory_space<hbm>>
      tpu.wait_dma2 semaphore(%arg21 : memref<!tpu.dma_semaphore, #tpu.memory_space<semaphore_mem>>) src(%dma_wait3A_423 : memref<64x128xf32, #tpu.memory_space<hbm>>) dst(%arg17 : memref<64x128xf32, #tpu.memory_space<vmem>>)
      %slice3A_424 = vector.extract_strided_slice %get3A_121 {offsets = [3], sizes = [1], strides = [1]} : vector<16xi32> to vector<1xi32>
      %squeeze3A_425 = vector.extract %slice3A_424[0] : i32 from vector<1xi32>
      %and3A_426 = arith.constant 127 : i32
      %and3A_427 = arith.andi %squeeze3A_425, %and3A_426 : i32
      %broadcast_in_dim3A_428 = vector.broadcast %and3A_427 : i32 to vector<16xi32>
      %broadcast_in_dim3A_429 = vector.broadcast %add3A_378 : i32 to vector<16xi32>
      %add3A_430 = arith.constant 0 : i32
      %add3A_431 = vector.broadcast %add3A_430 : i32 to vector<16xi32>
      %add3A_432 = arith.addi %add3A_431, %iota3A : vector<16xi32>
      %gather3A_433 = tpu.vector_load_idx %arg17[%add3A_432, %broadcast_in_dim3A_428] : memref<64x128xf32, #tpu.memory_space<vmem>>[vector<16xi32>, vector<16xi32>], vector<16xf32>,
      tpu.vector_store_idx %arg19[%add3A_432, %broadcast_in_dim3A_429], %gather3A_433 : memref<64x128xf32, #tpu.memory_space<vmem>>[vector<16xi32>, vector<16xi32>], vector<16xf32>,
      %add3A_434 = arith.constant 16 : i32
      %add3A_435 = vector.broadcast %add3A_434 : i32 to vector<16xi32>
      %add3A_436 = arith.addi %add3A_435, %iota3A : vector<16xi32>
      %gather3A_437 = tpu.vector_load_idx %arg17[%add3A_436, %broadcast_in_dim3A_428] : memref<64x128xf32, #tpu.memory_space<vmem>>[vector<16xi32>, vector<16xi32>], vector<16xf32>,
      tpu.vector_store_idx %arg19[%add3A_436, %broadcast_in_dim3A_429], %gather3A_437 : memref<64x128xf32, #tpu.memory_space<vmem>>[vector<16xi32>, vector<16xi32>], vector<16xf32>,
      %add3A_438 = arith.constant 32 : i32
      %add3A_439 = vector.broadcast %add3A_438 : i32 to vector<16xi32>
      %add3A_440 = arith.addi %add3A_439, %iota3A : vector<16xi32>
      %gather3A_441 = tpu.vector_load_idx %arg17[%add3A_440, %broadcast_in_dim3A_428] : memref<64x128xf32, #tpu.memory_space<vmem>>[vector<16xi32>, vector<16xi32>], vector<16xf32>,
      tpu.vector_store_idx %arg19[%add3A_440, %broadcast_in_dim3A_429], %gather3A_441 : memref<64x128xf32, #tpu.memory_space<vmem>>[vector<16xi32>, vector<16xi32>], vector<16xf32>,
      %add3A_442 = arith.constant 48 : i32
      %add3A_443 = vector.broadcast %add3A_442 : i32 to vector<16xi32>
      %add3A_444 = arith.addi %add3A_443, %iota3A : vector<16xi32>
      %gather3A_445 = tpu.vector_load_idx %arg17[%add3A_444, %broadcast_in_dim3A_428] : memref<64x128xf32, #tpu.memory_space<vmem>>[vector<16xi32>, vector<16xi32>], vector<16xf32>,
      tpu.vector_store_idx %arg19[%add3A_444, %broadcast_in_dim3A_429], %gather3A_445 : memref<64x128xf32, #tpu.memory_space<vmem>>[vector<16xi32>, vector<16xi32>], vector<16xf32>,
      %slice3A_446 = vector.extract_strided_slice %get3A_121 {offsets = [7], sizes = [1], strides = [1]} : vector<16xi32> to vector<1xi32>
      %squeeze3A_447 = vector.extract %slice3A_446[0] : i32 from vector<1xi32>
      %shift_right_arithmetic3A_448 = arith.constant 7 : i32
      %shift_right_arithmetic3A_449 = arith.shrsi %squeeze3A_447, %shift_right_arithmetic3A_448 : i32
      %mul3A_450 = arith.constant 128 : i32
      %mul3A_451 = arith.muli %shift_right_arithmetic3A_449, %mul3A_450 : i32
      %multiple_of3A_452 = tpu.assume_multiple %mul3A_451, 128 : i32
      %dma_start3A_453 = arith.constant 0 : i32
      %dma_start3A_454 = tpu.memref_slice %arg5[%dma_start3A_453, %multiple_of3A_452] : memref<64x100000xf32, #tpu.memory_space<hbm>> -> memref<64x128xf32, #tpu.memory_space<hbm>>
      %dma_start3A_455 = arith.constant 0 : i32
      %dma_start3A_456 = tpu.memref_slice %arg5[%dma_start3A_455, %multiple_of3A_452] : memref<64x100000xf32, #tpu.memory_space<hbm>> -> memref<64x128xf32, #tpu.memory_space<hbm>>
      tpu.enqueue_dma source(%dma_start3A_456 : memref<64x128xf32, #tpu.memory_space<hbm>>) target(%arg17 : memref<64x128xf32, #tpu.memory_space<vmem>>) target_semaphore(%arg21 : memref<!tpu.dma_semaphore, #tpu.memory_space<semaphore_mem>>)
      %mul3A_457 = arith.constant 16 : i32
      %mul3A_458 = arith.muli %add3A_113, %mul3A_457 : i32
      %add3A_459 = arith.constant 4 : i32
      %add3A_460 = arith.addi %mul3A_458, %add3A_459 : i32
      %dma_wait3A_461 = arith.constant 0 : i32
      %dma_wait3A_462 = arith.constant 0 : i32
      %dma_wait3A_463 = tpu.memref_slice %arg4[%dma_wait3A_461, %dma_wait3A_462] : memref<64x1000000xf32, #tpu.memory_space<hbm>> -> memref<64x128xf32, #tpu.memory_space<hbm>>
      %dma_wait3A_464 = arith.constant 0 : i32
      %dma_wait3A_465 = arith.constant 0 : i32
      %dma_wait3A_466 = tpu.memref_slice %arg4[%dma_wait3A_464, %dma_wait3A_465] : memref<64x1000000xf32, #tpu.memory_space<hbm>> -> memref<64x128xf32, #tpu.memory_space<hbm>>
      tpu.wait_dma2 semaphore(%arg20 : memref<!tpu.dma_semaphore, #tpu.memory_space<semaphore_mem>>) src(%dma_wait3A_466 : memref<64x128xf32, #tpu.memory_space<hbm>>) dst(%arg10 : memref<64x128xf32, #tpu.memory_space<vmem>>)
      %slice3A_467 = vector.extract_strided_slice %get3A_117 {offsets = [4], sizes = [1], strides = [1]} : vector<16xi32> to vector<1xi32>
      %squeeze3A_468 = vector.extract %slice3A_467[0] : i32 from vector<1xi32>
      %and3A_469 = arith.constant 127 : i32
      %and3A_470 = arith.andi %squeeze3A_468, %and3A_469 : i32
      %broadcast_in_dim3A_471 = vector.broadcast %and3A_470 : i32 to vector<16xi32>
      %broadcast_in_dim3A_472 = vector.broadcast %add3A_460 : i32 to vector<16xi32>
      %add3A_473 = arith.constant 0 : i32
      %add3A_474 = vector.broadcast %add3A_473 : i32 to vector<16xi32>
      %add3A_475 = arith.addi %add3A_474, %iota3A : vector<16xi32>
      %gather3A_476 = tpu.vector_load_idx %arg10[%add3A_475, %broadcast_in_dim3A_471] : memref<64x128xf32, #tpu.memory_space<vmem>>[vector<16xi32>, vector<16xi32>], vector<16xf32>,
      tpu.vector_store_idx %arg18[%add3A_475, %broadcast_in_dim3A_472], %gather3A_476 : memref<64x128xf32, #tpu.memory_space<vmem>>[vector<16xi32>, vector<16xi32>], vector<16xf32>,
      %add3A_477 = arith.constant 16 : i32
      %add3A_478 = vector.broadcast %add3A_477 : i32 to vector<16xi32>
      %add3A_479 = arith.addi %add3A_478, %iota3A : vector<16xi32>
      %gather3A_480 = tpu.vector_load_idx %arg10[%add3A_479, %broadcast_in_dim3A_471] : memref<64x128xf32, #tpu.memory_space<vmem>>[vector<16xi32>, vector<16xi32>], vector<16xf32>,
      tpu.vector_store_idx %arg18[%add3A_479, %broadcast_in_dim3A_472], %gather3A_480 : memref<64x128xf32, #tpu.memory_space<vmem>>[vector<16xi32>, vector<16xi32>], vector<16xf32>,
      %add3A_481 = arith.constant 32 : i32
      %add3A_482 = vector.broadcast %add3A_481 : i32 to vector<16xi32>
      %add3A_483 = arith.addi %add3A_482, %iota3A : vector<16xi32>
      %gather3A_484 = tpu.vector_load_idx %arg10[%add3A_483, %broadcast_in_dim3A_471] : memref<64x128xf32, #tpu.memory_space<vmem>>[vector<16xi32>, vector<16xi32>], vector<16xf32>,
      tpu.vector_store_idx %arg18[%add3A_483, %broadcast_in_dim3A_472], %gather3A_484 : memref<64x128xf32, #tpu.memory_space<vmem>>[vector<16xi32>, vector<16xi32>], vector<16xf32>,
      %add3A_485 = arith.constant 48 : i32
      %add3A_486 = vector.broadcast %add3A_485 : i32 to vector<16xi32>
      %add3A_487 = arith.addi %add3A_486, %iota3A : vector<16xi32>
      %gather3A_488 = tpu.vector_load_idx %arg10[%add3A_487, %broadcast_in_dim3A_471] : memref<64x128xf32, #tpu.memory_space<vmem>>[vector<16xi32>, vector<16xi32>], vector<16xf32>,
      tpu.vector_store_idx %arg18[%add3A_487, %broadcast_in_dim3A_472], %gather3A_488 : memref<64x128xf32, #tpu.memory_space<vmem>>[vector<16xi32>, vector<16xi32>], vector<16xf32>,
      %slice3A_489 = vector.extract_strided_slice %get3A_117 {offsets = [8], sizes = [1], strides = [1]} : vector<16xi32> to vector<1xi32>
      %squeeze3A_490 = vector.extract %slice3A_489[0] : i32 from vector<1xi32>
      %shift_right_arithmetic3A_491 = arith.constant 7 : i32
      %shift_right_arithmetic3A_492 = arith.shrsi %squeeze3A_490, %shift_right_arithmetic3A_491 : i32
      %mul3A_493 = arith.constant 128 : i32
      %mul3A_494 = arith.muli %shift_right_arithmetic3A_492, %mul3A_493 : i32
      %multiple_of3A_495 = tpu.assume_multiple %mul3A_494, 128 : i32
      %dma_start3A_496 = arith.constant 0 : i32
      %dma_start3A_497 = tpu.memref_slice %arg4[%dma_start3A_496, %multiple_of3A_495] : memref<64x1000000xf32, #tpu.memory_space<hbm>> -> memref<64x128xf32, #tpu.memory_space<hbm>>
      %dma_start3A_498 = arith.constant 0 : i32
      %dma_start3A_499 = tpu.memref_slice %arg4[%dma_start3A_498, %multiple_of3A_495] : memref<64x1000000xf32, #tpu.memory_space<hbm>> -> memref<64x128xf32, #tpu.memory_space<hbm>>
      tpu.enqueue_dma source(%dma_start3A_499 : memref<64x128xf32, #tpu.memory_space<hbm>>) target(%arg10 : memref<64x128xf32, #tpu.memory_space<vmem>>) target_semaphore(%arg20 : memref<!tpu.dma_semaphore, #tpu.memory_space<semaphore_mem>>)
      %dma_wait3A_500 = arith.constant 0 : i32
      %dma_wait3A_501 = arith.constant 0 : i32
      %dma_wait3A_502 = tpu.memref_slice %arg5[%dma_wait3A_500, %dma_wait3A_501] : memref<64x100000xf32, #tpu.memory_space<hbm>> -> memref<64x128xf32, #tpu.memory_space<hbm>>
      %dma_wait3A_503 = arith.constant 0 : i32
      %dma_wait3A_504 = arith.constant 0 : i32
      %dma_wait3A_505 = tpu.memref_slice %arg5[%dma_wait3A_503, %dma_wait3A_504] : memref<64x100000xf32, #tpu.memory_space<hbm>> -> memref<64x128xf32, #tpu.memory_space<hbm>>
      tpu.wait_dma2 semaphore(%arg21 : memref<!tpu.dma_semaphore, #tpu.memory_space<semaphore_mem>>) src(%dma_wait3A_505 : memref<64x128xf32, #tpu.memory_space<hbm>>) dst(%arg14 : memref<64x128xf32, #tpu.memory_space<vmem>>)
      %slice3A_506 = vector.extract_strided_slice %get3A_121 {offsets = [4], sizes = [1], strides = [1]} : vector<16xi32> to vector<1xi32>
      %squeeze3A_507 = vector.extract %slice3A_506[0] : i32 from vector<1xi32>
      %and3A_508 = arith.constant 127 : i32
      %and3A_509 = arith.andi %squeeze3A_507, %and3A_508 : i32
      %broadcast_in_dim3A_510 = vector.broadcast %and3A_509 : i32 to vector<16xi32>
      %broadcast_in_dim3A_511 = vector.broadcast %add3A_460 : i32 to vector<16xi32>
      %add3A_512 = arith.constant 0 : i32
      %add3A_513 = vector.broadcast %add3A_512 : i32 to vector<16xi32>
      %add3A_514 = arith.addi %add3A_513, %iota3A : vector<16xi32>
      %gather3A_515 = tpu.vector_load_idx %arg14[%add3A_514, %broadcast_in_dim3A_510] : memref<64x128xf32, #tpu.memory_space<vmem>>[vector<16xi32>, vector<16xi32>], vector<16xf32>,
      tpu.vector_store_idx %arg19[%add3A_514, %broadcast_in_dim3A_511], %gather3A_515 : memref<64x128xf32, #tpu.memory_space<vmem>>[vector<16xi32>, vector<16xi32>], vector<16xf32>,
      %add3A_516 = arith.constant 16 : i32
      %add3A_517 = vector.broadcast %add3A_516 : i32 to vector<16xi32>
      %add3A_518 = arith.addi %add3A_517, %iota3A : vector<16xi32>
      %gather3A_519 = tpu.vector_load_idx %arg14[%add3A_518, %broadcast_in_dim3A_510] : memref<64x128xf32, #tpu.memory_space<vmem>>[vector<16xi32>, vector<16xi32>], vector<16xf32>,
      tpu.vector_store_idx %arg19[%add3A_518, %broadcast_in_dim3A_511], %gather3A_519 : memref<64x128xf32, #tpu.memory_space<vmem>>[vector<16xi32>, vector<16xi32>], vector<16xf32>,
      %add3A_520 = arith.constant 32 : i32
      %add3A_521 = vector.broadcast %add3A_520 : i32 to vector<16xi32>
      %add3A_522 = arith.addi %add3A_521, %iota3A : vector<16xi32>
      %gather3A_523 = tpu.vector_load_idx %arg14[%add3A_522, %broadcast_in_dim3A_510] : memref<64x128xf32, #tpu.memory_space<vmem>>[vector<16xi32>, vector<16xi32>], vector<16xf32>,
      tpu.vector_store_idx %arg19[%add3A_522, %broadcast_in_dim3A_511], %gather3A_523 : memref<64x128xf32, #tpu.memory_space<vmem>>[vector<16xi32>, vector<16xi32>], vector<16xf32>,
      %add3A_524 = arith.constant 48 : i32
      %add3A_525 = vector.broadcast %add3A_524 : i32 to vector<16xi32>
      %add3A_526 = arith.addi %add3A_525, %iota3A : vector<16xi32>
      %gather3A_527 = tpu.vector_load_idx %arg14[%add3A_526, %broadcast_in_dim3A_510] : memref<64x128xf32, #tpu.memory_space<vmem>>[vector<16xi32>, vector<16xi32>], vector<16xf32>,
      tpu.vector_store_idx %arg19[%add3A_526, %broadcast_in_dim3A_511], %gather3A_527 : memref<64x128xf32, #tpu.memory_space<vmem>>[vector<16xi32>, vector<16xi32>], vector<16xf32>,
      %slice3A_528 = vector.extract_strided_slice %get3A_121 {offsets = [8], sizes = [1], strides = [1]} : vector<16xi32> to vector<1xi32>
      %squeeze3A_529 = vector.extract %slice3A_528[0] : i32 from vector<1xi32>
      %shift_right_arithmetic3A_530 = arith.constant 7 : i32
      %shift_right_arithmetic3A_531 = arith.shrsi %squeeze3A_529, %shift_right_arithmetic3A_530 : i32
      %mul3A_532 = arith.constant 128 : i32
      %mul3A_533 = arith.muli %shift_right_arithmetic3A_531, %mul3A_532 : i32
      %multiple_of3A_534 = tpu.assume_multiple %mul3A_533, 128 : i32
      %dma_start3A_535 = arith.constant 0 : i32
      %dma_start3A_536 = tpu.memref_slice %arg5[%dma_start3A_535, %multiple_of3A_534] : memref<64x100000xf32, #tpu.memory_space<hbm>> -> memref<64x128xf32, #tpu.memory_space<hbm>>
      %dma_start3A_537 = arith.constant 0 : i32
      %dma_start3A_538 = tpu.memref_slice %arg5[%dma_start3A_537, %multiple_of3A_534] : memref<64x100000xf32, #tpu.memory_space<hbm>> -> memref<64x128xf32, #tpu.memory_space<hbm>>
      tpu.enqueue_dma source(%dma_start3A_538 : memref<64x128xf32, #tpu.memory_space<hbm>>) target(%arg14 : memref<64x128xf32, #tpu.memory_space<vmem>>) target_semaphore(%arg21 : memref<!tpu.dma_semaphore, #tpu.memory_space<semaphore_mem>>)
      %mul3A_539 = arith.constant 16 : i32
      %mul3A_540 = arith.muli %add3A_113, %mul3A_539 : i32
      %add3A_541 = arith.constant 5 : i32
      %add3A_542 = arith.addi %mul3A_540, %add3A_541 : i32
      %dma_wait3A_543 = arith.constant 0 : i32
      %dma_wait3A_544 = arith.constant 0 : i32
      %dma_wait3A_545 = tpu.memref_slice %arg4[%dma_wait3A_543, %dma_wait3A_544] : memref<64x1000000xf32, #tpu.memory_space<hbm>> -> memref<64x128xf32, #tpu.memory_space<hbm>>
      %dma_wait3A_546 = arith.constant 0 : i32
      %dma_wait3A_547 = arith.constant 0 : i32
      %dma_wait3A_548 = tpu.memref_slice %arg4[%dma_wait3A_546, %dma_wait3A_547] : memref<64x1000000xf32, #tpu.memory_space<hbm>> -> memref<64x128xf32, #tpu.memory_space<hbm>>
      tpu.wait_dma2 semaphore(%arg20 : memref<!tpu.dma_semaphore, #tpu.memory_space<semaphore_mem>>) src(%dma_wait3A_548 : memref<64x128xf32, #tpu.memory_space<hbm>>) dst(%arg11 : memref<64x128xf32, #tpu.memory_space<vmem>>)
      %slice3A_549 = vector.extract_strided_slice %get3A_117 {offsets = [5], sizes = [1], strides = [1]} : vector<16xi32> to vector<1xi32>
      %squeeze3A_550 = vector.extract %slice3A_549[0] : i32 from vector<1xi32>
      %and3A_551 = arith.constant 127 : i32
      %and3A_552 = arith.andi %squeeze3A_550, %and3A_551 : i32
      %broadcast_in_dim3A_553 = vector.broadcast %and3A_552 : i32 to vector<16xi32>
      %broadcast_in_dim3A_554 = vector.broadcast %add3A_542 : i32 to vector<16xi32>
      %add3A_555 = arith.constant 0 : i32
      %add3A_556 = vector.broadcast %add3A_555 : i32 to vector<16xi32>
      %add3A_557 = arith.addi %add3A_556, %iota3A : vector<16xi32>
      %gather3A_558 = tpu.vector_load_idx %arg11[%add3A_557, %broadcast_in_dim3A_553] : memref<64x128xf32, #tpu.memory_space<vmem>>[vector<16xi32>, vector<16xi32>], vector<16xf32>,
      tpu.vector_store_idx %arg18[%add3A_557, %broadcast_in_dim3A_554], %gather3A_558 : memref<64x128xf32, #tpu.memory_space<vmem>>[vector<16xi32>, vector<16xi32>], vector<16xf32>,
      %add3A_559 = arith.constant 16 : i32
      %add3A_560 = vector.broadcast %add3A_559 : i32 to vector<16xi32>
      %add3A_561 = arith.addi %add3A_560, %iota3A : vector<16xi32>
      %gather3A_562 = tpu.vector_load_idx %arg11[%add3A_561, %broadcast_in_dim3A_553] : memref<64x128xf32, #tpu.memory_space<vmem>>[vector<16xi32>, vector<16xi32>], vector<16xf32>,
      tpu.vector_store_idx %arg18[%add3A_561, %broadcast_in_dim3A_554], %gather3A_562 : memref<64x128xf32, #tpu.memory_space<vmem>>[vector<16xi32>, vector<16xi32>], vector<16xf32>,
      %add3A_563 = arith.constant 32 : i32
      %add3A_564 = vector.broadcast %add3A_563 : i32 to vector<16xi32>
      %add3A_565 = arith.addi %add3A_564, %iota3A : vector<16xi32>
      %gather3A_566 = tpu.vector_load_idx %arg11[%add3A_565, %broadcast_in_dim3A_553] : memref<64x128xf32, #tpu.memory_space<vmem>>[vector<16xi32>, vector<16xi32>], vector<16xf32>,
      tpu.vector_store_idx %arg18[%add3A_565, %broadcast_in_dim3A_554], %gather3A_566 : memref<64x128xf32, #tpu.memory_space<vmem>>[vector<16xi32>, vector<16xi32>], vector<16xf32>,
      %add3A_567 = arith.constant 48 : i32
      %add3A_568 = vector.broadcast %add3A_567 : i32 to vector<16xi32>
      %add3A_569 = arith.addi %add3A_568, %iota3A : vector<16xi32>
      %gather3A_570 = tpu.vector_load_idx %arg11[%add3A_569, %broadcast_in_dim3A_553] : memref<64x128xf32, #tpu.memory_space<vmem>>[vector<16xi32>, vector<16xi32>], vector<16xf32>,
      tpu.vector_store_idx %arg18[%add3A_569, %broadcast_in_dim3A_554], %gather3A_570 : memref<64x128xf32, #tpu.memory_space<vmem>>[vector<16xi32>, vector<16xi32>], vector<16xf32>,
      %slice3A_571 = vector.extract_strided_slice %get3A_117 {offsets = [9], sizes = [1], strides = [1]} : vector<16xi32> to vector<1xi32>
      %squeeze3A_572 = vector.extract %slice3A_571[0] : i32 from vector<1xi32>
      %shift_right_arithmetic3A_573 = arith.constant 7 : i32
      %shift_right_arithmetic3A_574 = arith.shrsi %squeeze3A_572, %shift_right_arithmetic3A_573 : i32
      %mul3A_575 = arith.constant 128 : i32
      %mul3A_576 = arith.muli %shift_right_arithmetic3A_574, %mul3A_575 : i32
      %multiple_of3A_577 = tpu.assume_multiple %mul3A_576, 128 : i32
      %dma_start3A_578 = arith.constant 0 : i32
      %dma_start3A_579 = tpu.memref_slice %arg4[%dma_start3A_578, %multiple_of3A_577] : memref<64x1000000xf32, #tpu.memory_space<hbm>> -> memref<64x128xf32, #tpu.memory_space<hbm>>
      %dma_start3A_580 = arith.constant 0 : i32
      %dma_start3A_581 = tpu.memref_slice %arg4[%dma_start3A_580, %multiple_of3A_577] : memref<64x1000000xf32, #tpu.memory_space<hbm>> -> memref<64x128xf32, #tpu.memory_space<hbm>>
      tpu.enqueue_dma source(%dma_start3A_581 : memref<64x128xf32, #tpu.memory_space<hbm>>) target(%arg11 : memref<64x128xf32, #tpu.memory_space<vmem>>) target_semaphore(%arg20 : memref<!tpu.dma_semaphore, #tpu.memory_space<semaphore_mem>>)
      %dma_wait3A_582 = arith.constant 0 : i32
      %dma_wait3A_583 = arith.constant 0 : i32
      %dma_wait3A_584 = tpu.memref_slice %arg5[%dma_wait3A_582, %dma_wait3A_583] : memref<64x100000xf32, #tpu.memory_space<hbm>> -> memref<64x128xf32, #tpu.memory_space<hbm>>
      %dma_wait3A_585 = arith.constant 0 : i32
      %dma_wait3A_586 = arith.constant 0 : i32
      %dma_wait3A_587 = tpu.memref_slice %arg5[%dma_wait3A_585, %dma_wait3A_586] : memref<64x100000xf32, #tpu.memory_space<hbm>> -> memref<64x128xf32, #tpu.memory_space<hbm>>
      tpu.wait_dma2 semaphore(%arg21 : memref<!tpu.dma_semaphore, #tpu.memory_space<semaphore_mem>>) src(%dma_wait3A_587 : memref<64x128xf32, #tpu.memory_space<hbm>>) dst(%arg15 : memref<64x128xf32, #tpu.memory_space<vmem>>)
      %slice3A_588 = vector.extract_strided_slice %get3A_121 {offsets = [5], sizes = [1], strides = [1]} : vector<16xi32> to vector<1xi32>
      %squeeze3A_589 = vector.extract %slice3A_588[0] : i32 from vector<1xi32>
      %and3A_590 = arith.constant 127 : i32
      %and3A_591 = arith.andi %squeeze3A_589, %and3A_590 : i32
      %broadcast_in_dim3A_592 = vector.broadcast %and3A_591 : i32 to vector<16xi32>
      %broadcast_in_dim3A_593 = vector.broadcast %add3A_542 : i32 to vector<16xi32>
      %add3A_594 = arith.constant 0 : i32
      %add3A_595 = vector.broadcast %add3A_594 : i32 to vector<16xi32>
      %add3A_596 = arith.addi %add3A_595, %iota3A : vector<16xi32>
      %gather3A_597 = tpu.vector_load_idx %arg15[%add3A_596, %broadcast_in_dim3A_592] : memref<64x128xf32, #tpu.memory_space<vmem>>[vector<16xi32>, vector<16xi32>], vector<16xf32>,
      tpu.vector_store_idx %arg19[%add3A_596, %broadcast_in_dim3A_593], %gather3A_597 : memref<64x128xf32, #tpu.memory_space<vmem>>[vector<16xi32>, vector<16xi32>], vector<16xf32>,
      %add3A_598 = arith.constant 16 : i32
      %add3A_599 = vector.broadcast %add3A_598 : i32 to vector<16xi32>
      %add3A_600 = arith.addi %add3A_599, %iota3A : vector<16xi32>
      %gather3A_601 = tpu.vector_load_idx %arg15[%add3A_600, %broadcast_in_dim3A_592] : memref<64x128xf32, #tpu.memory_space<vmem>>[vector<16xi32>, vector<16xi32>], vector<16xf32>,
      tpu.vector_store_idx %arg19[%add3A_600, %broadcast_in_dim3A_593], %gather3A_601 : memref<64x128xf32, #tpu.memory_space<vmem>>[vector<16xi32>, vector<16xi32>], vector<16xf32>,
      %add3A_602 = arith.constant 32 : i32
      %add3A_603 = vector.broadcast %add3A_602 : i32 to vector<16xi32>
      %add3A_604 = arith.addi %add3A_603, %iota3A : vector<16xi32>
      %gather3A_605 = tpu.vector_load_idx %arg15[%add3A_604, %broadcast_in_dim3A_592] : memref<64x128xf32, #tpu.memory_space<vmem>>[vector<16xi32>, vector<16xi32>], vector<16xf32>,
      tpu.vector_store_idx %arg19[%add3A_604, %broadcast_in_dim3A_593], %gather3A_605 : memref<64x128xf32, #tpu.memory_space<vmem>>[vector<16xi32>, vector<16xi32>], vector<16xf32>,
      %add3A_606 = arith.constant 48 : i32
      %add3A_607 = vector.broadcast %add3A_606 : i32 to vector<16xi32>
      %add3A_608 = arith.addi %add3A_607, %iota3A : vector<16xi32>
      %gather3A_609 = tpu.vector_load_idx %arg15[%add3A_608, %broadcast_in_dim3A_592] : memref<64x128xf32, #tpu.memory_space<vmem>>[vector<16xi32>, vector<16xi32>], vector<16xf32>,
      tpu.vector_store_idx %arg19[%add3A_608, %broadcast_in_dim3A_593], %gather3A_609 : memref<64x128xf32, #tpu.memory_space<vmem>>[vector<16xi32>, vector<16xi32>], vector<16xf32>,
      %slice3A_610 = vector.extract_strided_slice %get3A_121 {offsets = [9], sizes = [1], strides = [1]} : vector<16xi32> to vector<1xi32>
      %squeeze3A_611 = vector.extract %slice3A_610[0] : i32 from vector<1xi32>
      %shift_right_arithmetic3A_612 = arith.constant 7 : i32
      %shift_right_arithmetic3A_613 = arith.shrsi %squeeze3A_611, %shift_right_arithmetic3A_612 : i32
      %mul3A_614 = arith.constant 128 : i32
      %mul3A_615 = arith.muli %shift_right_arithmetic3A_613, %mul3A_614 : i32
      %multiple_of3A_616 = tpu.assume_multiple %mul3A_615, 128 : i32
      %dma_start3A_617 = arith.constant 0 : i32
      %dma_start3A_618 = tpu.memref_slice %arg5[%dma_start3A_617, %multiple_of3A_616] : memref<64x100000xf32, #tpu.memory_space<hbm>> -> memref<64x128xf32, #tpu.memory_space<hbm>>
      %dma_start3A_619 = arith.constant 0 : i32
      %dma_start3A_620 = tpu.memref_slice %arg5[%dma_start3A_619, %multiple_of3A_616] : memref<64x100000xf32, #tpu.memory_space<hbm>> -> memref<64x128xf32, #tpu.memory_space<hbm>>
      tpu.enqueue_dma source(%dma_start3A_620 : memref<64x128xf32, #tpu.memory_space<hbm>>) target(%arg15 : memref<64x128xf32, #tpu.memory_space<vmem>>) target_semaphore(%arg21 : memref<!tpu.dma_semaphore, #tpu.memory_space<semaphore_mem>>)
      %mul3A_621 = arith.constant 16 : i32
      %mul3A_622 = arith.muli %add3A_113, %mul3A_621 : i32
      %add3A_623 = arith.constant 6 : i32
      %add3A_624 = arith.addi %mul3A_622, %add3A_623 : i32
      %dma_wait3A_625 = arith.constant 0 : i32
      %dma_wait3A_626 = arith.constant 0 : i32
      %dma_wait3A_627 = tpu.memref_slice %arg4[%dma_wait3A_625, %dma_wait3A_626] : memref<64x1000000xf32, #tpu.memory_space<hbm>> -> memref<64x128xf32, #tpu.memory_space<hbm>>
      %dma_wait3A_628 = arith.constant 0 : i32
      %dma_wait3A_629 = arith.constant 0 : i32
      %dma_wait3A_630 = tpu.memref_slice %arg4[%dma_wait3A_628, %dma_wait3A_629] : memref<64x1000000xf32, #tpu.memory_space<hbm>> -> memref<64x128xf32, #tpu.memory_space<hbm>>
      tpu.wait_dma2 semaphore(%arg20 : memref<!tpu.dma_semaphore, #tpu.memory_space<semaphore_mem>>) src(%dma_wait3A_630 : memref<64x128xf32, #tpu.memory_space<hbm>>) dst(%arg12 : memref<64x128xf32, #tpu.memory_space<vmem>>)
      %slice3A_631 = vector.extract_strided_slice %get3A_117 {offsets = [6], sizes = [1], strides = [1]} : vector<16xi32> to vector<1xi32>
      %squeeze3A_632 = vector.extract %slice3A_631[0] : i32 from vector<1xi32>
      %and3A_633 = arith.constant 127 : i32
      %and3A_634 = arith.andi %squeeze3A_632, %and3A_633 : i32
      %broadcast_in_dim3A_635 = vector.broadcast %and3A_634 : i32 to vector<16xi32>
      %broadcast_in_dim3A_636 = vector.broadcast %add3A_624 : i32 to vector<16xi32>
      %add3A_637 = arith.constant 0 : i32
      %add3A_638 = vector.broadcast %add3A_637 : i32 to vector<16xi32>
      %add3A_639 = arith.addi %add3A_638, %iota3A : vector<16xi32>
      %gather3A_640 = tpu.vector_load_idx %arg12[%add3A_639, %broadcast_in_dim3A_635] : memref<64x128xf32, #tpu.memory_space<vmem>>[vector<16xi32>, vector<16xi32>], vector<16xf32>,
      tpu.vector_store_idx %arg18[%add3A_639, %broadcast_in_dim3A_636], %gather3A_640 : memref<64x128xf32, #tpu.memory_space<vmem>>[vector<16xi32>, vector<16xi32>], vector<16xf32>,
      %add3A_641 = arith.constant 16 : i32
      %add3A_642 = vector.broadcast %add3A_641 : i32 to vector<16xi32>
      %add3A_643 = arith.addi %add3A_642, %iota3A : vector<16xi32>
      %gather3A_644 = tpu.vector_load_idx %arg12[%add3A_643, %broadcast_in_dim3A_635] : memref<64x128xf32, #tpu.memory_space<vmem>>[vector<16xi32>, vector<16xi32>], vector<16xf32>,
      tpu.vector_store_idx %arg18[%add3A_643, %broadcast_in_dim3A_636], %gather3A_644 : memref<64x128xf32, #tpu.memory_space<vmem>>[vector<16xi32>, vector<16xi32>], vector<16xf32>,
      %add3A_645 = arith.constant 32 : i32
      %add3A_646 = vector.broadcast %add3A_645 : i32 to vector<16xi32>
      %add3A_647 = arith.addi %add3A_646, %iota3A : vector<16xi32>
      %gather3A_648 = tpu.vector_load_idx %arg12[%add3A_647, %broadcast_in_dim3A_635] : memref<64x128xf32, #tpu.memory_space<vmem>>[vector<16xi32>, vector<16xi32>], vector<16xf32>,
      tpu.vector_store_idx %arg18[%add3A_647, %broadcast_in_dim3A_636], %gather3A_648 : memref<64x128xf32, #tpu.memory_space<vmem>>[vector<16xi32>, vector<16xi32>], vector<16xf32>,
      %add3A_649 = arith.constant 48 : i32
      %add3A_650 = vector.broadcast %add3A_649 : i32 to vector<16xi32>
      %add3A_651 = arith.addi %add3A_650, %iota3A : vector<16xi32>
      %gather3A_652 = tpu.vector_load_idx %arg12[%add3A_651, %broadcast_in_dim3A_635] : memref<64x128xf32, #tpu.memory_space<vmem>>[vector<16xi32>, vector<16xi32>], vector<16xf32>,
      tpu.vector_store_idx %arg18[%add3A_651, %broadcast_in_dim3A_636], %gather3A_652 : memref<64x128xf32, #tpu.memory_space<vmem>>[vector<16xi32>, vector<16xi32>], vector<16xf32>,
      %slice3A_653 = vector.extract_strided_slice %get3A_117 {offsets = [10], sizes = [1], strides = [1]} : vector<16xi32> to vector<1xi32>
      %squeeze3A_654 = vector.extract %slice3A_653[0] : i32 from vector<1xi32>
      %shift_right_arithmetic3A_655 = arith.constant 7 : i32
      %shift_right_arithmetic3A_656 = arith.shrsi %squeeze3A_654, %shift_right_arithmetic3A_655 : i32
      %mul3A_657 = arith.constant 128 : i32
      %mul3A_658 = arith.muli %shift_right_arithmetic3A_656, %mul3A_657 : i32
      %multiple_of3A_659 = tpu.assume_multiple %mul3A_658, 128 : i32
      %dma_start3A_660 = arith.constant 0 : i32
      %dma_start3A_661 = tpu.memref_slice %arg4[%dma_start3A_660, %multiple_of3A_659] : memref<64x1000000xf32, #tpu.memory_space<hbm>> -> memref<64x128xf32, #tpu.memory_space<hbm>>
      %dma_start3A_662 = arith.constant 0 : i32
      %dma_start3A_663 = tpu.memref_slice %arg4[%dma_start3A_662, %multiple_of3A_659] : memref<64x1000000xf32, #tpu.memory_space<hbm>> -> memref<64x128xf32, #tpu.memory_space<hbm>>
      tpu.enqueue_dma source(%dma_start3A_663 : memref<64x128xf32, #tpu.memory_space<hbm>>) target(%arg12 : memref<64x128xf32, #tpu.memory_space<vmem>>) target_semaphore(%arg20 : memref<!tpu.dma_semaphore, #tpu.memory_space<semaphore_mem>>)
      %dma_wait3A_664 = arith.constant 0 : i32
      %dma_wait3A_665 = arith.constant 0 : i32
      %dma_wait3A_666 = tpu.memref_slice %arg5[%dma_wait3A_664, %dma_wait3A_665] : memref<64x100000xf32, #tpu.memory_space<hbm>> -> memref<64x128xf32, #tpu.memory_space<hbm>>
      %dma_wait3A_667 = arith.constant 0 : i32
      %dma_wait3A_668 = arith.constant 0 : i32
      %dma_wait3A_669 = tpu.memref_slice %arg5[%dma_wait3A_667, %dma_wait3A_668] : memref<64x100000xf32, #tpu.memory_space<hbm>> -> memref<64x128xf32, #tpu.memory_space<hbm>>
      tpu.wait_dma2 semaphore(%arg21 : memref<!tpu.dma_semaphore, #tpu.memory_space<semaphore_mem>>) src(%dma_wait3A_669 : memref<64x128xf32, #tpu.memory_space<hbm>>) dst(%arg16 : memref<64x128xf32, #tpu.memory_space<vmem>>)
      %slice3A_670 = vector.extract_strided_slice %get3A_121 {offsets = [6], sizes = [1], strides = [1]} : vector<16xi32> to vector<1xi32>
      %squeeze3A_671 = vector.extract %slice3A_670[0] : i32 from vector<1xi32>
      %and3A_672 = arith.constant 127 : i32
      %and3A_673 = arith.andi %squeeze3A_671, %and3A_672 : i32
      %broadcast_in_dim3A_674 = vector.broadcast %and3A_673 : i32 to vector<16xi32>
      %broadcast_in_dim3A_675 = vector.broadcast %add3A_624 : i32 to vector<16xi32>
      %add3A_676 = arith.constant 0 : i32
      %add3A_677 = vector.broadcast %add3A_676 : i32 to vector<16xi32>
      %add3A_678 = arith.addi %add3A_677, %iota3A : vector<16xi32>
      %gather3A_679 = tpu.vector_load_idx %arg16[%add3A_678, %broadcast_in_dim3A_674] : memref<64x128xf32, #tpu.memory_space<vmem>>[vector<16xi32>, vector<16xi32>], vector<16xf32>,
      tpu.vector_store_idx %arg19[%add3A_678, %broadcast_in_dim3A_675], %gather3A_679 : memref<64x128xf32, #tpu.memory_space<vmem>>[vector<16xi32>, vector<16xi32>], vector<16xf32>,
      %add3A_680 = arith.constant 16 : i32
      %add3A_681 = vector.broadcast %add3A_680 : i32 to vector<16xi32>
      %add3A_682 = arith.addi %add3A_681, %iota3A : vector<16xi32>
      %gather3A_683 = tpu.vector_load_idx %arg16[%add3A_682, %broadcast_in_dim3A_674] : memref<64x128xf32, #tpu.memory_space<vmem>>[vector<16xi32>, vector<16xi32>], vector<16xf32>,
      tpu.vector_store_idx %arg19[%add3A_682, %broadcast_in_dim3A_675], %gather3A_683 : memref<64x128xf32, #tpu.memory_space<vmem>>[vector<16xi32>, vector<16xi32>], vector<16xf32>,
      %add3A_684 = arith.constant 32 : i32
      %add3A_685 = vector.broadcast %add3A_684 : i32 to vector<16xi32>
      %add3A_686 = arith.addi %add3A_685, %iota3A : vector<16xi32>
      %gather3A_687 = tpu.vector_load_idx %arg16[%add3A_686, %broadcast_in_dim3A_674] : memref<64x128xf32, #tpu.memory_space<vmem>>[vector<16xi32>, vector<16xi32>], vector<16xf32>,
      tpu.vector_store_idx %arg19[%add3A_686, %broadcast_in_dim3A_675], %gather3A_687 : memref<64x128xf32, #tpu.memory_space<vmem>>[vector<16xi32>, vector<16xi32>], vector<16xf32>,
      %add3A_688 = arith.constant 48 : i32
      %add3A_689 = vector.broadcast %add3A_688 : i32 to vector<16xi32>
      %add3A_690 = arith.addi %add3A_689, %iota3A : vector<16xi32>
      %gather3A_691 = tpu.vector_load_idx %arg16[%add3A_690, %broadcast_in_dim3A_674] : memref<64x128xf32, #tpu.memory_space<vmem>>[vector<16xi32>, vector<16xi32>], vector<16xf32>,
      tpu.vector_store_idx %arg19[%add3A_690, %broadcast_in_dim3A_675], %gather3A_691 : memref<64x128xf32, #tpu.memory_space<vmem>>[vector<16xi32>, vector<16xi32>], vector<16xf32>,
      %slice3A_692 = vector.extract_strided_slice %get3A_121 {offsets = [10], sizes = [1], strides = [1]} : vector<16xi32> to vector<1xi32>
      %squeeze3A_693 = vector.extract %slice3A_692[0] : i32 from vector<1xi32>
      %shift_right_arithmetic3A_694 = arith.constant 7 : i32
      %shift_right_arithmetic3A_695 = arith.shrsi %squeeze3A_693, %shift_right_arithmetic3A_694 : i32
      %mul3A_696 = arith.constant 128 : i32
      %mul3A_697 = arith.muli %shift_right_arithmetic3A_695, %mul3A_696 : i32
      %multiple_of3A_698 = tpu.assume_multiple %mul3A_697, 128 : i32
      %dma_start3A_699 = arith.constant 0 : i32
      %dma_start3A_700 = tpu.memref_slice %arg5[%dma_start3A_699, %multiple_of3A_698] : memref<64x100000xf32, #tpu.memory_space<hbm>> -> memref<64x128xf32, #tpu.memory_space<hbm>>
      %dma_start3A_701 = arith.constant 0 : i32
      %dma_start3A_702 = tpu.memref_slice %arg5[%dma_start3A_701, %multiple_of3A_698] : memref<64x100000xf32, #tpu.memory_space<hbm>> -> memref<64x128xf32, #tpu.memory_space<hbm>>
      tpu.enqueue_dma source(%dma_start3A_702 : memref<64x128xf32, #tpu.memory_space<hbm>>) target(%arg16 : memref<64x128xf32, #tpu.memory_space<vmem>>) target_semaphore(%arg21 : memref<!tpu.dma_semaphore, #tpu.memory_space<semaphore_mem>>)
      %mul3A_703 = arith.constant 16 : i32
      %mul3A_704 = arith.muli %add3A_113, %mul3A_703 : i32
      %add3A_705 = arith.constant 7 : i32
      %add3A_706 = arith.addi %mul3A_704, %add3A_705 : i32
      %dma_wait3A_707 = arith.constant 0 : i32
      %dma_wait3A_708 = arith.constant 0 : i32
      %dma_wait3A_709 = tpu.memref_slice %arg4[%dma_wait3A_707, %dma_wait3A_708] : memref<64x1000000xf32, #tpu.memory_space<hbm>> -> memref<64x128xf32, #tpu.memory_space<hbm>>
      %dma_wait3A_710 = arith.constant 0 : i32
      %dma_wait3A_711 = arith.constant 0 : i32
      %dma_wait3A_712 = tpu.memref_slice %arg4[%dma_wait3A_710, %dma_wait3A_711] : memref<64x1000000xf32, #tpu.memory_space<hbm>> -> memref<64x128xf32, #tpu.memory_space<hbm>>
      tpu.wait_dma2 semaphore(%arg20 : memref<!tpu.dma_semaphore, #tpu.memory_space<semaphore_mem>>) src(%dma_wait3A_712 : memref<64x128xf32, #tpu.memory_space<hbm>>) dst(%arg13 : memref<64x128xf32, #tpu.memory_space<vmem>>)
      %slice3A_713 = vector.extract_strided_slice %get3A_117 {offsets = [7], sizes = [1], strides = [1]} : vector<16xi32> to vector<1xi32>
      %squeeze3A_714 = vector.extract %slice3A_713[0] : i32 from vector<1xi32>
      %and3A_715 = arith.constant 127 : i32
      %and3A_716 = arith.andi %squeeze3A_714, %and3A_715 : i32
      %broadcast_in_dim3A_717 = vector.broadcast %and3A_716 : i32 to vector<16xi32>
      %broadcast_in_dim3A_718 = vector.broadcast %add3A_706 : i32 to vector<16xi32>
      %add3A_719 = arith.constant 0 : i32
      %add3A_720 = vector.broadcast %add3A_719 : i32 to vector<16xi32>
      %add3A_721 = arith.addi %add3A_720, %iota3A : vector<16xi32>
      %gather3A_722 = tpu.vector_load_idx %arg13[%add3A_721, %broadcast_in_dim3A_717] : memref<64x128xf32, #tpu.memory_space<vmem>>[vector<16xi32>, vector<16xi32>], vector<16xf32>,
      tpu.vector_store_idx %arg18[%add3A_721, %broadcast_in_dim3A_718], %gather3A_722 : memref<64x128xf32, #tpu.memory_space<vmem>>[vector<16xi32>, vector<16xi32>], vector<16xf32>,
      %add3A_723 = arith.constant 16 : i32
      %add3A_724 = vector.broadcast %add3A_723 : i32 to vector<16xi32>
      %add3A_725 = arith.addi %add3A_724, %iota3A : vector<16xi32>
      %gather3A_726 = tpu.vector_load_idx %arg13[%add3A_725, %broadcast_in_dim3A_717] : memref<64x128xf32, #tpu.memory_space<vmem>>[vector<16xi32>, vector<16xi32>], vector<16xf32>,
      tpu.vector_store_idx %arg18[%add3A_725, %broadcast_in_dim3A_718], %gather3A_726 : memref<64x128xf32, #tpu.memory_space<vmem>>[vector<16xi32>, vector<16xi32>], vector<16xf32>,
      %add3A_727 = arith.constant 32 : i32
      %add3A_728 = vector.broadcast %add3A_727 : i32 to vector<16xi32>
      %add3A_729 = arith.addi %add3A_728, %iota3A : vector<16xi32>
      %gather3A_730 = tpu.vector_load_idx %arg13[%add3A_729, %broadcast_in_dim3A_717] : memref<64x128xf32, #tpu.memory_space<vmem>>[vector<16xi32>, vector<16xi32>], vector<16xf32>,
      tpu.vector_store_idx %arg18[%add3A_729, %broadcast_in_dim3A_718], %gather3A_730 : memref<64x128xf32, #tpu.memory_space<vmem>>[vector<16xi32>, vector<16xi32>], vector<16xf32>,
      %add3A_731 = arith.constant 48 : i32
      %add3A_732 = vector.broadcast %add3A_731 : i32 to vector<16xi32>
      %add3A_733 = arith.addi %add3A_732, %iota3A : vector<16xi32>
      %gather3A_734 = tpu.vector_load_idx %arg13[%add3A_733, %broadcast_in_dim3A_717] : memref<64x128xf32, #tpu.memory_space<vmem>>[vector<16xi32>, vector<16xi32>], vector<16xf32>,
      tpu.vector_store_idx %arg18[%add3A_733, %broadcast_in_dim3A_718], %gather3A_734 : memref<64x128xf32, #tpu.memory_space<vmem>>[vector<16xi32>, vector<16xi32>], vector<16xf32>,
      %slice3A_735 = vector.extract_strided_slice %get3A_117 {offsets = [11], sizes = [1], strides = [1]} : vector<16xi32> to vector<1xi32>
      %squeeze3A_736 = vector.extract %slice3A_735[0] : i32 from vector<1xi32>
      %shift_right_arithmetic3A_737 = arith.constant 7 : i32
      %shift_right_arithmetic3A_738 = arith.shrsi %squeeze3A_736, %shift_right_arithmetic3A_737 : i32
      %mul3A_739 = arith.constant 128 : i32
      %mul3A_740 = arith.muli %shift_right_arithmetic3A_738, %mul3A_739 : i32
      %multiple_of3A_741 = tpu.assume_multiple %mul3A_740, 128 : i32
      %dma_start3A_742 = arith.constant 0 : i32
      %dma_start3A_743 = tpu.memref_slice %arg4[%dma_start3A_742, %multiple_of3A_741] : memref<64x1000000xf32, #tpu.memory_space<hbm>> -> memref<64x128xf32, #tpu.memory_space<hbm>>
      %dma_start3A_744 = arith.constant 0 : i32
      %dma_start3A_745 = tpu.memref_slice %arg4[%dma_start3A_744, %multiple_of3A_741] : memref<64x1000000xf32, #tpu.memory_space<hbm>> -> memref<64x128xf32, #tpu.memory_space<hbm>>
      tpu.enqueue_dma source(%dma_start3A_745 : memref<64x128xf32, #tpu.memory_space<hbm>>) target(%arg13 : memref<64x128xf32, #tpu.memory_space<vmem>>) target_semaphore(%arg20 : memref<!tpu.dma_semaphore, #tpu.memory_space<semaphore_mem>>)
      %dma_wait3A_746 = arith.constant 0 : i32
      %dma_wait3A_747 = arith.constant 0 : i32
      %dma_wait3A_748 = tpu.memref_slice %arg5[%dma_wait3A_746, %dma_wait3A_747] : memref<64x100000xf32, #tpu.memory_space<hbm>> -> memref<64x128xf32, #tpu.memory_space<hbm>>
      %dma_wait3A_749 = arith.constant 0 : i32
      %dma_wait3A_750 = arith.constant 0 : i32
      %dma_wait3A_751 = tpu.memref_slice %arg5[%dma_wait3A_749, %dma_wait3A_750] : memref<64x100000xf32, #tpu.memory_space<hbm>> -> memref<64x128xf32, #tpu.memory_space<hbm>>
      tpu.wait_dma2 semaphore(%arg21 : memref<!tpu.dma_semaphore, #tpu.memory_space<semaphore_mem>>) src(%dma_wait3A_751 : memref<64x128xf32, #tpu.memory_space<hbm>>) dst(%arg17 : memref<64x128xf32, #tpu.memory_space<vmem>>)
      %slice3A_752 = vector.extract_strided_slice %get3A_121 {offsets = [7], sizes = [1], strides = [1]} : vector<16xi32> to vector<1xi32>
      %squeeze3A_753 = vector.extract %slice3A_752[0] : i32 from vector<1xi32>
      %and3A_754 = arith.constant 127 : i32
      %and3A_755 = arith.andi %squeeze3A_753, %and3A_754 : i32
      %broadcast_in_dim3A_756 = vector.broadcast %and3A_755 : i32 to vector<16xi32>
      %broadcast_in_dim3A_757 = vector.broadcast %add3A_706 : i32 to vector<16xi32>
      %add3A_758 = arith.constant 0 : i32
      %add3A_759 = vector.broadcast %add3A_758 : i32 to vector<16xi32>
      %add3A_760 = arith.addi %add3A_759, %iota3A : vector<16xi32>
      %gather3A_761 = tpu.vector_load_idx %arg17[%add3A_760, %broadcast_in_dim3A_756] : memref<64x128xf32, #tpu.memory_space<vmem>>[vector<16xi32>, vector<16xi32>], vector<16xf32>,
      tpu.vector_store_idx %arg19[%add3A_760, %broadcast_in_dim3A_757], %gather3A_761 : memref<64x128xf32, #tpu.memory_space<vmem>>[vector<16xi32>, vector<16xi32>], vector<16xf32>,
      %add3A_762 = arith.constant 16 : i32
      %add3A_763 = vector.broadcast %add3A_762 : i32 to vector<16xi32>
      %add3A_764 = arith.addi %add3A_763, %iota3A : vector<16xi32>
      %gather3A_765 = tpu.vector_load_idx %arg17[%add3A_764, %broadcast_in_dim3A_756] : memref<64x128xf32, #tpu.memory_space<vmem>>[vector<16xi32>, vector<16xi32>], vector<16xf32>,
      tpu.vector_store_idx %arg19[%add3A_764, %broadcast_in_dim3A_757], %gather3A_765 : memref<64x128xf32, #tpu.memory_space<vmem>>[vector<16xi32>, vector<16xi32>], vector<16xf32>,
      %add3A_766 = arith.constant 32 : i32
      %add3A_767 = vector.broadcast %add3A_766 : i32 to vector<16xi32>
      %add3A_768 = arith.addi %add3A_767, %iota3A : vector<16xi32>
      %gather3A_769 = tpu.vector_load_idx %arg17[%add3A_768, %broadcast_in_dim3A_756] : memref<64x128xf32, #tpu.memory_space<vmem>>[vector<16xi32>, vector<16xi32>], vector<16xf32>,
      tpu.vector_store_idx %arg19[%add3A_768, %broadcast_in_dim3A_757], %gather3A_769 : memref<64x128xf32, #tpu.memory_space<vmem>>[vector<16xi32>, vector<16xi32>], vector<16xf32>,
      %add3A_770 = arith.constant 48 : i32
      %add3A_771 = vector.broadcast %add3A_770 : i32 to vector<16xi32>
      %add3A_772 = arith.addi %add3A_771, %iota3A : vector<16xi32>
      %gather3A_773 = tpu.vector_load_idx %arg17[%add3A_772, %broadcast_in_dim3A_756] : memref<64x128xf32, #tpu.memory_space<vmem>>[vector<16xi32>, vector<16xi32>], vector<16xf32>,
      tpu.vector_store_idx %arg19[%add3A_772, %broadcast_in_dim3A_757], %gather3A_773 : memref<64x128xf32, #tpu.memory_space<vmem>>[vector<16xi32>, vector<16xi32>], vector<16xf32>,
      %slice3A_774 = vector.extract_strided_slice %get3A_121 {offsets = [11], sizes = [1], strides = [1]} : vector<16xi32> to vector<1xi32>
      %squeeze3A_775 = vector.extract %slice3A_774[0] : i32 from vector<1xi32>
      %shift_right_arithmetic3A_776 = arith.constant 7 : i32
      %shift_right_arithmetic3A_777 = arith.shrsi %squeeze3A_775, %shift_right_arithmetic3A_776 : i32
      %mul3A_778 = arith.constant 128 : i32
      %mul3A_779 = arith.muli %shift_right_arithmetic3A_777, %mul3A_778 : i32
      %multiple_of3A_780 = tpu.assume_multiple %mul3A_779, 128 : i32
      %dma_start3A_781 = arith.constant 0 : i32
      %dma_start3A_782 = tpu.memref_slice %arg5[%dma_start3A_781, %multiple_of3A_780] : memref<64x100000xf32, #tpu.memory_space<hbm>> -> memref<64x128xf32, #tpu.memory_space<hbm>>
      %dma_start3A_783 = arith.constant 0 : i32
      %dma_start3A_784 = tpu.memref_slice %arg5[%dma_start3A_783, %multiple_of3A_780] : memref<64x100000xf32, #tpu.memory_space<hbm>> -> memref<64x128xf32, #tpu.memory_space<hbm>>
      tpu.enqueue_dma source(%dma_start3A_784 : memref<64x128xf32, #tpu.memory_space<hbm>>) target(%arg17 : memref<64x128xf32, #tpu.memory_space<vmem>>) target_semaphore(%arg21 : memref<!tpu.dma_semaphore, #tpu.memory_space<semaphore_mem>>)
      %mul3A_785 = arith.constant 16 : i32
      %mul3A_786 = arith.muli %add3A_113, %mul3A_785 : i32
      %add3A_787 = arith.constant 8 : i32
      %add3A_788 = arith.addi %mul3A_786, %add3A_787 : i32
      %dma_wait3A_789 = arith.constant 0 : i32
      %dma_wait3A_790 = arith.constant 0 : i32
      %dma_wait3A_791 = tpu.memref_slice %arg4[%dma_wait3A_789, %dma_wait3A_790] : memref<64x1000000xf32, #tpu.memory_space<hbm>> -> memref<64x128xf32, #tpu.memory_space<hbm>>
      %dma_wait3A_792 = arith.constant 0 : i32
      %dma_wait3A_793 = arith.constant 0 : i32
      %dma_wait3A_794 = tpu.memref_slice %arg4[%dma_wait3A_792, %dma_wait3A_793] : memref<64x1000000xf32, #tpu.memory_space<hbm>> -> memref<64x128xf32, #tpu.memory_space<hbm>>
      tpu.wait_dma2 semaphore(%arg20 : memref<!tpu.dma_semaphore, #tpu.memory_space<semaphore_mem>>) src(%dma_wait3A_794 : memref<64x128xf32, #tpu.memory_space<hbm>>) dst(%arg10 : memref<64x128xf32, #tpu.memory_space<vmem>>)
      %slice3A_795 = vector.extract_strided_slice %get3A_117 {offsets = [8], sizes = [1], strides = [1]} : vector<16xi32> to vector<1xi32>
      %squeeze3A_796 = vector.extract %slice3A_795[0] : i32 from vector<1xi32>
      %and3A_797 = arith.constant 127 : i32
      %and3A_798 = arith.andi %squeeze3A_796, %and3A_797 : i32
      %broadcast_in_dim3A_799 = vector.broadcast %and3A_798 : i32 to vector<16xi32>
      %broadcast_in_dim3A_800 = vector.broadcast %add3A_788 : i32 to vector<16xi32>
      %add3A_801 = arith.constant 0 : i32
      %add3A_802 = vector.broadcast %add3A_801 : i32 to vector<16xi32>
      %add3A_803 = arith.addi %add3A_802, %iota3A : vector<16xi32>
      %gather3A_804 = tpu.vector_load_idx %arg10[%add3A_803, %broadcast_in_dim3A_799] : memref<64x128xf32, #tpu.memory_space<vmem>>[vector<16xi32>, vector<16xi32>], vector<16xf32>,
      tpu.vector_store_idx %arg18[%add3A_803, %broadcast_in_dim3A_800], %gather3A_804 : memref<64x128xf32, #tpu.memory_space<vmem>>[vector<16xi32>, vector<16xi32>], vector<16xf32>,
      %add3A_805 = arith.constant 16 : i32
      %add3A_806 = vector.broadcast %add3A_805 : i32 to vector<16xi32>
      %add3A_807 = arith.addi %add3A_806, %iota3A : vector<16xi32>
      %gather3A_808 = tpu.vector_load_idx %arg10[%add3A_807, %broadcast_in_dim3A_799] : memref<64x128xf32, #tpu.memory_space<vmem>>[vector<16xi32>, vector<16xi32>], vector<16xf32>,
      tpu.vector_store_idx %arg18[%add3A_807, %broadcast_in_dim3A_800], %gather3A_808 : memref<64x128xf32, #tpu.memory_space<vmem>>[vector<16xi32>, vector<16xi32>], vector<16xf32>,
      %add3A_809 = arith.constant 32 : i32
      %add3A_810 = vector.broadcast %add3A_809 : i32 to vector<16xi32>
      %add3A_811 = arith.addi %add3A_810, %iota3A : vector<16xi32>
      %gather3A_812 = tpu.vector_load_idx %arg10[%add3A_811, %broadcast_in_dim3A_799] : memref<64x128xf32, #tpu.memory_space<vmem>>[vector<16xi32>, vector<16xi32>], vector<16xf32>,
      tpu.vector_store_idx %arg18[%add3A_811, %broadcast_in_dim3A_800], %gather3A_812 : memref<64x128xf32, #tpu.memory_space<vmem>>[vector<16xi32>, vector<16xi32>], vector<16xf32>,
      %add3A_813 = arith.constant 48 : i32
      %add3A_814 = vector.broadcast %add3A_813 : i32 to vector<16xi32>
      %add3A_815 = arith.addi %add3A_814, %iota3A : vector<16xi32>
      %gather3A_816 = tpu.vector_load_idx %arg10[%add3A_815, %broadcast_in_dim3A_799] : memref<64x128xf32, #tpu.memory_space<vmem>>[vector<16xi32>, vector<16xi32>], vector<16xf32>,
      tpu.vector_store_idx %arg18[%add3A_815, %broadcast_in_dim3A_800], %gather3A_816 : memref<64x128xf32, #tpu.memory_space<vmem>>[vector<16xi32>, vector<16xi32>], vector<16xf32>,
      %slice3A_817 = vector.extract_strided_slice %get3A_117 {offsets = [12], sizes = [1], strides = [1]} : vector<16xi32> to vector<1xi32>
      %squeeze3A_818 = vector.extract %slice3A_817[0] : i32 from vector<1xi32>
      %shift_right_arithmetic3A_819 = arith.constant 7 : i32
      %shift_right_arithmetic3A_820 = arith.shrsi %squeeze3A_818, %shift_right_arithmetic3A_819 : i32
      %mul3A_821 = arith.constant 128 : i32
      %mul3A_822 = arith.muli %shift_right_arithmetic3A_820, %mul3A_821 : i32
      %multiple_of3A_823 = tpu.assume_multiple %mul3A_822, 128 : i32
      %dma_start3A_824 = arith.constant 0 : i32
      %dma_start3A_825 = tpu.memref_slice %arg4[%dma_start3A_824, %multiple_of3A_823] : memref<64x1000000xf32, #tpu.memory_space<hbm>> -> memref<64x128xf32, #tpu.memory_space<hbm>>
      %dma_start3A_826 = arith.constant 0 : i32
      %dma_start3A_827 = tpu.memref_slice %arg4[%dma_start3A_826, %multiple_of3A_823] : memref<64x1000000xf32, #tpu.memory_space<hbm>> -> memref<64x128xf32, #tpu.memory_space<hbm>>
      tpu.enqueue_dma source(%dma_start3A_827 : memref<64x128xf32, #tpu.memory_space<hbm>>) target(%arg10 : memref<64x128xf32, #tpu.memory_space<vmem>>) target_semaphore(%arg20 : memref<!tpu.dma_semaphore, #tpu.memory_space<semaphore_mem>>)
      %dma_wait3A_828 = arith.constant 0 : i32
      %dma_wait3A_829 = arith.constant 0 : i32
      %dma_wait3A_830 = tpu.memref_slice %arg5[%dma_wait3A_828, %dma_wait3A_829] : memref<64x100000xf32, #tpu.memory_space<hbm>> -> memref<64x128xf32, #tpu.memory_space<hbm>>
      %dma_wait3A_831 = arith.constant 0 : i32
      %dma_wait3A_832 = arith.constant 0 : i32
      %dma_wait3A_833 = tpu.memref_slice %arg5[%dma_wait3A_831, %dma_wait3A_832] : memref<64x100000xf32, #tpu.memory_space<hbm>> -> memref<64x128xf32, #tpu.memory_space<hbm>>
      tpu.wait_dma2 semaphore(%arg21 : memref<!tpu.dma_semaphore, #tpu.memory_space<semaphore_mem>>) src(%dma_wait3A_833 : memref<64x128xf32, #tpu.memory_space<hbm>>) dst(%arg14 : memref<64x128xf32, #tpu.memory_space<vmem>>)
      %slice3A_834 = vector.extract_strided_slice %get3A_121 {offsets = [8], sizes = [1], strides = [1]} : vector<16xi32> to vector<1xi32>
      %squeeze3A_835 = vector.extract %slice3A_834[0] : i32 from vector<1xi32>
      %and3A_836 = arith.constant 127 : i32
      %and3A_837 = arith.andi %squeeze3A_835, %and3A_836 : i32
      %broadcast_in_dim3A_838 = vector.broadcast %and3A_837 : i32 to vector<16xi32>
      %broadcast_in_dim3A_839 = vector.broadcast %add3A_788 : i32 to vector<16xi32>
      %add3A_840 = arith.constant 0 : i32
      %add3A_841 = vector.broadcast %add3A_840 : i32 to vector<16xi32>
      %add3A_842 = arith.addi %add3A_841, %iota3A : vector<16xi32>
      %gather3A_843 = tpu.vector_load_idx %arg14[%add3A_842, %broadcast_in_dim3A_838] : memref<64x128xf32, #tpu.memory_space<vmem>>[vector<16xi32>, vector<16xi32>], vector<16xf32>,
      tpu.vector_store_idx %arg19[%add3A_842, %broadcast_in_dim3A_839], %gather3A_843 : memref<64x128xf32, #tpu.memory_space<vmem>>[vector<16xi32>, vector<16xi32>], vector<16xf32>,
      %add3A_844 = arith.constant 16 : i32
      %add3A_845 = vector.broadcast %add3A_844 : i32 to vector<16xi32>
      %add3A_846 = arith.addi %add3A_845, %iota3A : vector<16xi32>
      %gather3A_847 = tpu.vector_load_idx %arg14[%add3A_846, %broadcast_in_dim3A_838] : memref<64x128xf32, #tpu.memory_space<vmem>>[vector<16xi32>, vector<16xi32>], vector<16xf32>,
      tpu.vector_store_idx %arg19[%add3A_846, %broadcast_in_dim3A_839], %gather3A_847 : memref<64x128xf32, #tpu.memory_space<vmem>>[vector<16xi32>, vector<16xi32>], vector<16xf32>,
      %add3A_848 = arith.constant 32 : i32
      %add3A_849 = vector.broadcast %add3A_848 : i32 to vector<16xi32>
      %add3A_850 = arith.addi %add3A_849, %iota3A : vector<16xi32>
      %gather3A_851 = tpu.vector_load_idx %arg14[%add3A_850, %broadcast_in_dim3A_838] : memref<64x128xf32, #tpu.memory_space<vmem>>[vector<16xi32>, vector<16xi32>], vector<16xf32>,
      tpu.vector_store_idx %arg19[%add3A_850, %broadcast_in_dim3A_839], %gather3A_851 : memref<64x128xf32, #tpu.memory_space<vmem>>[vector<16xi32>, vector<16xi32>], vector<16xf32>,
      %add3A_852 = arith.constant 48 : i32
      %add3A_853 = vector.broadcast %add3A_852 : i32 to vector<16xi32>
      %add3A_854 = arith.addi %add3A_853, %iota3A : vector<16xi32>
      %gather3A_855 = tpu.vector_load_idx %arg14[%add3A_854, %broadcast_in_dim3A_838] : memref<64x128xf32, #tpu.memory_space<vmem>>[vector<16xi32>, vector<16xi32>], vector<16xf32>,
      tpu.vector_store_idx %arg19[%add3A_854, %broadcast_in_dim3A_839], %gather3A_855 : memref<64x128xf32, #tpu.memory_space<vmem>>[vector<16xi32>, vector<16xi32>], vector<16xf32>,
      %slice3A_856 = vector.extract_strided_slice %get3A_121 {offsets = [12], sizes = [1], strides = [1]} : vector<16xi32> to vector<1xi32>
      %squeeze3A_857 = vector.extract %slice3A_856[0] : i32 from vector<1xi32>
      %shift_right_arithmetic3A_858 = arith.constant 7 : i32
      %shift_right_arithmetic3A_859 = arith.shrsi %squeeze3A_857, %shift_right_arithmetic3A_858 : i32
      %mul3A_860 = arith.constant 128 : i32
      %mul3A_861 = arith.muli %shift_right_arithmetic3A_859, %mul3A_860 : i32
      %multiple_of3A_862 = tpu.assume_multiple %mul3A_861, 128 : i32
      %dma_start3A_863 = arith.constant 0 : i32
      %dma_start3A_864 = tpu.memref_slice %arg5[%dma_start3A_863, %multiple_of3A_862] : memref<64x100000xf32, #tpu.memory_space<hbm>> -> memref<64x128xf32, #tpu.memory_space<hbm>>
      %dma_start3A_865 = arith.constant 0 : i32
      %dma_start3A_866 = tpu.memref_slice %arg5[%dma_start3A_865, %multiple_of3A_862] : memref<64x100000xf32, #tpu.memory_space<hbm>> -> memref<64x128xf32, #tpu.memory_space<hbm>>
      tpu.enqueue_dma source(%dma_start3A_866 : memref<64x128xf32, #tpu.memory_space<hbm>>) target(%arg14 : memref<64x128xf32, #tpu.memory_space<vmem>>) target_semaphore(%arg21 : memref<!tpu.dma_semaphore, #tpu.memory_space<semaphore_mem>>)
      %mul3A_867 = arith.constant 16 : i32
      %mul3A_868 = arith.muli %add3A_113, %mul3A_867 : i32
      %add3A_869 = arith.constant 9 : i32
      %add3A_870 = arith.addi %mul3A_868, %add3A_869 : i32
      %dma_wait3A_871 = arith.constant 0 : i32
      %dma_wait3A_872 = arith.constant 0 : i32
      %dma_wait3A_873 = tpu.memref_slice %arg4[%dma_wait3A_871, %dma_wait3A_872] : memref<64x1000000xf32, #tpu.memory_space<hbm>> -> memref<64x128xf32, #tpu.memory_space<hbm>>
      %dma_wait3A_874 = arith.constant 0 : i32
      %dma_wait3A_875 = arith.constant 0 : i32
      %dma_wait3A_876 = tpu.memref_slice %arg4[%dma_wait3A_874, %dma_wait3A_875] : memref<64x1000000xf32, #tpu.memory_space<hbm>> -> memref<64x128xf32, #tpu.memory_space<hbm>>
      tpu.wait_dma2 semaphore(%arg20 : memref<!tpu.dma_semaphore, #tpu.memory_space<semaphore_mem>>) src(%dma_wait3A_876 : memref<64x128xf32, #tpu.memory_space<hbm>>) dst(%arg11 : memref<64x128xf32, #tpu.memory_space<vmem>>)
      %slice3A_877 = vector.extract_strided_slice %get3A_117 {offsets = [9], sizes = [1], strides = [1]} : vector<16xi32> to vector<1xi32>
      %squeeze3A_878 = vector.extract %slice3A_877[0] : i32 from vector<1xi32>
      %and3A_879 = arith.constant 127 : i32
      %and3A_880 = arith.andi %squeeze3A_878, %and3A_879 : i32
      %broadcast_in_dim3A_881 = vector.broadcast %and3A_880 : i32 to vector<16xi32>
      %broadcast_in_dim3A_882 = vector.broadcast %add3A_870 : i32 to vector<16xi32>
      %add3A_883 = arith.constant 0 : i32
      %add3A_884 = vector.broadcast %add3A_883 : i32 to vector<16xi32>
      %add3A_885 = arith.addi %add3A_884, %iota3A : vector<16xi32>
      %gather3A_886 = tpu.vector_load_idx %arg11[%add3A_885, %broadcast_in_dim3A_881] : memref<64x128xf32, #tpu.memory_space<vmem>>[vector<16xi32>, vector<16xi32>], vector<16xf32>,
      tpu.vector_store_idx %arg18[%add3A_885, %broadcast_in_dim3A_882], %gather3A_886 : memref<64x128xf32, #tpu.memory_space<vmem>>[vector<16xi32>, vector<16xi32>], vector<16xf32>,
      %add3A_887 = arith.constant 16 : i32
      %add3A_888 = vector.broadcast %add3A_887 : i32 to vector<16xi32>
      %add3A_889 = arith.addi %add3A_888, %iota3A : vector<16xi32>
      %gather3A_890 = tpu.vector_load_idx %arg11[%add3A_889, %broadcast_in_dim3A_881] : memref<64x128xf32, #tpu.memory_space<vmem>>[vector<16xi32>, vector<16xi32>], vector<16xf32>,
      tpu.vector_store_idx %arg18[%add3A_889, %broadcast_in_dim3A_882], %gather3A_890 : memref<64x128xf32, #tpu.memory_space<vmem>>[vector<16xi32>, vector<16xi32>], vector<16xf32>,
      %add3A_891 = arith.constant 32 : i32
      %add3A_892 = vector.broadcast %add3A_891 : i32 to vector<16xi32>
      %add3A_893 = arith.addi %add3A_892, %iota3A : vector<16xi32>
      %gather3A_894 = tpu.vector_load_idx %arg11[%add3A_893, %broadcast_in_dim3A_881] : memref<64x128xf32, #tpu.memory_space<vmem>>[vector<16xi32>, vector<16xi32>], vector<16xf32>,
      tpu.vector_store_idx %arg18[%add3A_893, %broadcast_in_dim3A_882], %gather3A_894 : memref<64x128xf32, #tpu.memory_space<vmem>>[vector<16xi32>, vector<16xi32>], vector<16xf32>,
      %add3A_895 = arith.constant 48 : i32
      %add3A_896 = vector.broadcast %add3A_895 : i32 to vector<16xi32>
      %add3A_897 = arith.addi %add3A_896, %iota3A : vector<16xi32>
      %gather3A_898 = tpu.vector_load_idx %arg11[%add3A_897, %broadcast_in_dim3A_881] : memref<64x128xf32, #tpu.memory_space<vmem>>[vector<16xi32>, vector<16xi32>], vector<16xf32>,
      tpu.vector_store_idx %arg18[%add3A_897, %broadcast_in_dim3A_882], %gather3A_898 : memref<64x128xf32, #tpu.memory_space<vmem>>[vector<16xi32>, vector<16xi32>], vector<16xf32>,
      %slice3A_899 = vector.extract_strided_slice %get3A_117 {offsets = [13], sizes = [1], strides = [1]} : vector<16xi32> to vector<1xi32>
      %squeeze3A_900 = vector.extract %slice3A_899[0] : i32 from vector<1xi32>
      %shift_right_arithmetic3A_901 = arith.constant 7 : i32
      %shift_right_arithmetic3A_902 = arith.shrsi %squeeze3A_900, %shift_right_arithmetic3A_901 : i32
      %mul3A_903 = arith.constant 128 : i32
      %mul3A_904 = arith.muli %shift_right_arithmetic3A_902, %mul3A_903 : i32
      %multiple_of3A_905 = tpu.assume_multiple %mul3A_904, 128 : i32
      %dma_start3A_906 = arith.constant 0 : i32
      %dma_start3A_907 = tpu.memref_slice %arg4[%dma_start3A_906, %multiple_of3A_905] : memref<64x1000000xf32, #tpu.memory_space<hbm>> -> memref<64x128xf32, #tpu.memory_space<hbm>>
      %dma_start3A_908 = arith.constant 0 : i32
      %dma_start3A_909 = tpu.memref_slice %arg4[%dma_start3A_908, %multiple_of3A_905] : memref<64x1000000xf32, #tpu.memory_space<hbm>> -> memref<64x128xf32, #tpu.memory_space<hbm>>
      tpu.enqueue_dma source(%dma_start3A_909 : memref<64x128xf32, #tpu.memory_space<hbm>>) target(%arg11 : memref<64x128xf32, #tpu.memory_space<vmem>>) target_semaphore(%arg20 : memref<!tpu.dma_semaphore, #tpu.memory_space<semaphore_mem>>)
      %dma_wait3A_910 = arith.constant 0 : i32
      %dma_wait3A_911 = arith.constant 0 : i32
      %dma_wait3A_912 = tpu.memref_slice %arg5[%dma_wait3A_910, %dma_wait3A_911] : memref<64x100000xf32, #tpu.memory_space<hbm>> -> memref<64x128xf32, #tpu.memory_space<hbm>>
      %dma_wait3A_913 = arith.constant 0 : i32
      %dma_wait3A_914 = arith.constant 0 : i32
      %dma_wait3A_915 = tpu.memref_slice %arg5[%dma_wait3A_913, %dma_wait3A_914] : memref<64x100000xf32, #tpu.memory_space<hbm>> -> memref<64x128xf32, #tpu.memory_space<hbm>>
      tpu.wait_dma2 semaphore(%arg21 : memref<!tpu.dma_semaphore, #tpu.memory_space<semaphore_mem>>) src(%dma_wait3A_915 : memref<64x128xf32, #tpu.memory_space<hbm>>) dst(%arg15 : memref<64x128xf32, #tpu.memory_space<vmem>>)
      %slice3A_916 = vector.extract_strided_slice %get3A_121 {offsets = [9], sizes = [1], strides = [1]} : vector<16xi32> to vector<1xi32>
      %squeeze3A_917 = vector.extract %slice3A_916[0] : i32 from vector<1xi32>
      %and3A_918 = arith.constant 127 : i32
      %and3A_919 = arith.andi %squeeze3A_917, %and3A_918 : i32
      %broadcast_in_dim3A_920 = vector.broadcast %and3A_919 : i32 to vector<16xi32>
      %broadcast_in_dim3A_921 = vector.broadcast %add3A_870 : i32 to vector<16xi32>
      %add3A_922 = arith.constant 0 : i32
      %add3A_923 = vector.broadcast %add3A_922 : i32 to vector<16xi32>
      %add3A_924 = arith.addi %add3A_923, %iota3A : vector<16xi32>
      %gather3A_925 = tpu.vector_load_idx %arg15[%add3A_924, %broadcast_in_dim3A_920] : memref<64x128xf32, #tpu.memory_space<vmem>>[vector<16xi32>, vector<16xi32>], vector<16xf32>,
      tpu.vector_store_idx %arg19[%add3A_924, %broadcast_in_dim3A_921], %gather3A_925 : memref<64x128xf32, #tpu.memory_space<vmem>>[vector<16xi32>, vector<16xi32>], vector<16xf32>,
      %add3A_926 = arith.constant 16 : i32
      %add3A_927 = vector.broadcast %add3A_926 : i32 to vector<16xi32>
      %add3A_928 = arith.addi %add3A_927, %iota3A : vector<16xi32>
      %gather3A_929 = tpu.vector_load_idx %arg15[%add3A_928, %broadcast_in_dim3A_920] : memref<64x128xf32, #tpu.memory_space<vmem>>[vector<16xi32>, vector<16xi32>], vector<16xf32>,
      tpu.vector_store_idx %arg19[%add3A_928, %broadcast_in_dim3A_921], %gather3A_929 : memref<64x128xf32, #tpu.memory_space<vmem>>[vector<16xi32>, vector<16xi32>], vector<16xf32>,
      %add3A_930 = arith.constant 32 : i32
      %add3A_931 = vector.broadcast %add3A_930 : i32 to vector<16xi32>
      %add3A_932 = arith.addi %add3A_931, %iota3A : vector<16xi32>
      %gather3A_933 = tpu.vector_load_idx %arg15[%add3A_932, %broadcast_in_dim3A_920] : memref<64x128xf32, #tpu.memory_space<vmem>>[vector<16xi32>, vector<16xi32>], vector<16xf32>,
      tpu.vector_store_idx %arg19[%add3A_932, %broadcast_in_dim3A_921], %gather3A_933 : memref<64x128xf32, #tpu.memory_space<vmem>>[vector<16xi32>, vector<16xi32>], vector<16xf32>,
      %add3A_934 = arith.constant 48 : i32
      %add3A_935 = vector.broadcast %add3A_934 : i32 to vector<16xi32>
      %add3A_936 = arith.addi %add3A_935, %iota3A : vector<16xi32>
      %gather3A_937 = tpu.vector_load_idx %arg15[%add3A_936, %broadcast_in_dim3A_920] : memref<64x128xf32, #tpu.memory_space<vmem>>[vector<16xi32>, vector<16xi32>], vector<16xf32>,
      tpu.vector_store_idx %arg19[%add3A_936, %broadcast_in_dim3A_921], %gather3A_937 : memref<64x128xf32, #tpu.memory_space<vmem>>[vector<16xi32>, vector<16xi32>], vector<16xf32>,
      %slice3A_938 = vector.extract_strided_slice %get3A_121 {offsets = [13], sizes = [1], strides = [1]} : vector<16xi32> to vector<1xi32>
      %squeeze3A_939 = vector.extract %slice3A_938[0] : i32 from vector<1xi32>
      %shift_right_arithmetic3A_940 = arith.constant 7 : i32
      %shift_right_arithmetic3A_941 = arith.shrsi %squeeze3A_939, %shift_right_arithmetic3A_940 : i32
      %mul3A_942 = arith.constant 128 : i32
      %mul3A_943 = arith.muli %shift_right_arithmetic3A_941, %mul3A_942 : i32
      %multiple_of3A_944 = tpu.assume_multiple %mul3A_943, 128 : i32
      %dma_start3A_945 = arith.constant 0 : i32
      %dma_start3A_946 = tpu.memref_slice %arg5[%dma_start3A_945, %multiple_of3A_944] : memref<64x100000xf32, #tpu.memory_space<hbm>> -> memref<64x128xf32, #tpu.memory_space<hbm>>
      %dma_start3A_947 = arith.constant 0 : i32
      %dma_start3A_948 = tpu.memref_slice %arg5[%dma_start3A_947, %multiple_of3A_944] : memref<64x100000xf32, #tpu.memory_space<hbm>> -> memref<64x128xf32, #tpu.memory_space<hbm>>
      tpu.enqueue_dma source(%dma_start3A_948 : memref<64x128xf32, #tpu.memory_space<hbm>>) target(%arg15 : memref<64x128xf32, #tpu.memory_space<vmem>>) target_semaphore(%arg21 : memref<!tpu.dma_semaphore, #tpu.memory_space<semaphore_mem>>)
      %mul3A_949 = arith.constant 16 : i32
      %mul3A_950 = arith.muli %add3A_113, %mul3A_949 : i32
      %add3A_951 = arith.constant 10 : i32
      %add3A_952 = arith.addi %mul3A_950, %add3A_951 : i32
      %dma_wait3A_953 = arith.constant 0 : i32
      %dma_wait3A_954 = arith.constant 0 : i32
      %dma_wait3A_955 = tpu.memref_slice %arg4[%dma_wait3A_953, %dma_wait3A_954] : memref<64x1000000xf32, #tpu.memory_space<hbm>> -> memref<64x128xf32, #tpu.memory_space<hbm>>
      %dma_wait3A_956 = arith.constant 0 : i32
      %dma_wait3A_957 = arith.constant 0 : i32
      %dma_wait3A_958 = tpu.memref_slice %arg4[%dma_wait3A_956, %dma_wait3A_957] : memref<64x1000000xf32, #tpu.memory_space<hbm>> -> memref<64x128xf32, #tpu.memory_space<hbm>>
      tpu.wait_dma2 semaphore(%arg20 : memref<!tpu.dma_semaphore, #tpu.memory_space<semaphore_mem>>) src(%dma_wait3A_958 : memref<64x128xf32, #tpu.memory_space<hbm>>) dst(%arg12 : memref<64x128xf32, #tpu.memory_space<vmem>>)
      %slice3A_959 = vector.extract_strided_slice %get3A_117 {offsets = [10], sizes = [1], strides = [1]} : vector<16xi32> to vector<1xi32>
      %squeeze3A_960 = vector.extract %slice3A_959[0] : i32 from vector<1xi32>
      %and3A_961 = arith.constant 127 : i32
      %and3A_962 = arith.andi %squeeze3A_960, %and3A_961 : i32
      %broadcast_in_dim3A_963 = vector.broadcast %and3A_962 : i32 to vector<16xi32>
      %broadcast_in_dim3A_964 = vector.broadcast %add3A_952 : i32 to vector<16xi32>
      %add3A_965 = arith.constant 0 : i32
      %add3A_966 = vector.broadcast %add3A_965 : i32 to vector<16xi32>
      %add3A_967 = arith.addi %add3A_966, %iota3A : vector<16xi32>
      %gather3A_968 = tpu.vector_load_idx %arg12[%add3A_967, %broadcast_in_dim3A_963] : memref<64x128xf32, #tpu.memory_space<vmem>>[vector<16xi32>, vector<16xi32>], vector<16xf32>,
      tpu.vector_store_idx %arg18[%add3A_967, %broadcast_in_dim3A_964], %gather3A_968 : memref<64x128xf32, #tpu.memory_space<vmem>>[vector<16xi32>, vector<16xi32>], vector<16xf32>,
      %add3A_969 = arith.constant 16 : i32
      %add3A_970 = vector.broadcast %add3A_969 : i32 to vector<16xi32>
      %add3A_971 = arith.addi %add3A_970, %iota3A : vector<16xi32>
      %gather3A_972 = tpu.vector_load_idx %arg12[%add3A_971, %broadcast_in_dim3A_963] : memref<64x128xf32, #tpu.memory_space<vmem>>[vector<16xi32>, vector<16xi32>], vector<16xf32>,
      tpu.vector_store_idx %arg18[%add3A_971, %broadcast_in_dim3A_964], %gather3A_972 : memref<64x128xf32, #tpu.memory_space<vmem>>[vector<16xi32>, vector<16xi32>], vector<16xf32>,
      %add3A_973 = arith.constant 32 : i32
      %add3A_974 = vector.broadcast %add3A_973 : i32 to vector<16xi32>
      %add3A_975 = arith.addi %add3A_974, %iota3A : vector<16xi32>
      %gather3A_976 = tpu.vector_load_idx %arg12[%add3A_975, %broadcast_in_dim3A_963] : memref<64x128xf32, #tpu.memory_space<vmem>>[vector<16xi32>, vector<16xi32>], vector<16xf32>,
      tpu.vector_store_idx %arg18[%add3A_975, %broadcast_in_dim3A_964], %gather3A_976 : memref<64x128xf32, #tpu.memory_space<vmem>>[vector<16xi32>, vector<16xi32>], vector<16xf32>,
      %add3A_977 = arith.constant 48 : i32
      %add3A_978 = vector.broadcast %add3A_977 : i32 to vector<16xi32>
      %add3A_979 = arith.addi %add3A_978, %iota3A : vector<16xi32>
      %gather3A_980 = tpu.vector_load_idx %arg12[%add3A_979, %broadcast_in_dim3A_963] : memref<64x128xf32, #tpu.memory_space<vmem>>[vector<16xi32>, vector<16xi32>], vector<16xf32>,
      tpu.vector_store_idx %arg18[%add3A_979, %broadcast_in_dim3A_964], %gather3A_980 : memref<64x128xf32, #tpu.memory_space<vmem>>[vector<16xi32>, vector<16xi32>], vector<16xf32>,
      %slice3A_981 = vector.extract_strided_slice %get3A_117 {offsets = [14], sizes = [1], strides = [1]} : vector<16xi32> to vector<1xi32>
      %squeeze3A_982 = vector.extract %slice3A_981[0] : i32 from vector<1xi32>
      %shift_right_arithmetic3A_983 = arith.constant 7 : i32
      %shift_right_arithmetic3A_984 = arith.shrsi %squeeze3A_982, %shift_right_arithmetic3A_983 : i32
      %mul3A_985 = arith.constant 128 : i32
      %mul3A_986 = arith.muli %shift_right_arithmetic3A_984, %mul3A_985 : i32
      %multiple_of3A_987 = tpu.assume_multiple %mul3A_986, 128 : i32
      %dma_start3A_988 = arith.constant 0 : i32
      %dma_start3A_989 = tpu.memref_slice %arg4[%dma_start3A_988, %multiple_of3A_987] : memref<64x1000000xf32, #tpu.memory_space<hbm>> -> memref<64x128xf32, #tpu.memory_space<hbm>>
      %dma_start3A_990 = arith.constant 0 : i32
      %dma_start3A_991 = tpu.memref_slice %arg4[%dma_start3A_990, %multiple_of3A_987] : memref<64x1000000xf32, #tpu.memory_space<hbm>> -> memref<64x128xf32, #tpu.memory_space<hbm>>
      tpu.enqueue_dma source(%dma_start3A_991 : memref<64x128xf32, #tpu.memory_space<hbm>>) target(%arg12 : memref<64x128xf32, #tpu.memory_space<vmem>>) target_semaphore(%arg20 : memref<!tpu.dma_semaphore, #tpu.memory_space<semaphore_mem>>)
      %dma_wait3A_992 = arith.constant 0 : i32
      %dma_wait3A_993 = arith.constant 0 : i32
      %dma_wait3A_994 = tpu.memref_slice %arg5[%dma_wait3A_992, %dma_wait3A_993] : memref<64x100000xf32, #tpu.memory_space<hbm>> -> memref<64x128xf32, #tpu.memory_space<hbm>>
      %dma_wait3A_995 = arith.constant 0 : i32
      %dma_wait3A_996 = arith.constant 0 : i32
      %dma_wait3A_997 = tpu.memref_slice %arg5[%dma_wait3A_995, %dma_wait3A_996] : memref<64x100000xf32, #tpu.memory_space<hbm>> -> memref<64x128xf32, #tpu.memory_space<hbm>>
      tpu.wait_dma2 semaphore(%arg21 : memref<!tpu.dma_semaphore, #tpu.memory_space<semaphore_mem>>) src(%dma_wait3A_997 : memref<64x128xf32, #tpu.memory_space<hbm>>) dst(%arg16 : memref<64x128xf32, #tpu.memory_space<vmem>>)
      %slice3A_998 = vector.extract_strided_slice %get3A_121 {offsets = [10], sizes = [1], strides = [1]} : vector<16xi32> to vector<1xi32>
      %squeeze3A_999 = vector.extract %slice3A_998[0] : i32 from vector<1xi32>
      %and3A_1000 = arith.constant 127 : i32
      %and3A_1001 = arith.andi %squeeze3A_999, %and3A_1000 : i32
      %broadcast_in_dim3A_1002 = vector.broadcast %and3A_1001 : i32 to vector<16xi32>
      %broadcast_in_dim3A_1003 = vector.broadcast %add3A_952 : i32 to vector<16xi32>
      %add3A_1004 = arith.constant 0 : i32
      %add3A_1005 = vector.broadcast %add3A_1004 : i32 to vector<16xi32>
      %add3A_1006 = arith.addi %add3A_1005, %iota3A : vector<16xi32>
      %gather3A_1007 = tpu.vector_load_idx %arg16[%add3A_1006, %broadcast_in_dim3A_1002] : memref<64x128xf32, #tpu.memory_space<vmem>>[vector<16xi32>, vector<16xi32>], vector<16xf32>,
      tpu.vector_store_idx %arg19[%add3A_1006, %broadcast_in_dim3A_1003], %gather3A_1007 : memref<64x128xf32, #tpu.memory_space<vmem>>[vector<16xi32>, vector<16xi32>], vector<16xf32>,
      %add3A_1008 = arith.constant 16 : i32
      %add3A_1009 = vector.broadcast %add3A_1008 : i32 to vector<16xi32>
      %add3A_1010 = arith.addi %add3A_1009, %iota3A : vector<16xi32>
      %gather3A_1011 = tpu.vector_load_idx %arg16[%add3A_1010, %broadcast_in_dim3A_1002] : memref<64x128xf32, #tpu.memory_space<vmem>>[vector<16xi32>, vector<16xi32>], vector<16xf32>,
      tpu.vector_store_idx %arg19[%add3A_1010, %broadcast_in_dim3A_1003], %gather3A_1011 : memref<64x128xf32, #tpu.memory_space<vmem>>[vector<16xi32>, vector<16xi32>], vector<16xf32>,
      %add3A_1012 = arith.constant 32 : i32
      %add3A_1013 = vector.broadcast %add3A_1012 : i32 to vector<16xi32>
      %add3A_1014 = arith.addi %add3A_1013, %iota3A : vector<16xi32>
      %gather3A_1015 = tpu.vector_load_idx %arg16[%add3A_1014, %broadcast_in_dim3A_1002] : memref<64x128xf32, #tpu.memory_space<vmem>>[vector<16xi32>, vector<16xi32>], vector<16xf32>,
      tpu.vector_store_idx %arg19[%add3A_1014, %broadcast_in_dim3A_1003], %gather3A_1015 : memref<64x128xf32, #tpu.memory_space<vmem>>[vector<16xi32>, vector<16xi32>], vector<16xf32>,
      %add3A_1016 = arith.constant 48 : i32
      %add3A_1017 = vector.broadcast %add3A_1016 : i32 to vector<16xi32>
      %add3A_1018 = arith.addi %add3A_1017, %iota3A : vector<16xi32>
      %gather3A_1019 = tpu.vector_load_idx %arg16[%add3A_1018, %broadcast_in_dim3A_1002] : memref<64x128xf32, #tpu.memory_space<vmem>>[vector<16xi32>, vector<16xi32>], vector<16xf32>,
      tpu.vector_store_idx %arg19[%add3A_1018, %broadcast_in_dim3A_1003], %gather3A_1019 : memref<64x128xf32, #tpu.memory_space<vmem>>[vector<16xi32>, vector<16xi32>], vector<16xf32>,
      %slice3A_1020 = vector.extract_strided_slice %get3A_121 {offsets = [14], sizes = [1], strides = [1]} : vector<16xi32> to vector<1xi32>
      %squeeze3A_1021 = vector.extract %slice3A_1020[0] : i32 from vector<1xi32>
      %shift_right_arithmetic3A_1022 = arith.constant 7 : i32
      %shift_right_arithmetic3A_1023 = arith.shrsi %squeeze3A_1021, %shift_right_arithmetic3A_1022 : i32
      %mul3A_1024 = arith.constant 128 : i32
      %mul3A_1025 = arith.muli %shift_right_arithmetic3A_1023, %mul3A_1024 : i32
      %multiple_of3A_1026 = tpu.assume_multiple %mul3A_1025, 128 : i32
      %dma_start3A_1027 = arith.constant 0 : i32
      %dma_start3A_1028 = tpu.memref_slice %arg5[%dma_start3A_1027, %multiple_of3A_1026] : memref<64x100000xf32, #tpu.memory_space<hbm>> -> memref<64x128xf32, #tpu.memory_space<hbm>>
      %dma_start3A_1029 = arith.constant 0 : i32
      %dma_start3A_1030 = tpu.memref_slice %arg5[%dma_start3A_1029, %multiple_of3A_1026] : memref<64x100000xf32, #tpu.memory_space<hbm>> -> memref<64x128xf32, #tpu.memory_space<hbm>>
      tpu.enqueue_dma source(%dma_start3A_1030 : memref<64x128xf32, #tpu.memory_space<hbm>>) target(%arg16 : memref<64x128xf32, #tpu.memory_space<vmem>>) target_semaphore(%arg21 : memref<!tpu.dma_semaphore, #tpu.memory_space<semaphore_mem>>)
      %mul3A_1031 = arith.constant 16 : i32
      %mul3A_1032 = arith.muli %add3A_113, %mul3A_1031 : i32
      %add3A_1033 = arith.constant 11 : i32
      %add3A_1034 = arith.addi %mul3A_1032, %add3A_1033 : i32
      %dma_wait3A_1035 = arith.constant 0 : i32
      %dma_wait3A_1036 = arith.constant 0 : i32
      %dma_wait3A_1037 = tpu.memref_slice %arg4[%dma_wait3A_1035, %dma_wait3A_1036] : memref<64x1000000xf32, #tpu.memory_space<hbm>> -> memref<64x128xf32, #tpu.memory_space<hbm>>
      %dma_wait3A_1038 = arith.constant 0 : i32
      %dma_wait3A_1039 = arith.constant 0 : i32
      %dma_wait3A_1040 = tpu.memref_slice %arg4[%dma_wait3A_1038, %dma_wait3A_1039] : memref<64x1000000xf32, #tpu.memory_space<hbm>> -> memref<64x128xf32, #tpu.memory_space<hbm>>
      tpu.wait_dma2 semaphore(%arg20 : memref<!tpu.dma_semaphore, #tpu.memory_space<semaphore_mem>>) src(%dma_wait3A_1040 : memref<64x128xf32, #tpu.memory_space<hbm>>) dst(%arg13 : memref<64x128xf32, #tpu.memory_space<vmem>>)
      %slice3A_1041 = vector.extract_strided_slice %get3A_117 {offsets = [11], sizes = [1], strides = [1]} : vector<16xi32> to vector<1xi32>
      %squeeze3A_1042 = vector.extract %slice3A_1041[0] : i32 from vector<1xi32>
      %and3A_1043 = arith.constant 127 : i32
      %and3A_1044 = arith.andi %squeeze3A_1042, %and3A_1043 : i32
      %broadcast_in_dim3A_1045 = vector.broadcast %and3A_1044 : i32 to vector<16xi32>
      %broadcast_in_dim3A_1046 = vector.broadcast %add3A_1034 : i32 to vector<16xi32>
      %add3A_1047 = arith.constant 0 : i32
      %add3A_1048 = vector.broadcast %add3A_1047 : i32 to vector<16xi32>
      %add3A_1049 = arith.addi %add3A_1048, %iota3A : vector<16xi32>
      %gather3A_1050 = tpu.vector_load_idx %arg13[%add3A_1049, %broadcast_in_dim3A_1045] : memref<64x128xf32, #tpu.memory_space<vmem>>[vector<16xi32>, vector<16xi32>], vector<16xf32>,
      tpu.vector_store_idx %arg18[%add3A_1049, %broadcast_in_dim3A_1046], %gather3A_1050 : memref<64x128xf32, #tpu.memory_space<vmem>>[vector<16xi32>, vector<16xi32>], vector<16xf32>,
      %add3A_1051 = arith.constant 16 : i32
      %add3A_1052 = vector.broadcast %add3A_1051 : i32 to vector<16xi32>
      %add3A_1053 = arith.addi %add3A_1052, %iota3A : vector<16xi32>
      %gather3A_1054 = tpu.vector_load_idx %arg13[%add3A_1053, %broadcast_in_dim3A_1045] : memref<64x128xf32, #tpu.memory_space<vmem>>[vector<16xi32>, vector<16xi32>], vector<16xf32>,
      tpu.vector_store_idx %arg18[%add3A_1053, %broadcast_in_dim3A_1046], %gather3A_1054 : memref<64x128xf32, #tpu.memory_space<vmem>>[vector<16xi32>, vector<16xi32>], vector<16xf32>,
      %add3A_1055 = arith.constant 32 : i32
      %add3A_1056 = vector.broadcast %add3A_1055 : i32 to vector<16xi32>
      %add3A_1057 = arith.addi %add3A_1056, %iota3A : vector<16xi32>
      %gather3A_1058 = tpu.vector_load_idx %arg13[%add3A_1057, %broadcast_in_dim3A_1045] : memref<64x128xf32, #tpu.memory_space<vmem>>[vector<16xi32>, vector<16xi32>], vector<16xf32>,
      tpu.vector_store_idx %arg18[%add3A_1057, %broadcast_in_dim3A_1046], %gather3A_1058 : memref<64x128xf32, #tpu.memory_space<vmem>>[vector<16xi32>, vector<16xi32>], vector<16xf32>,
      %add3A_1059 = arith.constant 48 : i32
      %add3A_1060 = vector.broadcast %add3A_1059 : i32 to vector<16xi32>
      %add3A_1061 = arith.addi %add3A_1060, %iota3A : vector<16xi32>
      %gather3A_1062 = tpu.vector_load_idx %arg13[%add3A_1061, %broadcast_in_dim3A_1045] : memref<64x128xf32, #tpu.memory_space<vmem>>[vector<16xi32>, vector<16xi32>], vector<16xf32>,
      tpu.vector_store_idx %arg18[%add3A_1061, %broadcast_in_dim3A_1046], %gather3A_1062 : memref<64x128xf32, #tpu.memory_space<vmem>>[vector<16xi32>, vector<16xi32>], vector<16xf32>,
      %slice3A_1063 = vector.extract_strided_slice %get3A_117 {offsets = [15], sizes = [1], strides = [1]} : vector<16xi32> to vector<1xi32>
      %squeeze3A_1064 = vector.extract %slice3A_1063[0] : i32 from vector<1xi32>
      %shift_right_arithmetic3A_1065 = arith.constant 7 : i32
      %shift_right_arithmetic3A_1066 = arith.shrsi %squeeze3A_1064, %shift_right_arithmetic3A_1065 : i32
      %mul3A_1067 = arith.constant 128 : i32
      %mul3A_1068 = arith.muli %shift_right_arithmetic3A_1066, %mul3A_1067 : i32
      %multiple_of3A_1069 = tpu.assume_multiple %mul3A_1068, 128 : i32
      %dma_start3A_1070 = arith.constant 0 : i32
      %dma_start3A_1071 = tpu.memref_slice %arg4[%dma_start3A_1070, %multiple_of3A_1069] : memref<64x1000000xf32, #tpu.memory_space<hbm>> -> memref<64x128xf32, #tpu.memory_space<hbm>>
      %dma_start3A_1072 = arith.constant 0 : i32
      %dma_start3A_1073 = tpu.memref_slice %arg4[%dma_start3A_1072, %multiple_of3A_1069] : memref<64x1000000xf32, #tpu.memory_space<hbm>> -> memref<64x128xf32, #tpu.memory_space<hbm>>
      tpu.enqueue_dma source(%dma_start3A_1073 : memref<64x128xf32, #tpu.memory_space<hbm>>) target(%arg13 : memref<64x128xf32, #tpu.memory_space<vmem>>) target_semaphore(%arg20 : memref<!tpu.dma_semaphore, #tpu.memory_space<semaphore_mem>>)
      %dma_wait3A_1074 = arith.constant 0 : i32
      %dma_wait3A_1075 = arith.constant 0 : i32
      %dma_wait3A_1076 = tpu.memref_slice %arg5[%dma_wait3A_1074, %dma_wait3A_1075] : memref<64x100000xf32, #tpu.memory_space<hbm>> -> memref<64x128xf32, #tpu.memory_space<hbm>>
      %dma_wait3A_1077 = arith.constant 0 : i32
      %dma_wait3A_1078 = arith.constant 0 : i32
      %dma_wait3A_1079 = tpu.memref_slice %arg5[%dma_wait3A_1077, %dma_wait3A_1078] : memref<64x100000xf32, #tpu.memory_space<hbm>> -> memref<64x128xf32, #tpu.memory_space<hbm>>
      tpu.wait_dma2 semaphore(%arg21 : memref<!tpu.dma_semaphore, #tpu.memory_space<semaphore_mem>>) src(%dma_wait3A_1079 : memref<64x128xf32, #tpu.memory_space<hbm>>) dst(%arg17 : memref<64x128xf32, #tpu.memory_space<vmem>>)
      %slice3A_1080 = vector.extract_strided_slice %get3A_121 {offsets = [11], sizes = [1], strides = [1]} : vector<16xi32> to vector<1xi32>
      %squeeze3A_1081 = vector.extract %slice3A_1080[0] : i32 from vector<1xi32>
      %and3A_1082 = arith.constant 127 : i32
      %and3A_1083 = arith.andi %squeeze3A_1081, %and3A_1082 : i32
      %broadcast_in_dim3A_1084 = vector.broadcast %and3A_1083 : i32 to vector<16xi32>
      %broadcast_in_dim3A_1085 = vector.broadcast %add3A_1034 : i32 to vector<16xi32>
      %add3A_1086 = arith.constant 0 : i32
      %add3A_1087 = vector.broadcast %add3A_1086 : i32 to vector<16xi32>
      %add3A_1088 = arith.addi %add3A_1087, %iota3A : vector<16xi32>
      %gather3A_1089 = tpu.vector_load_idx %arg17[%add3A_1088, %broadcast_in_dim3A_1084] : memref<64x128xf32, #tpu.memory_space<vmem>>[vector<16xi32>, vector<16xi32>], vector<16xf32>,
      tpu.vector_store_idx %arg19[%add3A_1088, %broadcast_in_dim3A_1085], %gather3A_1089 : memref<64x128xf32, #tpu.memory_space<vmem>>[vector<16xi32>, vector<16xi32>], vector<16xf32>,
      %add3A_1090 = arith.constant 16 : i32
      %add3A_1091 = vector.broadcast %add3A_1090 : i32 to vector<16xi32>
      %add3A_1092 = arith.addi %add3A_1091, %iota3A : vector<16xi32>
      %gather3A_1093 = tpu.vector_load_idx %arg17[%add3A_1092, %broadcast_in_dim3A_1084] : memref<64x128xf32, #tpu.memory_space<vmem>>[vector<16xi32>, vector<16xi32>], vector<16xf32>,
      tpu.vector_store_idx %arg19[%add3A_1092, %broadcast_in_dim3A_1085], %gather3A_1093 : memref<64x128xf32, #tpu.memory_space<vmem>>[vector<16xi32>, vector<16xi32>], vector<16xf32>,
      %add3A_1094 = arith.constant 32 : i32
      %add3A_1095 = vector.broadcast %add3A_1094 : i32 to vector<16xi32>
      %add3A_1096 = arith.addi %add3A_1095, %iota3A : vector<16xi32>
      %gather3A_1097 = tpu.vector_load_idx %arg17[%add3A_1096, %broadcast_in_dim3A_1084] : memref<64x128xf32, #tpu.memory_space<vmem>>[vector<16xi32>, vector<16xi32>], vector<16xf32>,
      tpu.vector_store_idx %arg19[%add3A_1096, %broadcast_in_dim3A_1085], %gather3A_1097 : memref<64x128xf32, #tpu.memory_space<vmem>>[vector<16xi32>, vector<16xi32>], vector<16xf32>,
      %add3A_1098 = arith.constant 48 : i32
      %add3A_1099 = vector.broadcast %add3A_1098 : i32 to vector<16xi32>
      %add3A_1100 = arith.addi %add3A_1099, %iota3A : vector<16xi32>
      %gather3A_1101 = tpu.vector_load_idx %arg17[%add3A_1100, %broadcast_in_dim3A_1084] : memref<64x128xf32, #tpu.memory_space<vmem>>[vector<16xi32>, vector<16xi32>], vector<16xf32>,
      tpu.vector_store_idx %arg19[%add3A_1100, %broadcast_in_dim3A_1085], %gather3A_1101 : memref<64x128xf32, #tpu.memory_space<vmem>>[vector<16xi32>, vector<16xi32>], vector<16xf32>,
      %slice3A_1102 = vector.extract_strided_slice %get3A_121 {offsets = [15], sizes = [1], strides = [1]} : vector<16xi32> to vector<1xi32>
      %squeeze3A_1103 = vector.extract %slice3A_1102[0] : i32 from vector<1xi32>
      %shift_right_arithmetic3A_1104 = arith.constant 7 : i32
      %shift_right_arithmetic3A_1105 = arith.shrsi %squeeze3A_1103, %shift_right_arithmetic3A_1104 : i32
      %mul3A_1106 = arith.constant 128 : i32
      %mul3A_1107 = arith.muli %shift_right_arithmetic3A_1105, %mul3A_1106 : i32
      %multiple_of3A_1108 = tpu.assume_multiple %mul3A_1107, 128 : i32
      %dma_start3A_1109 = arith.constant 0 : i32
      %dma_start3A_1110 = tpu.memref_slice %arg5[%dma_start3A_1109, %multiple_of3A_1108] : memref<64x100000xf32, #tpu.memory_space<hbm>> -> memref<64x128xf32, #tpu.memory_space<hbm>>
      %dma_start3A_1111 = arith.constant 0 : i32
      %dma_start3A_1112 = tpu.memref_slice %arg5[%dma_start3A_1111, %multiple_of3A_1108] : memref<64x100000xf32, #tpu.memory_space<hbm>> -> memref<64x128xf32, #tpu.memory_space<hbm>>
      tpu.enqueue_dma source(%dma_start3A_1112 : memref<64x128xf32, #tpu.memory_space<hbm>>) target(%arg17 : memref<64x128xf32, #tpu.memory_space<vmem>>) target_semaphore(%arg21 : memref<!tpu.dma_semaphore, #tpu.memory_space<semaphore_mem>>)
      %mul3A_1113 = arith.constant 16 : i32
      %mul3A_1114 = arith.muli %add3A_113, %mul3A_1113 : i32
      %add3A_1115 = arith.constant 12 : i32
      %add3A_1116 = arith.addi %mul3A_1114, %add3A_1115 : i32
      %dma_wait3A_1117 = arith.constant 0 : i32
      %dma_wait3A_1118 = arith.constant 0 : i32
      %dma_wait3A_1119 = tpu.memref_slice %arg4[%dma_wait3A_1117, %dma_wait3A_1118] : memref<64x1000000xf32, #tpu.memory_space<hbm>> -> memref<64x128xf32, #tpu.memory_space<hbm>>
      %dma_wait3A_1120 = arith.constant 0 : i32
      %dma_wait3A_1121 = arith.constant 0 : i32
      %dma_wait3A_1122 = tpu.memref_slice %arg4[%dma_wait3A_1120, %dma_wait3A_1121] : memref<64x1000000xf32, #tpu.memory_space<hbm>> -> memref<64x128xf32, #tpu.memory_space<hbm>>
      tpu.wait_dma2 semaphore(%arg20 : memref<!tpu.dma_semaphore, #tpu.memory_space<semaphore_mem>>) src(%dma_wait3A_1122 : memref<64x128xf32, #tpu.memory_space<hbm>>) dst(%arg10 : memref<64x128xf32, #tpu.memory_space<vmem>>)
      %slice3A_1123 = vector.extract_strided_slice %get3A_117 {offsets = [12], sizes = [1], strides = [1]} : vector<16xi32> to vector<1xi32>
      %squeeze3A_1124 = vector.extract %slice3A_1123[0] : i32 from vector<1xi32>
      %and3A_1125 = arith.constant 127 : i32
      %and3A_1126 = arith.andi %squeeze3A_1124, %and3A_1125 : i32
      %broadcast_in_dim3A_1127 = vector.broadcast %and3A_1126 : i32 to vector<16xi32>
      %broadcast_in_dim3A_1128 = vector.broadcast %add3A_1116 : i32 to vector<16xi32>
      %add3A_1129 = arith.constant 0 : i32
      %add3A_1130 = vector.broadcast %add3A_1129 : i32 to vector<16xi32>
      %add3A_1131 = arith.addi %add3A_1130, %iota3A : vector<16xi32>
      %gather3A_1132 = tpu.vector_load_idx %arg10[%add3A_1131, %broadcast_in_dim3A_1127] : memref<64x128xf32, #tpu.memory_space<vmem>>[vector<16xi32>, vector<16xi32>], vector<16xf32>,
      tpu.vector_store_idx %arg18[%add3A_1131, %broadcast_in_dim3A_1128], %gather3A_1132 : memref<64x128xf32, #tpu.memory_space<vmem>>[vector<16xi32>, vector<16xi32>], vector<16xf32>,
      %add3A_1133 = arith.constant 16 : i32
      %add3A_1134 = vector.broadcast %add3A_1133 : i32 to vector<16xi32>
      %add3A_1135 = arith.addi %add3A_1134, %iota3A : vector<16xi32>
      %gather3A_1136 = tpu.vector_load_idx %arg10[%add3A_1135, %broadcast_in_dim3A_1127] : memref<64x128xf32, #tpu.memory_space<vmem>>[vector<16xi32>, vector<16xi32>], vector<16xf32>,
      tpu.vector_store_idx %arg18[%add3A_1135, %broadcast_in_dim3A_1128], %gather3A_1136 : memref<64x128xf32, #tpu.memory_space<vmem>>[vector<16xi32>, vector<16xi32>], vector<16xf32>,
      %add3A_1137 = arith.constant 32 : i32
      %add3A_1138 = vector.broadcast %add3A_1137 : i32 to vector<16xi32>
      %add3A_1139 = arith.addi %add3A_1138, %iota3A : vector<16xi32>
      %gather3A_1140 = tpu.vector_load_idx %arg10[%add3A_1139, %broadcast_in_dim3A_1127] : memref<64x128xf32, #tpu.memory_space<vmem>>[vector<16xi32>, vector<16xi32>], vector<16xf32>,
      tpu.vector_store_idx %arg18[%add3A_1139, %broadcast_in_dim3A_1128], %gather3A_1140 : memref<64x128xf32, #tpu.memory_space<vmem>>[vector<16xi32>, vector<16xi32>], vector<16xf32>,
      %add3A_1141 = arith.constant 48 : i32
      %add3A_1142 = vector.broadcast %add3A_1141 : i32 to vector<16xi32>
      %add3A_1143 = arith.addi %add3A_1142, %iota3A : vector<16xi32>
      %gather3A_1144 = tpu.vector_load_idx %arg10[%add3A_1143, %broadcast_in_dim3A_1127] : memref<64x128xf32, #tpu.memory_space<vmem>>[vector<16xi32>, vector<16xi32>], vector<16xf32>,
      tpu.vector_store_idx %arg18[%add3A_1143, %broadcast_in_dim3A_1128], %gather3A_1144 : memref<64x128xf32, #tpu.memory_space<vmem>>[vector<16xi32>, vector<16xi32>], vector<16xf32>,
      %convert_element_type3A = arith.extui %lt3A_131 : i1 to i32
      %cond3A = arith.constant 0 : i32
      %cond3A_1145 = arith.cmpi ne, %convert_element_type3A, %cond3A : i32
      scf.if %cond3A_1145 {
        %slice3A_1375 = vector.extract_strided_slice %get3A_128 {offsets = [0], sizes = [1], strides = [1]} : vector<16xi32> to vector<1xi32>
        %squeeze3A_1376 = vector.extract %slice3A_1375[0] : i32 from vector<1xi32>
        %shift_right_arithmetic3A_1377 = arith.constant 7 : i32
        %shift_right_arithmetic3A_1378 = arith.shrsi %squeeze3A_1376, %shift_right_arithmetic3A_1377 : i32
        %mul3A_1379 = arith.constant 128 : i32
        %mul3A_1380 = arith.muli %shift_right_arithmetic3A_1378, %mul3A_1379 : i32
        %multiple_of3A_1381 = tpu.assume_multiple %mul3A_1380, 128 : i32
        %dma_start3A_1382 = arith.constant 0 : i32
        %dma_start3A_1383 = tpu.memref_slice %arg4[%dma_start3A_1382, %multiple_of3A_1381] : memref<64x1000000xf32, #tpu.memory_space<hbm>> -> memref<64x128xf32, #tpu.memory_space<hbm>>
        %dma_start3A_1384 = arith.constant 0 : i32
        %dma_start3A_1385 = tpu.memref_slice %arg4[%dma_start3A_1384, %multiple_of3A_1381] : memref<64x1000000xf32, #tpu.memory_space<hbm>> -> memref<64x128xf32, #tpu.memory_space<hbm>>
        tpu.enqueue_dma source(%dma_start3A_1385 : memref<64x128xf32, #tpu.memory_space<hbm>>) target(%arg10 : memref<64x128xf32, #tpu.memory_space<vmem>>) target_semaphore(%arg20 : memref<!tpu.dma_semaphore, #tpu.memory_space<semaphore_mem>>)
      } else {
      }
      %dma_wait3A_1146 = arith.constant 0 : i32
      %dma_wait3A_1147 = arith.constant 0 : i32
      %dma_wait3A_1148 = tpu.memref_slice %arg5[%dma_wait3A_1146, %dma_wait3A_1147] : memref<64x100000xf32, #tpu.memory_space<hbm>> -> memref<64x128xf32, #tpu.memory_space<hbm>>
      %dma_wait3A_1149 = arith.constant 0 : i32
      %dma_wait3A_1150 = arith.constant 0 : i32
      %dma_wait3A_1151 = tpu.memref_slice %arg5[%dma_wait3A_1149, %dma_wait3A_1150] : memref<64x100000xf32, #tpu.memory_space<hbm>> -> memref<64x128xf32, #tpu.memory_space<hbm>>
      tpu.wait_dma2 semaphore(%arg21 : memref<!tpu.dma_semaphore, #tpu.memory_space<semaphore_mem>>) src(%dma_wait3A_1151 : memref<64x128xf32, #tpu.memory_space<hbm>>) dst(%arg14 : memref<64x128xf32, #tpu.memory_space<vmem>>)
      %slice3A_1152 = vector.extract_strided_slice %get3A_121 {offsets = [12], sizes = [1], strides = [1]} : vector<16xi32> to vector<1xi32>
      %squeeze3A_1153 = vector.extract %slice3A_1152[0] : i32 from vector<1xi32>
      %and3A_1154 = arith.constant 127 : i32
      %and3A_1155 = arith.andi %squeeze3A_1153, %and3A_1154 : i32
      %broadcast_in_dim3A_1156 = vector.broadcast %and3A_1155 : i32 to vector<16xi32>
      %broadcast_in_dim3A_1157 = vector.broadcast %add3A_1116 : i32 to vector<16xi32>
      %add3A_1158 = arith.constant 0 : i32
      %add3A_1159 = vector.broadcast %add3A_1158 : i32 to vector<16xi32>
      %add3A_1160 = arith.addi %add3A_1159, %iota3A : vector<16xi32>
      %gather3A_1161 = tpu.vector_load_idx %arg14[%add3A_1160, %broadcast_in_dim3A_1156] : memref<64x128xf32, #tpu.memory_space<vmem>>[vector<16xi32>, vector<16xi32>], vector<16xf32>,
      tpu.vector_store_idx %arg19[%add3A_1160, %broadcast_in_dim3A_1157], %gather3A_1161 : memref<64x128xf32, #tpu.memory_space<vmem>>[vector<16xi32>, vector<16xi32>], vector<16xf32>,
      %add3A_1162 = arith.constant 16 : i32
      %add3A_1163 = vector.broadcast %add3A_1162 : i32 to vector<16xi32>
      %add3A_1164 = arith.addi %add3A_1163, %iota3A : vector<16xi32>
      %gather3A_1165 = tpu.vector_load_idx %arg14[%add3A_1164, %broadcast_in_dim3A_1156] : memref<64x128xf32, #tpu.memory_space<vmem>>[vector<16xi32>, vector<16xi32>], vector<16xf32>,
      tpu.vector_store_idx %arg19[%add3A_1164, %broadcast_in_dim3A_1157], %gather3A_1165 : memref<64x128xf32, #tpu.memory_space<vmem>>[vector<16xi32>, vector<16xi32>], vector<16xf32>,
      %add3A_1166 = arith.constant 32 : i32
      %add3A_1167 = vector.broadcast %add3A_1166 : i32 to vector<16xi32>
      %add3A_1168 = arith.addi %add3A_1167, %iota3A : vector<16xi32>
      %gather3A_1169 = tpu.vector_load_idx %arg14[%add3A_1168, %broadcast_in_dim3A_1156] : memref<64x128xf32, #tpu.memory_space<vmem>>[vector<16xi32>, vector<16xi32>], vector<16xf32>,
      tpu.vector_store_idx %arg19[%add3A_1168, %broadcast_in_dim3A_1157], %gather3A_1169 : memref<64x128xf32, #tpu.memory_space<vmem>>[vector<16xi32>, vector<16xi32>], vector<16xf32>,
      %add3A_1170 = arith.constant 48 : i32
      %add3A_1171 = vector.broadcast %add3A_1170 : i32 to vector<16xi32>
      %add3A_1172 = arith.addi %add3A_1171, %iota3A : vector<16xi32>
      %gather3A_1173 = tpu.vector_load_idx %arg14[%add3A_1172, %broadcast_in_dim3A_1156] : memref<64x128xf32, #tpu.memory_space<vmem>>[vector<16xi32>, vector<16xi32>], vector<16xf32>,
      tpu.vector_store_idx %arg19[%add3A_1172, %broadcast_in_dim3A_1157], %gather3A_1173 : memref<64x128xf32, #tpu.memory_space<vmem>>[vector<16xi32>, vector<16xi32>], vector<16xf32>,
      %convert_element_type3A_1174 = arith.extui %lt3A_131 : i1 to i32
      %cond3A_1175 = arith.constant 0 : i32
      %cond3A_1176 = arith.cmpi ne, %convert_element_type3A_1174, %cond3A_1175 : i32
      scf.if %cond3A_1176 {
        %slice3A_1375 = vector.extract_strided_slice %get3A_130 {offsets = [0], sizes = [1], strides = [1]} : vector<16xi32> to vector<1xi32>
        %squeeze3A_1376 = vector.extract %slice3A_1375[0] : i32 from vector<1xi32>
        %shift_right_arithmetic3A_1377 = arith.constant 7 : i32
        %shift_right_arithmetic3A_1378 = arith.shrsi %squeeze3A_1376, %shift_right_arithmetic3A_1377 : i32
        %mul3A_1379 = arith.constant 128 : i32
        %mul3A_1380 = arith.muli %shift_right_arithmetic3A_1378, %mul3A_1379 : i32
        %multiple_of3A_1381 = tpu.assume_multiple %mul3A_1380, 128 : i32
        %dma_start3A_1382 = arith.constant 0 : i32
        %dma_start3A_1383 = tpu.memref_slice %arg5[%dma_start3A_1382, %multiple_of3A_1381] : memref<64x100000xf32, #tpu.memory_space<hbm>> -> memref<64x128xf32, #tpu.memory_space<hbm>>
        %dma_start3A_1384 = arith.constant 0 : i32
        %dma_start3A_1385 = tpu.memref_slice %arg5[%dma_start3A_1384, %multiple_of3A_1381] : memref<64x100000xf32, #tpu.memory_space<hbm>> -> memref<64x128xf32, #tpu.memory_space<hbm>>
        tpu.enqueue_dma source(%dma_start3A_1385 : memref<64x128xf32, #tpu.memory_space<hbm>>) target(%arg14 : memref<64x128xf32, #tpu.memory_space<vmem>>) target_semaphore(%arg21 : memref<!tpu.dma_semaphore, #tpu.memory_space<semaphore_mem>>)
      } else {
      }
      %mul3A_1177 = arith.constant 16 : i32
      %mul3A_1178 = arith.muli %add3A_113, %mul3A_1177 : i32
      %add3A_1179 = arith.constant 13 : i32
      %add3A_1180 = arith.addi %mul3A_1178, %add3A_1179 : i32
      %dma_wait3A_1181 = arith.constant 0 : i32
      %dma_wait3A_1182 = arith.constant 0 : i32
      %dma_wait3A_1183 = tpu.memref_slice %arg4[%dma_wait3A_1181, %dma_wait3A_1182] : memref<64x1000000xf32, #tpu.memory_space<hbm>> -> memref<64x128xf32, #tpu.memory_space<hbm>>
      %dma_wait3A_1184 = arith.constant 0 : i32
      %dma_wait3A_1185 = arith.constant 0 : i32
      %dma_wait3A_1186 = tpu.memref_slice %arg4[%dma_wait3A_1184, %dma_wait3A_1185] : memref<64x1000000xf32, #tpu.memory_space<hbm>> -> memref<64x128xf32, #tpu.memory_space<hbm>>
      tpu.wait_dma2 semaphore(%arg20 : memref<!tpu.dma_semaphore, #tpu.memory_space<semaphore_mem>>) src(%dma_wait3A_1186 : memref<64x128xf32, #tpu.memory_space<hbm>>) dst(%arg11 : memref<64x128xf32, #tpu.memory_space<vmem>>)
      %slice3A_1187 = vector.extract_strided_slice %get3A_117 {offsets = [13], sizes = [1], strides = [1]} : vector<16xi32> to vector<1xi32>
      %squeeze3A_1188 = vector.extract %slice3A_1187[0] : i32 from vector<1xi32>
      %and3A_1189 = arith.constant 127 : i32
      %and3A_1190 = arith.andi %squeeze3A_1188, %and3A_1189 : i32
      %broadcast_in_dim3A_1191 = vector.broadcast %and3A_1190 : i32 to vector<16xi32>
      %broadcast_in_dim3A_1192 = vector.broadcast %add3A_1180 : i32 to vector<16xi32>
      %add3A_1193 = arith.constant 0 : i32
      %add3A_1194 = vector.broadcast %add3A_1193 : i32 to vector<16xi32>
      %add3A_1195 = arith.addi %add3A_1194, %iota3A : vector<16xi32>
      %gather3A_1196 = tpu.vector_load_idx %arg11[%add3A_1195, %broadcast_in_dim3A_1191] : memref<64x128xf32, #tpu.memory_space<vmem>>[vector<16xi32>, vector<16xi32>], vector<16xf32>,
      tpu.vector_store_idx %arg18[%add3A_1195, %broadcast_in_dim3A_1192], %gather3A_1196 : memref<64x128xf32, #tpu.memory_space<vmem>>[vector<16xi32>, vector<16xi32>], vector<16xf32>,
      %add3A_1197 = arith.constant 16 : i32
      %add3A_1198 = vector.broadcast %add3A_1197 : i32 to vector<16xi32>
      %add3A_1199 = arith.addi %add3A_1198, %iota3A : vector<16xi32>
      %gather3A_1200 = tpu.vector_load_idx %arg11[%add3A_1199, %broadcast_in_dim3A_1191] : memref<64x128xf32, #tpu.memory_space<vmem>>[vector<16xi32>, vector<16xi32>], vector<16xf32>,
      tpu.vector_store_idx %arg18[%add3A_1199, %broadcast_in_dim3A_1192], %gather3A_1200 : memref<64x128xf32, #tpu.memory_space<vmem>>[vector<16xi32>, vector<16xi32>], vector<16xf32>,
      %add3A_1201 = arith.constant 32 : i32
      %add3A_1202 = vector.broadcast %add3A_1201 : i32 to vector<16xi32>
      %add3A_1203 = arith.addi %add3A_1202, %iota3A : vector<16xi32>
      %gather3A_1204 = tpu.vector_load_idx %arg11[%add3A_1203, %broadcast_in_dim3A_1191] : memref<64x128xf32, #tpu.memory_space<vmem>>[vector<16xi32>, vector<16xi32>], vector<16xf32>,
      tpu.vector_store_idx %arg18[%add3A_1203, %broadcast_in_dim3A_1192], %gather3A_1204 : memref<64x128xf32, #tpu.memory_space<vmem>>[vector<16xi32>, vector<16xi32>], vector<16xf32>,
      %add3A_1205 = arith.constant 48 : i32
      %add3A_1206 = vector.broadcast %add3A_1205 : i32 to vector<16xi32>
      %add3A_1207 = arith.addi %add3A_1206, %iota3A : vector<16xi32>
      %gather3A_1208 = tpu.vector_load_idx %arg11[%add3A_1207, %broadcast_in_dim3A_1191] : memref<64x128xf32, #tpu.memory_space<vmem>>[vector<16xi32>, vector<16xi32>], vector<16xf32>,
      tpu.vector_store_idx %arg18[%add3A_1207, %broadcast_in_dim3A_1192], %gather3A_1208 : memref<64x128xf32, #tpu.memory_space<vmem>>[vector<16xi32>, vector<16xi32>], vector<16xf32>,
      %convert_element_type3A_1209 = arith.extui %lt3A_131 : i1 to i32
      %cond3A_1210 = arith.constant 0 : i32
      %cond3A_1211 = arith.cmpi ne, %convert_element_type3A_1209, %cond3A_1210 : i32
      scf.if %cond3A_1211 {
        %slice3A_1375 = vector.extract_strided_slice %get3A_128 {offsets = [1], sizes = [1], strides = [1]} : vector<16xi32> to vector<1xi32>
        %squeeze3A_1376 = vector.extract %slice3A_1375[0] : i32 from vector<1xi32>
        %shift_right_arithmetic3A_1377 = arith.constant 7 : i32
        %shift_right_arithmetic3A_1378 = arith.shrsi %squeeze3A_1376, %shift_right_arithmetic3A_1377 : i32
        %mul3A_1379 = arith.constant 128 : i32
        %mul3A_1380 = arith.muli %shift_right_arithmetic3A_1378, %mul3A_1379 : i32
        %multiple_of3A_1381 = tpu.assume_multiple %mul3A_1380, 128 : i32
        %dma_start3A_1382 = arith.constant 0 : i32
        %dma_start3A_1383 = tpu.memref_slice %arg4[%dma_start3A_1382, %multiple_of3A_1381] : memref<64x1000000xf32, #tpu.memory_space<hbm>> -> memref<64x128xf32, #tpu.memory_space<hbm>>
        %dma_start3A_1384 = arith.constant 0 : i32
        %dma_start3A_1385 = tpu.memref_slice %arg4[%dma_start3A_1384, %multiple_of3A_1381] : memref<64x1000000xf32, #tpu.memory_space<hbm>> -> memref<64x128xf32, #tpu.memory_space<hbm>>
        tpu.enqueue_dma source(%dma_start3A_1385 : memref<64x128xf32, #tpu.memory_space<hbm>>) target(%arg11 : memref<64x128xf32, #tpu.memory_space<vmem>>) target_semaphore(%arg20 : memref<!tpu.dma_semaphore, #tpu.memory_space<semaphore_mem>>)
      } else {
      }
      %dma_wait3A_1212 = arith.constant 0 : i32
      %dma_wait3A_1213 = arith.constant 0 : i32
      %dma_wait3A_1214 = tpu.memref_slice %arg5[%dma_wait3A_1212, %dma_wait3A_1213] : memref<64x100000xf32, #tpu.memory_space<hbm>> -> memref<64x128xf32, #tpu.memory_space<hbm>>
      %dma_wait3A_1215 = arith.constant 0 : i32
      %dma_wait3A_1216 = arith.constant 0 : i32
      %dma_wait3A_1217 = tpu.memref_slice %arg5[%dma_wait3A_1215, %dma_wait3A_1216] : memref<64x100000xf32, #tpu.memory_space<hbm>> -> memref<64x128xf32, #tpu.memory_space<hbm>>
      tpu.wait_dma2 semaphore(%arg21 : memref<!tpu.dma_semaphore, #tpu.memory_space<semaphore_mem>>) src(%dma_wait3A_1217 : memref<64x128xf32, #tpu.memory_space<hbm>>) dst(%arg15 : memref<64x128xf32, #tpu.memory_space<vmem>>)
      %slice3A_1218 = vector.extract_strided_slice %get3A_121 {offsets = [13], sizes = [1], strides = [1]} : vector<16xi32> to vector<1xi32>
      %squeeze3A_1219 = vector.extract %slice3A_1218[0] : i32 from vector<1xi32>
      %and3A_1220 = arith.constant 127 : i32
      %and3A_1221 = arith.andi %squeeze3A_1219, %and3A_1220 : i32
      %broadcast_in_dim3A_1222 = vector.broadcast %and3A_1221 : i32 to vector<16xi32>
      %broadcast_in_dim3A_1223 = vector.broadcast %add3A_1180 : i32 to vector<16xi32>
      %add3A_1224 = arith.constant 0 : i32
      %add3A_1225 = vector.broadcast %add3A_1224 : i32 to vector<16xi32>
      %add3A_1226 = arith.addi %add3A_1225, %iota3A : vector<16xi32>
      %gather3A_1227 = tpu.vector_load_idx %arg15[%add3A_1226, %broadcast_in_dim3A_1222] : memref<64x128xf32, #tpu.memory_space<vmem>>[vector<16xi32>, vector<16xi32>], vector<16xf32>,
      tpu.vector_store_idx %arg19[%add3A_1226, %broadcast_in_dim3A_1223], %gather3A_1227 : memref<64x128xf32, #tpu.memory_space<vmem>>[vector<16xi32>, vector<16xi32>], vector<16xf32>,
      %add3A_1228 = arith.constant 16 : i32
      %add3A_1229 = vector.broadcast %add3A_1228 : i32 to vector<16xi32>
      %add3A_1230 = arith.addi %add3A_1229, %iota3A : vector<16xi32>
      %gather3A_1231 = tpu.vector_load_idx %arg15[%add3A_1230, %broadcast_in_dim3A_1222] : memref<64x128xf32, #tpu.memory_space<vmem>>[vector<16xi32>, vector<16xi32>], vector<16xf32>,
      tpu.vector_store_idx %arg19[%add3A_1230, %broadcast_in_dim3A_1223], %gather3A_1231 : memref<64x128xf32, #tpu.memory_space<vmem>>[vector<16xi32>, vector<16xi32>], vector<16xf32>,
      %add3A_1232 = arith.constant 32 : i32
      %add3A_1233 = vector.broadcast %add3A_1232 : i32 to vector<16xi32>
      %add3A_1234 = arith.addi %add3A_1233, %iota3A : vector<16xi32>
      %gather3A_1235 = tpu.vector_load_idx %arg15[%add3A_1234, %broadcast_in_dim3A_1222] : memref<64x128xf32, #tpu.memory_space<vmem>>[vector<16xi32>, vector<16xi32>], vector<16xf32>,
      tpu.vector_store_idx %arg19[%add3A_1234, %broadcast_in_dim3A_1223], %gather3A_1235 : memref<64x128xf32, #tpu.memory_space<vmem>>[vector<16xi32>, vector<16xi32>], vector<16xf32>,
      %add3A_1236 = arith.constant 48 : i32
      %add3A_1237 = vector.broadcast %add3A_1236 : i32 to vector<16xi32>
      %add3A_1238 = arith.addi %add3A_1237, %iota3A : vector<16xi32>
      %gather3A_1239 = tpu.vector_load_idx %arg15[%add3A_1238, %broadcast_in_dim3A_1222] : memref<64x128xf32, #tpu.memory_space<vmem>>[vector<16xi32>, vector<16xi32>], vector<16xf32>,
      tpu.vector_store_idx %arg19[%add3A_1238, %broadcast_in_dim3A_1223], %gather3A_1239 : memref<64x128xf32, #tpu.memory_space<vmem>>[vector<16xi32>, vector<16xi32>], vector<16xf32>,
      %convert_element_type3A_1240 = arith.extui %lt3A_131 : i1 to i32
      %cond3A_1241 = arith.constant 0 : i32
      %cond3A_1242 = arith.cmpi ne, %convert_element_type3A_1240, %cond3A_1241 : i32
      scf.if %cond3A_1242 {
        %slice3A_1375 = vector.extract_strided_slice %get3A_130 {offsets = [1], sizes = [1], strides = [1]} : vector<16xi32> to vector<1xi32>
        %squeeze3A_1376 = vector.extract %slice3A_1375[0] : i32 from vector<1xi32>
        %shift_right_arithmetic3A_1377 = arith.constant 7 : i32
        %shift_right_arithmetic3A_1378 = arith.shrsi %squeeze3A_1376, %shift_right_arithmetic3A_1377 : i32
        %mul3A_1379 = arith.constant 128 : i32
        %mul3A_1380 = arith.muli %shift_right_arithmetic3A_1378, %mul3A_1379 : i32
        %multiple_of3A_1381 = tpu.assume_multiple %mul3A_1380, 128 : i32
        %dma_start3A_1382 = arith.constant 0 : i32
        %dma_start3A_1383 = tpu.memref_slice %arg5[%dma_start3A_1382, %multiple_of3A_1381] : memref<64x100000xf32, #tpu.memory_space<hbm>> -> memref<64x128xf32, #tpu.memory_space<hbm>>
        %dma_start3A_1384 = arith.constant 0 : i32
        %dma_start3A_1385 = tpu.memref_slice %arg5[%dma_start3A_1384, %multiple_of3A_1381] : memref<64x100000xf32, #tpu.memory_space<hbm>> -> memref<64x128xf32, #tpu.memory_space<hbm>>
        tpu.enqueue_dma source(%dma_start3A_1385 : memref<64x128xf32, #tpu.memory_space<hbm>>) target(%arg15 : memref<64x128xf32, #tpu.memory_space<vmem>>) target_semaphore(%arg21 : memref<!tpu.dma_semaphore, #tpu.memory_space<semaphore_mem>>)
      } else {
      }
      %mul3A_1243 = arith.constant 16 : i32
      %mul3A_1244 = arith.muli %add3A_113, %mul3A_1243 : i32
      %add3A_1245 = arith.constant 14 : i32
      %add3A_1246 = arith.addi %mul3A_1244, %add3A_1245 : i32
      %dma_wait3A_1247 = arith.constant 0 : i32
      %dma_wait3A_1248 = arith.constant 0 : i32
      %dma_wait3A_1249 = tpu.memref_slice %arg4[%dma_wait3A_1247, %dma_wait3A_1248] : memref<64x1000000xf32, #tpu.memory_space<hbm>> -> memref<64x128xf32, #tpu.memory_space<hbm>>
      %dma_wait3A_1250 = arith.constant 0 : i32
      %dma_wait3A_1251 = arith.constant 0 : i32
      %dma_wait3A_1252 = tpu.memref_slice %arg4[%dma_wait3A_1250, %dma_wait3A_1251] : memref<64x1000000xf32, #tpu.memory_space<hbm>> -> memref<64x128xf32, #tpu.memory_space<hbm>>
      tpu.wait_dma2 semaphore(%arg20 : memref<!tpu.dma_semaphore, #tpu.memory_space<semaphore_mem>>) src(%dma_wait3A_1252 : memref<64x128xf32, #tpu.memory_space<hbm>>) dst(%arg12 : memref<64x128xf32, #tpu.memory_space<vmem>>)
      %slice3A_1253 = vector.extract_strided_slice %get3A_117 {offsets = [14], sizes = [1], strides = [1]} : vector<16xi32> to vector<1xi32>
      %squeeze3A_1254 = vector.extract %slice3A_1253[0] : i32 from vector<1xi32>
      %and3A_1255 = arith.constant 127 : i32
      %and3A_1256 = arith.andi %squeeze3A_1254, %and3A_1255 : i32
      %broadcast_in_dim3A_1257 = vector.broadcast %and3A_1256 : i32 to vector<16xi32>
      %broadcast_in_dim3A_1258 = vector.broadcast %add3A_1246 : i32 to vector<16xi32>
      %add3A_1259 = arith.constant 0 : i32
      %add3A_1260 = vector.broadcast %add3A_1259 : i32 to vector<16xi32>
      %add3A_1261 = arith.addi %add3A_1260, %iota3A : vector<16xi32>
      %gather3A_1262 = tpu.vector_load_idx %arg12[%add3A_1261, %broadcast_in_dim3A_1257] : memref<64x128xf32, #tpu.memory_space<vmem>>[vector<16xi32>, vector<16xi32>], vector<16xf32>,
      tpu.vector_store_idx %arg18[%add3A_1261, %broadcast_in_dim3A_1258], %gather3A_1262 : memref<64x128xf32, #tpu.memory_space<vmem>>[vector<16xi32>, vector<16xi32>], vector<16xf32>,
      %add3A_1263 = arith.constant 16 : i32
      %add3A_1264 = vector.broadcast %add3A_1263 : i32 to vector<16xi32>
      %add3A_1265 = arith.addi %add3A_1264, %iota3A : vector<16xi32>
      %gather3A_1266 = tpu.vector_load_idx %arg12[%add3A_1265, %broadcast_in_dim3A_1257] : memref<64x128xf32, #tpu.memory_space<vmem>>[vector<16xi32>, vector<16xi32>], vector<16xf32>,
      tpu.vector_store_idx %arg18[%add3A_1265, %broadcast_in_dim3A_1258], %gather3A_1266 : memref<64x128xf32, #tpu.memory_space<vmem>>[vector<16xi32>, vector<16xi32>], vector<16xf32>,
      %add3A_1267 = arith.constant 32 : i32
      %add3A_1268 = vector.broadcast %add3A_1267 : i32 to vector<16xi32>
      %add3A_1269 = arith.addi %add3A_1268, %iota3A : vector<16xi32>
      %gather3A_1270 = tpu.vector_load_idx %arg12[%add3A_1269, %broadcast_in_dim3A_1257] : memref<64x128xf32, #tpu.memory_space<vmem>>[vector<16xi32>, vector<16xi32>], vector<16xf32>,
      tpu.vector_store_idx %arg18[%add3A_1269, %broadcast_in_dim3A_1258], %gather3A_1270 : memref<64x128xf32, #tpu.memory_space<vmem>>[vector<16xi32>, vector<16xi32>], vector<16xf32>,
      %add3A_1271 = arith.constant 48 : i32
      %add3A_1272 = vector.broadcast %add3A_1271 : i32 to vector<16xi32>
      %add3A_1273 = arith.addi %add3A_1272, %iota3A : vector<16xi32>
      %gather3A_1274 = tpu.vector_load_idx %arg12[%add3A_1273, %broadcast_in_dim3A_1257] : memref<64x128xf32, #tpu.memory_space<vmem>>[vector<16xi32>, vector<16xi32>], vector<16xf32>,
      tpu.vector_store_idx %arg18[%add3A_1273, %broadcast_in_dim3A_1258], %gather3A_1274 : memref<64x128xf32, #tpu.memory_space<vmem>>[vector<16xi32>, vector<16xi32>], vector<16xf32>,
      %convert_element_type3A_1275 = arith.extui %lt3A_131 : i1 to i32
      %cond3A_1276 = arith.constant 0 : i32
      %cond3A_1277 = arith.cmpi ne, %convert_element_type3A_1275, %cond3A_1276 : i32
      scf.if %cond3A_1277 {
        %slice3A_1375 = vector.extract_strided_slice %get3A_128 {offsets = [2], sizes = [1], strides = [1]} : vector<16xi32> to vector<1xi32>
        %squeeze3A_1376 = vector.extract %slice3A_1375[0] : i32 from vector<1xi32>
        %shift_right_arithmetic3A_1377 = arith.constant 7 : i32
        %shift_right_arithmetic3A_1378 = arith.shrsi %squeeze3A_1376, %shift_right_arithmetic3A_1377 : i32
        %mul3A_1379 = arith.constant 128 : i32
        %mul3A_1380 = arith.muli %shift_right_arithmetic3A_1378, %mul3A_1379 : i32
        %multiple_of3A_1381 = tpu.assume_multiple %mul3A_1380, 128 : i32
        %dma_start3A_1382 = arith.constant 0 : i32
        %dma_start3A_1383 = tpu.memref_slice %arg4[%dma_start3A_1382, %multiple_of3A_1381] : memref<64x1000000xf32, #tpu.memory_space<hbm>> -> memref<64x128xf32, #tpu.memory_space<hbm>>
        %dma_start3A_1384 = arith.constant 0 : i32
        %dma_start3A_1385 = tpu.memref_slice %arg4[%dma_start3A_1384, %multiple_of3A_1381] : memref<64x1000000xf32, #tpu.memory_space<hbm>> -> memref<64x128xf32, #tpu.memory_space<hbm>>
        tpu.enqueue_dma source(%dma_start3A_1385 : memref<64x128xf32, #tpu.memory_space<hbm>>) target(%arg12 : memref<64x128xf32, #tpu.memory_space<vmem>>) target_semaphore(%arg20 : memref<!tpu.dma_semaphore, #tpu.memory_space<semaphore_mem>>)
      } else {
      }
      %dma_wait3A_1278 = arith.constant 0 : i32
      %dma_wait3A_1279 = arith.constant 0 : i32
      %dma_wait3A_1280 = tpu.memref_slice %arg5[%dma_wait3A_1278, %dma_wait3A_1279] : memref<64x100000xf32, #tpu.memory_space<hbm>> -> memref<64x128xf32, #tpu.memory_space<hbm>>
      %dma_wait3A_1281 = arith.constant 0 : i32
      %dma_wait3A_1282 = arith.constant 0 : i32
      %dma_wait3A_1283 = tpu.memref_slice %arg5[%dma_wait3A_1281, %dma_wait3A_1282] : memref<64x100000xf32, #tpu.memory_space<hbm>> -> memref<64x128xf32, #tpu.memory_space<hbm>>
      tpu.wait_dma2 semaphore(%arg21 : memref<!tpu.dma_semaphore, #tpu.memory_space<semaphore_mem>>) src(%dma_wait3A_1283 : memref<64x128xf32, #tpu.memory_space<hbm>>) dst(%arg16 : memref<64x128xf32, #tpu.memory_space<vmem>>)
      %slice3A_1284 = vector.extract_strided_slice %get3A_121 {offsets = [14], sizes = [1], strides = [1]} : vector<16xi32> to vector<1xi32>
      %squeeze3A_1285 = vector.extract %slice3A_1284[0] : i32 from vector<1xi32>
      %and3A_1286 = arith.constant 127 : i32
      %and3A_1287 = arith.andi %squeeze3A_1285, %and3A_1286 : i32
      %broadcast_in_dim3A_1288 = vector.broadcast %and3A_1287 : i32 to vector<16xi32>
      %broadcast_in_dim3A_1289 = vector.broadcast %add3A_1246 : i32 to vector<16xi32>
      %add3A_1290 = arith.constant 0 : i32
      %add3A_1291 = vector.broadcast %add3A_1290 : i32 to vector<16xi32>
      %add3A_1292 = arith.addi %add3A_1291, %iota3A : vector<16xi32>
      %gather3A_1293 = tpu.vector_load_idx %arg16[%add3A_1292, %broadcast_in_dim3A_1288] : memref<64x128xf32, #tpu.memory_space<vmem>>[vector<16xi32>, vector<16xi32>], vector<16xf32>,
      tpu.vector_store_idx %arg19[%add3A_1292, %broadcast_in_dim3A_1289], %gather3A_1293 : memref<64x128xf32, #tpu.memory_space<vmem>>[vector<16xi32>, vector<16xi32>], vector<16xf32>,
      %add3A_1294 = arith.constant 16 : i32
      %add3A_1295 = vector.broadcast %add3A_1294 : i32 to vector<16xi32>
      %add3A_1296 = arith.addi %add3A_1295, %iota3A : vector<16xi32>
      %gather3A_1297 = tpu.vector_load_idx %arg16[%add3A_1296, %broadcast_in_dim3A_1288] : memref<64x128xf32, #tpu.memory_space<vmem>>[vector<16xi32>, vector<16xi32>], vector<16xf32>,
      tpu.vector_store_idx %arg19[%add3A_1296, %broadcast_in_dim3A_1289], %gather3A_1297 : memref<64x128xf32, #tpu.memory_space<vmem>>[vector<16xi32>, vector<16xi32>], vector<16xf32>,
      %add3A_1298 = arith.constant 32 : i32
      %add3A_1299 = vector.broadcast %add3A_1298 : i32 to vector<16xi32>
      %add3A_1300 = arith.addi %add3A_1299, %iota3A : vector<16xi32>
      %gather3A_1301 = tpu.vector_load_idx %arg16[%add3A_1300, %broadcast_in_dim3A_1288] : memref<64x128xf32, #tpu.memory_space<vmem>>[vector<16xi32>, vector<16xi32>], vector<16xf32>,
      tpu.vector_store_idx %arg19[%add3A_1300, %broadcast_in_dim3A_1289], %gather3A_1301 : memref<64x128xf32, #tpu.memory_space<vmem>>[vector<16xi32>, vector<16xi32>], vector<16xf32>,
      %add3A_1302 = arith.constant 48 : i32
      %add3A_1303 = vector.broadcast %add3A_1302 : i32 to vector<16xi32>
      %add3A_1304 = arith.addi %add3A_1303, %iota3A : vector<16xi32>
      %gather3A_1305 = tpu.vector_load_idx %arg16[%add3A_1304, %broadcast_in_dim3A_1288] : memref<64x128xf32, #tpu.memory_space<vmem>>[vector<16xi32>, vector<16xi32>], vector<16xf32>,
      tpu.vector_store_idx %arg19[%add3A_1304, %broadcast_in_dim3A_1289], %gather3A_1305 : memref<64x128xf32, #tpu.memory_space<vmem>>[vector<16xi32>, vector<16xi32>], vector<16xf32>,
      %convert_element_type3A_1306 = arith.extui %lt3A_131 : i1 to i32
      %cond3A_1307 = arith.constant 0 : i32
      %cond3A_1308 = arith.cmpi ne, %convert_element_type3A_1306, %cond3A_1307 : i32
      scf.if %cond3A_1308 {
        %slice3A_1375 = vector.extract_strided_slice %get3A_130 {offsets = [2], sizes = [1], strides = [1]} : vector<16xi32> to vector<1xi32>
        %squeeze3A_1376 = vector.extract %slice3A_1375[0] : i32 from vector<1xi32>
        %shift_right_arithmetic3A_1377 = arith.constant 7 : i32
        %shift_right_arithmetic3A_1378 = arith.shrsi %squeeze3A_1376, %shift_right_arithmetic3A_1377 : i32
        %mul3A_1379 = arith.constant 128 : i32
        %mul3A_1380 = arith.muli %shift_right_arithmetic3A_1378, %mul3A_1379 : i32
        %multiple_of3A_1381 = tpu.assume_multiple %mul3A_1380, 128 : i32
        %dma_start3A_1382 = arith.constant 0 : i32
        %dma_start3A_1383 = tpu.memref_slice %arg5[%dma_start3A_1382, %multiple_of3A_1381] : memref<64x100000xf32, #tpu.memory_space<hbm>> -> memref<64x128xf32, #tpu.memory_space<hbm>>
        %dma_start3A_1384 = arith.constant 0 : i32
        %dma_start3A_1385 = tpu.memref_slice %arg5[%dma_start3A_1384, %multiple_of3A_1381] : memref<64x100000xf32, #tpu.memory_space<hbm>> -> memref<64x128xf32, #tpu.memory_space<hbm>>
        tpu.enqueue_dma source(%dma_start3A_1385 : memref<64x128xf32, #tpu.memory_space<hbm>>) target(%arg16 : memref<64x128xf32, #tpu.memory_space<vmem>>) target_semaphore(%arg21 : memref<!tpu.dma_semaphore, #tpu.memory_space<semaphore_mem>>)
      } else {
      }
      %mul3A_1309 = arith.constant 16 : i32
      %mul3A_1310 = arith.muli %add3A_113, %mul3A_1309 : i32
      %add3A_1311 = arith.constant 15 : i32
      %add3A_1312 = arith.addi %mul3A_1310, %add3A_1311 : i32
      %dma_wait3A_1313 = arith.constant 0 : i32
      %dma_wait3A_1314 = arith.constant 0 : i32
      %dma_wait3A_1315 = tpu.memref_slice %arg4[%dma_wait3A_1313, %dma_wait3A_1314] : memref<64x1000000xf32, #tpu.memory_space<hbm>> -> memref<64x128xf32, #tpu.memory_space<hbm>>
      %dma_wait3A_1316 = arith.constant 0 : i32
      %dma_wait3A_1317 = arith.constant 0 : i32
      %dma_wait3A_1318 = tpu.memref_slice %arg4[%dma_wait3A_1316, %dma_wait3A_1317] : memref<64x1000000xf32, #tpu.memory_space<hbm>> -> memref<64x128xf32, #tpu.memory_space<hbm>>
      tpu.wait_dma2 semaphore(%arg20 : memref<!tpu.dma_semaphore, #tpu.memory_space<semaphore_mem>>) src(%dma_wait3A_1318 : memref<64x128xf32, #tpu.memory_space<hbm>>) dst(%arg13 : memref<64x128xf32, #tpu.memory_space<vmem>>)
      %slice3A_1319 = vector.extract_strided_slice %get3A_117 {offsets = [15], sizes = [1], strides = [1]} : vector<16xi32> to vector<1xi32>
      %squeeze3A_1320 = vector.extract %slice3A_1319[0] : i32 from vector<1xi32>
      %and3A_1321 = arith.constant 127 : i32
      %and3A_1322 = arith.andi %squeeze3A_1320, %and3A_1321 : i32
      %broadcast_in_dim3A_1323 = vector.broadcast %and3A_1322 : i32 to vector<16xi32>
      %broadcast_in_dim3A_1324 = vector.broadcast %add3A_1312 : i32 to vector<16xi32>
      %add3A_1325 = arith.constant 0 : i32
      %add3A_1326 = vector.broadcast %add3A_1325 : i32 to vector<16xi32>
      %add3A_1327 = arith.addi %add3A_1326, %iota3A : vector<16xi32>
      %gather3A_1328 = tpu.vector_load_idx %arg13[%add3A_1327, %broadcast_in_dim3A_1323] : memref<64x128xf32, #tpu.memory_space<vmem>>[vector<16xi32>, vector<16xi32>], vector<16xf32>,
      tpu.vector_store_idx %arg18[%add3A_1327, %broadcast_in_dim3A_1324], %gather3A_1328 : memref<64x128xf32, #tpu.memory_space<vmem>>[vector<16xi32>, vector<16xi32>], vector<16xf32>,
      %add3A_1329 = arith.constant 16 : i32
      %add3A_1330 = vector.broadcast %add3A_1329 : i32 to vector<16xi32>
      %add3A_1331 = arith.addi %add3A_1330, %iota3A : vector<16xi32>
      %gather3A_1332 = tpu.vector_load_idx %arg13[%add3A_1331, %broadcast_in_dim3A_1323] : memref<64x128xf32, #tpu.memory_space<vmem>>[vector<16xi32>, vector<16xi32>], vector<16xf32>,
      tpu.vector_store_idx %arg18[%add3A_1331, %broadcast_in_dim3A_1324], %gather3A_1332 : memref<64x128xf32, #tpu.memory_space<vmem>>[vector<16xi32>, vector<16xi32>], vector<16xf32>,
      %add3A_1333 = arith.constant 32 : i32
      %add3A_1334 = vector.broadcast %add3A_1333 : i32 to vector<16xi32>
      %add3A_1335 = arith.addi %add3A_1334, %iota3A : vector<16xi32>
      %gather3A_1336 = tpu.vector_load_idx %arg13[%add3A_1335, %broadcast_in_dim3A_1323] : memref<64x128xf32, #tpu.memory_space<vmem>>[vector<16xi32>, vector<16xi32>], vector<16xf32>,
      tpu.vector_store_idx %arg18[%add3A_1335, %broadcast_in_dim3A_1324], %gather3A_1336 : memref<64x128xf32, #tpu.memory_space<vmem>>[vector<16xi32>, vector<16xi32>], vector<16xf32>,
      %add3A_1337 = arith.constant 48 : i32
      %add3A_1338 = vector.broadcast %add3A_1337 : i32 to vector<16xi32>
      %add3A_1339 = arith.addi %add3A_1338, %iota3A : vector<16xi32>
      %gather3A_1340 = tpu.vector_load_idx %arg13[%add3A_1339, %broadcast_in_dim3A_1323] : memref<64x128xf32, #tpu.memory_space<vmem>>[vector<16xi32>, vector<16xi32>], vector<16xf32>,
      tpu.vector_store_idx %arg18[%add3A_1339, %broadcast_in_dim3A_1324], %gather3A_1340 : memref<64x128xf32, #tpu.memory_space<vmem>>[vector<16xi32>, vector<16xi32>], vector<16xf32>,
      %convert_element_type3A_1341 = arith.extui %lt3A_131 : i1 to i32
      %cond3A_1342 = arith.constant 0 : i32
      %cond3A_1343 = arith.cmpi ne, %convert_element_type3A_1341, %cond3A_1342 : i32
      scf.if %cond3A_1343 {
        %slice3A_1375 = vector.extract_strided_slice %get3A_128 {offsets = [3], sizes = [1], strides = [1]} : vector<16xi32> to vector<1xi32>
        %squeeze3A_1376 = vector.extract %slice3A_1375[0] : i32 from vector<1xi32>
        %shift_right_arithmetic3A_1377 = arith.constant 7 : i32
        %shift_right_arithmetic3A_1378 = arith.shrsi %squeeze3A_1376, %shift_right_arithmetic3A_1377 : i32
        %mul3A_1379 = arith.constant 128 : i32
        %mul3A_1380 = arith.muli %shift_right_arithmetic3A_1378, %mul3A_1379 : i32
        %multiple_of3A_1381 = tpu.assume_multiple %mul3A_1380, 128 : i32
        %dma_start3A_1382 = arith.constant 0 : i32
        %dma_start3A_1383 = tpu.memref_slice %arg4[%dma_start3A_1382, %multiple_of3A_1381] : memref<64x1000000xf32, #tpu.memory_space<hbm>> -> memref<64x128xf32, #tpu.memory_space<hbm>>
        %dma_start3A_1384 = arith.constant 0 : i32
        %dma_start3A_1385 = tpu.memref_slice %arg4[%dma_start3A_1384, %multiple_of3A_1381] : memref<64x1000000xf32, #tpu.memory_space<hbm>> -> memref<64x128xf32, #tpu.memory_space<hbm>>
        tpu.enqueue_dma source(%dma_start3A_1385 : memref<64x128xf32, #tpu.memory_space<hbm>>) target(%arg13 : memref<64x128xf32, #tpu.memory_space<vmem>>) target_semaphore(%arg20 : memref<!tpu.dma_semaphore, #tpu.memory_space<semaphore_mem>>)
      } else {
      }
      %dma_wait3A_1344 = arith.constant 0 : i32
      %dma_wait3A_1345 = arith.constant 0 : i32
      %dma_wait3A_1346 = tpu.memref_slice %arg5[%dma_wait3A_1344, %dma_wait3A_1345] : memref<64x100000xf32, #tpu.memory_space<hbm>> -> memref<64x128xf32, #tpu.memory_space<hbm>>
      %dma_wait3A_1347 = arith.constant 0 : i32
      %dma_wait3A_1348 = arith.constant 0 : i32
      %dma_wait3A_1349 = tpu.memref_slice %arg5[%dma_wait3A_1347, %dma_wait3A_1348] : memref<64x100000xf32, #tpu.memory_space<hbm>> -> memref<64x128xf32, #tpu.memory_space<hbm>>
      tpu.wait_dma2 semaphore(%arg21 : memref<!tpu.dma_semaphore, #tpu.memory_space<semaphore_mem>>) src(%dma_wait3A_1349 : memref<64x128xf32, #tpu.memory_space<hbm>>) dst(%arg17 : memref<64x128xf32, #tpu.memory_space<vmem>>)
      %slice3A_1350 = vector.extract_strided_slice %get3A_121 {offsets = [15], sizes = [1], strides = [1]} : vector<16xi32> to vector<1xi32>
      %squeeze3A_1351 = vector.extract %slice3A_1350[0] : i32 from vector<1xi32>
      %and3A_1352 = arith.constant 127 : i32
      %and3A_1353 = arith.andi %squeeze3A_1351, %and3A_1352 : i32
      %broadcast_in_dim3A_1354 = vector.broadcast %and3A_1353 : i32 to vector<16xi32>
      %broadcast_in_dim3A_1355 = vector.broadcast %add3A_1312 : i32 to vector<16xi32>
      %add3A_1356 = arith.constant 0 : i32
      %add3A_1357 = vector.broadcast %add3A_1356 : i32 to vector<16xi32>
      %add3A_1358 = arith.addi %add3A_1357, %iota3A : vector<16xi32>
      %gather3A_1359 = tpu.vector_load_idx %arg17[%add3A_1358, %broadcast_in_dim3A_1354] : memref<64x128xf32, #tpu.memory_space<vmem>>[vector<16xi32>, vector<16xi32>], vector<16xf32>,
      tpu.vector_store_idx %arg19[%add3A_1358, %broadcast_in_dim3A_1355], %gather3A_1359 : memref<64x128xf32, #tpu.memory_space<vmem>>[vector<16xi32>, vector<16xi32>], vector<16xf32>,
      %add3A_1360 = arith.constant 16 : i32
      %add3A_1361 = vector.broadcast %add3A_1360 : i32 to vector<16xi32>
      %add3A_1362 = arith.addi %add3A_1361, %iota3A : vector<16xi32>
      %gather3A_1363 = tpu.vector_load_idx %arg17[%add3A_1362, %broadcast_in_dim3A_1354] : memref<64x128xf32, #tpu.memory_space<vmem>>[vector<16xi32>, vector<16xi32>], vector<16xf32>,
      tpu.vector_store_idx %arg19[%add3A_1362, %broadcast_in_dim3A_1355], %gather3A_1363 : memref<64x128xf32, #tpu.memory_space<vmem>>[vector<16xi32>, vector<16xi32>], vector<16xf32>,
      %add3A_1364 = arith.constant 32 : i32
      %add3A_1365 = vector.broadcast %add3A_1364 : i32 to vector<16xi32>
      %add3A_1366 = arith.addi %add3A_1365, %iota3A : vector<16xi32>
      %gather3A_1367 = tpu.vector_load_idx %arg17[%add3A_1366, %broadcast_in_dim3A_1354] : memref<64x128xf32, #tpu.memory_space<vmem>>[vector<16xi32>, vector<16xi32>], vector<16xf32>,
      tpu.vector_store_idx %arg19[%add3A_1366, %broadcast_in_dim3A_1355], %gather3A_1367 : memref<64x128xf32, #tpu.memory_space<vmem>>[vector<16xi32>, vector<16xi32>], vector<16xf32>,
      %add3A_1368 = arith.constant 48 : i32
      %add3A_1369 = vector.broadcast %add3A_1368 : i32 to vector<16xi32>
      %add3A_1370 = arith.addi %add3A_1369, %iota3A : vector<16xi32>
      %gather3A_1371 = tpu.vector_load_idx %arg17[%add3A_1370, %broadcast_in_dim3A_1354] : memref<64x128xf32, #tpu.memory_space<vmem>>[vector<16xi32>, vector<16xi32>], vector<16xf32>,
      tpu.vector_store_idx %arg19[%add3A_1370, %broadcast_in_dim3A_1355], %gather3A_1371 : memref<64x128xf32, #tpu.memory_space<vmem>>[vector<16xi32>, vector<16xi32>], vector<16xf32>,
      %convert_element_type3A_1372 = arith.extui %lt3A_131 : i1 to i32
      %cond3A_1373 = arith.constant 0 : i32
      %cond3A_1374 = arith.cmpi ne, %convert_element_type3A_1372, %cond3A_1373 : i32
      scf.if %cond3A_1374 {
        %slice3A_1375 = vector.extract_strided_slice %get3A_130 {offsets = [3], sizes = [1], strides = [1]} : vector<16xi32> to vector<1xi32>
        %squeeze3A_1376 = vector.extract %slice3A_1375[0] : i32 from vector<1xi32>
        %shift_right_arithmetic3A_1377 = arith.constant 7 : i32
        %shift_right_arithmetic3A_1378 = arith.shrsi %squeeze3A_1376, %shift_right_arithmetic3A_1377 : i32
        %mul3A_1379 = arith.constant 128 : i32
        %mul3A_1380 = arith.muli %shift_right_arithmetic3A_1378, %mul3A_1379 : i32
        %multiple_of3A_1381 = tpu.assume_multiple %mul3A_1380, 128 : i32
        %dma_start3A_1382 = arith.constant 0 : i32
        %dma_start3A_1383 = tpu.memref_slice %arg5[%dma_start3A_1382, %multiple_of3A_1381] : memref<64x100000xf32, #tpu.memory_space<hbm>> -> memref<64x128xf32, #tpu.memory_space<hbm>>
        %dma_start3A_1384 = arith.constant 0 : i32
        %dma_start3A_1385 = tpu.memref_slice %arg5[%dma_start3A_1384, %multiple_of3A_1381] : memref<64x100000xf32, #tpu.memory_space<hbm>> -> memref<64x128xf32, #tpu.memory_space<hbm>>
        tpu.enqueue_dma source(%dma_start3A_1385 : memref<64x128xf32, #tpu.memory_space<hbm>>) target(%arg17 : memref<64x128xf32, #tpu.memory_space<vmem>>) target_semaphore(%arg21 : memref<!tpu.dma_semaphore, #tpu.memory_space<semaphore_mem>>)
      } else {
      }
    }
    %scan3A_93 = arith.constant 8 : i32
    %dma_start3A_94 = arith.constant 0 : i32
    %dma_start3A_95 = tpu.memref_slice %arg6[%dma_start3A_94, %multiple_of3A] : memref<64x4096xf32, #tpu.memory_space<hbm>> -> memref<64x128xf32, #tpu.memory_space<hbm>>
    %dma_start3A_96 = arith.constant 0 : i32
    %dma_start3A_97 = tpu.memref_slice %arg6[%dma_start3A_96, %multiple_of3A] : memref<64x4096xf32, #tpu.memory_space<hbm>> -> memref<64x128xf32, #tpu.memory_space<hbm>>
    tpu.enqueue_dma source(%arg18 : memref<64x128xf32, #tpu.memory_space<vmem>>) target(%dma_start3A_97 : memref<64x128xf32, #tpu.memory_space<hbm>>) target_semaphore(%arg20 : memref<!tpu.dma_semaphore, #tpu.memory_space<semaphore_mem>>)
    %dma_start3A_98 = arith.constant 0 : i32
    %dma_start3A_99 = tpu.memref_slice %arg7[%dma_start3A_98, %multiple_of3A] : memref<64x4096xf32, #tpu.memory_space<hbm>> -> memref<64x128xf32, #tpu.memory_space<hbm>>
    %dma_start3A_100 = arith.constant 0 : i32
    %dma_start3A_101 = tpu.memref_slice %arg7[%dma_start3A_100, %multiple_of3A] : memref<64x4096xf32, #tpu.memory_space<hbm>> -> memref<64x128xf32, #tpu.memory_space<hbm>>
    tpu.enqueue_dma source(%arg19 : memref<64x128xf32, #tpu.memory_space<vmem>>) target(%dma_start3A_101 : memref<64x128xf32, #tpu.memory_space<hbm>>) target_semaphore(%arg21 : memref<!tpu.dma_semaphore, #tpu.memory_space<semaphore_mem>>)
    %dma_wait3A = arith.constant 0 : i32
    %dma_wait3A_102 = tpu.memref_slice %arg6[%dma_wait3A, %multiple_of3A] : memref<64x4096xf32, #tpu.memory_space<hbm>> -> memref<64x128xf32, #tpu.memory_space<hbm>>
    %dma_wait3A_103 = arith.constant 0 : i32
    %dma_wait3A_104 = tpu.memref_slice %arg6[%dma_wait3A_103, %multiple_of3A] : memref<64x4096xf32, #tpu.memory_space<hbm>> -> memref<64x128xf32, #tpu.memory_space<hbm>>
    tpu.wait_dma2 semaphore(%arg20 : memref<!tpu.dma_semaphore, #tpu.memory_space<semaphore_mem>>) src(%arg18 : memref<64x128xf32, #tpu.memory_space<vmem>>) dst(%dma_wait3A_104 : memref<64x128xf32, #tpu.memory_space<hbm>>)
    %dma_wait3A_105 = arith.constant 0 : i32
    %dma_wait3A_106 = tpu.memref_slice %arg7[%dma_wait3A_105, %multiple_of3A] : memref<64x4096xf32, #tpu.memory_space<hbm>> -> memref<64x128xf32, #tpu.memory_space<hbm>>
    %dma_wait3A_107 = arith.constant 0 : i32
    %dma_wait3A_108 = tpu.memref_slice %arg7[%dma_wait3A_107, %multiple_of3A] : memref<64x4096xf32, #tpu.memory_space<hbm>> -> memref<64x128xf32, #tpu.memory_space<hbm>>
    tpu.wait_dma2 semaphore(%arg21 : memref<!tpu.dma_semaphore, #tpu.memory_space<semaphore_mem>>) src(%arg19 : memref<64x128xf32, #tpu.memory_space<vmem>>) dst(%dma_wait3A_108 : memref<64x128xf32, #tpu.memory_space<hbm>>)
    return
  }
}

</mosaic_0001>

<sc_bundles>
// kernel: kernel.3.cloned.1.call-start
scs
__scs_entry_jumppad:
0x0: {  	(pc) =	sbr.rel $0x88, $3  }
0x1: {  	(tag) =	ssettag $0x0;
	lr =	simm.s32 $0x1  }
0x2: {  	[smem:$0x3F9D] =	sst lr;
	_ =	strace $0xD0000000  }
0x3: {  	_ = 	snop  }
0x4: {  	_ = 	snop  }
0x5: {  	_ = 	snop  }
0x6: {  	_ = 	snop  }
0x7: {  	_ = 	snop  }
__scs_overlays_trampoline_lowered:
0x8: {  	[smem:$0x3FAC] =	sst s0  }
0x9: {  	[smem:$0x3FAD] =	sst s1  }
0xa: {  	[smem:$0x3FAE] =	sst s2  }
0xb: {  	[smem:$0x3FAF] =	sst s3  }
0xc: {  	[smem:$0x3FB0] =	sst s4  }
0xd: {  	[smem:$0x3FB1] =	sst s5  }
0xe: {  	[smem:$0x3FB2] =	sst s6  }
0xf: {  	[smem:$0x3FB3] =	sst s7  }
0x10: {  	[smem:$0x3FB4] =	sst s8  }
0x11: {  	[smem:$0x3FB5] =	sst s9;
	s0 =	simm.s32 @!p0 $0x0  }
0x12: {  	s1 =	sld [smem:$0x3F9B];
	s0 =	simm.s32 @p0 $0x1  }
0x13: {  	[smem:$0x3FB6] =	sst s0;
	s0 =	simm.s32 @!p1 $0x0  }
0x14: {  	s2 =	sld [smem:$0x3F9A];
	s0 =	simm.s32 @p1 $0x1  }
0x15: {  	[smem:$0x3FB7] =	sst s0;
	s0 =	simm.s32 @!p2 $0x0  }
0x16: {  	s3 =	sld [smem:$0x3FDB];
	s0 =	simm.s32 @p2 $0x1  }
0x17: {  	s4 =	simm.s32 $0x1BF5;
	[smem:$0x3FB9] =	sst s0  }
0x18: {  	s0 =	sld [smem:$0x3F9C];
	_ =	swait.ge [sflag:s4], $0x0  }
0x19: {  	s7 =	sld [smem:$0x3F9D]  }
0x1a: {  	s8 =	sadd.s32 $0xFFFFE003, lr  }
0x1b: {  	s9 =	sadd.s32 $0xFFFFFEF7, lr;
	s5 =	simm.s32 $0xFFFFFFFF;
	p2 =	slt.u32 s8, $0xFFFFF086  }
0x1c: {  	p1 =	slt.u32 s9, $0xF7A;
	s5 =	simm.s32 @!p2 $0x0  }
0x1d: {  	s5 =	simm.s32 @p1 $0x1;
	p0 =	seq.s32 s7, s2  }
0x1e: {  	s7 =	smul.u32 @!p0 $0xF7A, s2;
	p2 =	seq.s32 @!p0 s5, $0x0  }
0x1f: {  	s9 =	smul.u32 $0xF7A, s1;
	s8 =	simm.s32 @!p0 $0x1BF5;
	p2 =	por !p2, p0  }
0x20: {  	[sflag:s8] =	ssyncset.s32 @!p0 $0xFFFFF086;
	s6 =	sadd.s32 @!p0 s3, s7;
	s7 =	simm.s32 @!p0 $0x108  }
0x21: {  	s3 =	sadd.s32 s3, s9;
	s6 =	sadd.s32 @!p0 $0x88, s6;
	s7 =	simm.s32 @p2 $0x1082  }
0x22: {  	[simem:s7], [sflag:s8] =	dma.local @!p0 [hbm:s6], $0xF7A  }
0x23: {  	s9 =	sor.u32 $0xD0000000, s2;
	s6 =	simm.s32 $0x108;
	_ =	swait.ge @!p0 [sflag:s8], $0x0  }
0x24: {  	s3 =	sadd.s32 $0x88, s3;
	s6 =	simm.s32 @!p1 $0x1082;
	[sflag:s4] =	ssyncset.s32 $0xFFFFF086  }
0x25: {  	[simem:s6], [sflag:s4] =	dma.local [hbm:s3], $0xF7A  }
0x26: {  	[smem:$0x3F9D] =	sst s1;
	(tag) =	ssettag s2;
	_ =	strace s9  }
0x27: {  	s1 =	sld [smem:$0x3FAD]  }
0x28: {  	s2 =	sld [smem:$0x3FAE]  }
0x29: {  	s4 =	sld [smem:$0x3FB0]  }
0x2a: {  	p0 =	seq.s32 s5, $0x0;
	s5 =	sld [smem:$0x3FB1]  }
0x2b: {  	s6 =	sld [smem:$0x3FB2]  }
0x2c: {  	s7 =	sld [smem:$0x3FB3]  }
0x2d: {  	s3 =	simm.s32 $0x108;
	s8 =	sld [smem:$0x3FB4]  }
0x2e: {  	s3 =	simm.s32 @!p0 $0x1082;
	s9 =	sld [smem:$0x3FB5]  }
0x2f: {  	lr =	sadd.s32 s0, s3;
	s0 =	sld [smem:$0x3FAC]  }
0x30: {  	s3 =	sld [smem:$0x3FAF]  }
0x31: {  	[smem:$0x3FB8] =	sst s10  }
0x32: {  	s10 =	sld [smem:$0x3FB6];
	_ =	sdelay $0x3  }
0x33: {  	p0 =	seq.s32 s10, $0x1;
	s10 =	sld [smem:$0x3FB8];
	_ =	sdelay $0x3  }
0x34: {  	[smem:$0x3FB8] =	sst s10  }
0x35: {  	s10 =	sld [smem:$0x3FB7];
	_ =	sdelay $0x3  }
0x36: {  	p1 =	seq.s32 s10, $0x1;
	s10 =	sld [smem:$0x3FB8];
	_ =	sdelay $0x3  }
0x37: {  	[smem:$0x3FB8] =	sst s10  }
0x38: {  	s10 =	sld [smem:$0x3FB9]  }
0x39: {  	_ = 	snop;
	(pc) =	sbr.ind lr, $3  }
0x3a: {  	_ = 	snop  }
0x3b: {  	_ = 	snop  }
0x3c: {  	p2 =	seq.s32 s10, $0x1;
	s10 =	sld [smem:$0x3FB8]  }
0x3d: {  	_ =	shalt  }
0x3e: {  	_ =	shalt  }
0x3f: {  	_ =	shalt  }
0x40: {  	_ =	shalt  }
0x41: {  	_ =	shalt  }
0x42: {  	_ =	shalt  }
0x43: {  	_ =	shalt  }
0x44: {  	_ =	shalt  }
0x45: {  	_ =	shalt  }
0x46: {  	_ =	shalt  }
0x47: {  	_ =	shalt  }
0x48: {  	_ =	shalt  }
0x49: {  	_ =	shalt  }
0x4a: {  	_ =	shalt  }
0x4b: {  	_ =	shalt  }
0x4c: {  	_ =	shalt  }
0x4d: {  	_ =	shalt  }
0x4e: {  	_ =	shalt  }
0x4f: {  	_ =	shalt  }
0x50: {  	_ =	shalt  }
0x51: {  	_ =	shalt  }
0x52: {  	_ =	shalt  }
0x53: {  	_ =	shalt  }
0x54: {  	_ =	shalt  }
0x55: {  	_ =	shalt  }
0x56: {  	_ =	shalt  }
0x57: {  	_ =	shalt  }
0x58: {  	_ =	shalt  }
0x59: {  	_ =	shalt  }
0x5a: {  	_ =	shalt  }
0x5b: {  	_ =	shalt  }
0x5c: {  	_ =	shalt  }
0x5d: {  	_ =	shalt  }
0x5e: {  	_ =	shalt  }
0x5f: {  	_ =	shalt  }
0x60: {  	_ =	shalt  }
0x61: {  	_ =	shalt  }
0x62: {  	_ =	shalt  }
0x63: {  	_ =	shalt  }
0x64: {  	_ =	shalt  }
0x65: {  	_ =	shalt  }
0x66: {  	_ =	shalt  }
0x67: {  	_ =	shalt  }
0x68: {  	_ =	shalt  }
0x69: {  	_ =	shalt  }
0x6a: {  	_ =	shalt  }
0x6b: {  	_ =	shalt  }
0x6c: {  	_ =	shalt  }
0x6d: {  	_ =	shalt  }
0x6e: {  	_ =	shalt  }
0x6f: {  	_ =	shalt  }
0x70: {  	_ =	shalt  }
0x71: {  	_ =	shalt  }
0x72: {  	_ =	shalt  }
0x73: {  	_ =	shalt  }
0x74: {  	_ =	shalt  }
0x75: {  	_ =	shalt  }
0x76: {  	_ =	shalt  }
0x77: {  	_ =	shalt  }
0x78: {  	_ =	shalt  }
0x79: {  	_ =	shalt  }
0x7a: {  	_ =	shalt  }
0x7b: {  	_ =	shalt  }
0x7c: {  	_ =	shalt  }
0x7d: {  	_ =	shalt  }
0x7e: {  	_ =	shalt  }
0x7f: {  	_ =	shalt  }
0x80: {  	_ =	shalt  }
0x81: {  	_ =	shalt  }
0x82: {  	_ =	shalt  }
0x83: {  	_ =	shalt  }
0x84: {  	_ =	shalt  }
0x85: {  	_ =	shalt  }
0x86: {  	_ =	shalt  }
0x87: {  	_ =	shalt  }
.Lfunc_end0:
.L_simem_size_0:
called_computation_lowered:
.L_overlay_start_0:
0x88: {  	s2 =	sld [smem:$0x3FD9]  }
0x89: {  	s3 =	sld [smem:$0x3FFE];
	_ =	sdelay $0x1  }
0x8a: {  	s1 =	srdreg.scid  }
0x8b: {  	s0 =	sand.u32 $0x1, s1  }
0x8c: {  	s15 =	sshll.u32 s0, $0xA;
	s2 =	sadd.s32 s3, s2  }
0x8d: {  	s2 =	sadd.s32 s2, s15  }
0x8e: {  	[smem:$0x3FC4] =	sst s2  }
0x8f: {  	_ = 	snop  }
0x90: {  	s2 =	sld [smem:$0x3FC9]  }
0x91: {  	s16 =	sld [smem:$0x3FD0]  }
0x92: {  	s4 =	sld [smem:$0x3FC8]  }
0x93: {  	s5 =	sld [smem:$0x3FC7]  }
0x94: {  	s7 =	simm.s32 $0xA;
	s8 =	simm.s32 $0x10;
	s6 =	sld [smem:$0x3FC6]  }
0x95: {  	[smem:s8], [sflag:s7] =	dma.local [hbm:s16], $0x1  }
0x96: {  	_ =	swait.eq [sflag:s7], $0x1  }
0x97: {  	[sflag:s7] =	ssyncset.done $0x0  }
0x98: {  	s17 =	sld [smem:$0x10];
	[sflag:s7] =	ssyncadd.s32 $0xFFFFFFFF  }
0x99: {  	s18 =	sld [smem:$0x11];
	(tm) =	ssettm $0x1  }
0x9a: {  	s19 =	sld [smem:$0x3FFB];
	_ =	sdelay $0x3  }
0x9b: {  	_ =	strace s19  }
0x9c: {  	s8 =	sld [smem:$0x3FFC];
	_ =	sdelay $0x3  }
0x9d: {  	_ =	strace s8  }
0x9e: {  	s8 =	sld [smem:$0x3FFD];
	_ =	sdelay $0x3  }
0x9f: {  	_ =	strace s8  }
0xa0: {  	_ =	strace $0x8FFFFFFF  }
0xa1: {  	s20 =	sld [smem:$0x3FDB];
	_ =	sdelay $0x1  }
0xa2: {  	s9 =	simm.s32 $_scs_section_size  }
0xa3: {  	s10 =	simm.s32 $_size__tile_overlayer_lowered;
	s11 =	simm.s32 $_tile_overlayer_lowered  }
0xa4: {  	s23 =	simm.s32 $0x1BFF;
	s22 =	sshll.u32 s11, $0x1;
	s8 =	sadd.s32 s9, s20  }
0xa5: {  	s12 =	simm.s32 $0x0;
	s21 =	sshll.u32 s10, $0x1;
	s10 =	sadd.s32 s22, s8  }
0xa6: {  	[timem:s12], [sflag:s23] =	dma.local [hbm:s10], s21  }
0xa7: {  	_ =	swait.ge [sflag:s23], s21  }
0xa8: {  	s9 =	ssub.s32 $0x0, s21;
	[sflag:s23] =	ssyncset.done $0x0  }
0xa9: {  	[sflag:s23] =	ssyncadd.s32 s9;
	_ =	sdelay $0x1  }
0xaa: {  	s24 =	simm.s32 $0x1B8B  }
0xab: {  	_ =	swait.ge [sflag:s24], $0x1  }
0xac: {  	[sflag:s24] =	ssyncset.done $0x0  }
0xad: {  	s25 =	simm.s32 $0x1B8E;
	[sflag:s24] =	ssyncadd.s32 $0xFFFFFFFF  }
0xae: {  	s26 =	simm.s32 $execute0_lowered;
	[smem:$0x3FD2] =	sst s25  }
0xaf: {  	s9 =	sshll.u32 s26, $0x1;
	_ =	strace $0x80000046;
	[dreg:$0x1] =	wrdreg $0xFFFFFFFF  }
0xb0: {  	s28 =	simm.s32 $_size_execute0_lowered;
	s8 =	sadd.s32 s8, s9;
	[dreg:$0x0] =	wrdreg $0x0  }
0xb1: {  	s9 =	sshll.u32 s28, $0x1;
	[dreg:$0x2] =	wrdreg s8  }
0xb2: {  	[dreg:$0x3] =	wrdreg s9  }
0xb3: {  	[dreg:$0x4] =	wrdreg $0xC0  }
0xb4: {  	_ =	task [dreg:s12], $0x5FFFF  }
0xb5: {  	[dreg:$0x1] =	wrdreg $0xFFFFFFFF  }
0xb6: {  	[dreg:$0x0] =	wrdreg $0x60  }
0xb7: {  	[dreg:$0x2] =	wrdreg s2  }
0xb8: {  	[dreg:$0x3] =	wrdreg s4  }
0xb9: {  	[dreg:$0x4] =	wrdreg s5  }
0xba: {  	[dreg:$0x5] =	wrdreg s6  }
0xbb: {  	[dreg:$0x6] =	wrdreg s17  }
0xbc: {  	[dreg:$0x7] =	wrdreg s18  }
0xbd: {  	[dreg:$0x8] =	wrdreg $0x9  }
0xbe: {  	_ =	task.clear_ibuf [dreg:s12], $0x9FFFF;
	_ =	strace $0x90000046  }
0xbf: {  	s29 =	simm.s32 $0x9;
	_ =	strace $0x80000048  }
0xc0: {  	_ =	swait.ge [sflag:s29], $0x1  }
0xc1: {  	[sflag:s29] =	ssyncadd.s32 $0xFFFFFFFF  }
0xc2: {  	_ =	strace $0x90000048  }
0xc3: {  	_ =	sfence  }
0xc4: {  	s30 =	sld [smem:$0x0];
	_ =	sdelay $0x2  }
0xc5: {  	s31 =	sshll.u32 s1, $0xD;
	s1 =	sshrl.u32 s1, $0x2  }
0xc6: {  	s3 =	sand.u32 $0x4000, s31;
	s1 =	sadd.s32 s1, s30  }
0xc7: {  	s0 =	sor.u32 s3, s0;
	s1 =	sshll.u32 s1, $0x11  }
0xc8: {  	s0 =	sor.u32 s1, s0  }
0xc9: {  	s0 =	sadd.s32 $0x8F2B, s0  }
0xca: {  	[sflag:s0] =	ssyncadd.remote.s32 $0x1  }
0xcb: {  	_ =	sfence.sel $0xFFFF  }
0xcc: {  	[dreg:$0x0] =	wrdreg $0xFFFFFFFF;
	(pc) =	sbr.abs _section_cstart, $3  }
0xcd: {  	[dreg:$0x1] =	wrdreg $0xFFFFFFFF  }
0xce: {  	_ =	task.clear_ibuf [dreg:s12], $0x2FFFF;
	_ =	strace $0x9FFFFFFF  }
0xcf: {  	(tm) =	ssettm $0x7FFFFFFF  }
tec
execute0_lowered:
.L_overlay_start_1:
0x0: {  	(tag) =	ssettag $0x1  }
0x1: {  	s0 =	rddreg [dreg:$0x0]  }
0x2: {  	s3 =	rddreg [dreg:$0x1]  }
0x3: {  	s1 =	rddreg [dreg:$0x2]  }
0x4: {  	s2 =	rddreg [dreg:$0x3]  }
0x5: {  	s4 =	rddreg [dreg:$0x4]  }
0x6: {  	s5 =	rddreg [dreg:$0x5];
	s6 =	srdreg.scid  }
0x7: {  	s8 =	stileid.u32;
	s9 =	simm.s32 $0x0;
	s11 =	simm.s32 $0x400  }
0x8: {  	s14 =	simm.s32 $0x7A1400;
	s13 =	simm.s32 $0x100;
	s15 =	simm.s32 $0x8100  }
0x9: {  	s16 =	simm.s32 $0x2100;
	s17 =	simm.s32 $0xA100;
	s18 =	simm.s32 $0x4100  }
0xa: {  	s19 =	simm.s32 $0xC100;
	s20 =	simm.s32 $0x6100;
	s21 =	simm.s32 $0xE100  }
0xb: {  	s22 =	simm.s32 $0x1;
	s6 =	sand.u32 $0x1, s6;
	s8 =	sshll.u32 s8, $0x1  }
0xc: {  	s23 =	simm.s32 $0x10100;
	s7 =	ssub.s32 $0x2, s6;
	s6 =	sor.u32 s6, s8  }
0xd: {  	s24 =	simm.s32 $0x2;
	[smem:$0x7FF] =	sst s9;
	s8 =	sshll.u32 s6, $0x4  }
0xe: {  	s29 =	simm.s32 $0xC3800;
	_ =	strace $0x80000047;
	s0 =	sadd.s32 s0, s8  }
0xf: {  	s28 =	sshll.u32 s6, $0x7;
	s26 =	sadd.s32 s3, s8;
	[dreg:$0x7] =	wrdreg s0  }
0x10: {  	v0 =	vlaneseq.u32;
	s25 =	sshrl.u32 s7, $0x1;
	s30 =	sadd.s32 s4, s28;
	[dreg:$0x8] =	wrdreg s26  }
0x11: {  	v0 =	vmul.u32 $0x80, v0;
	s7 =	ssub.s32 s7, s25;
	[dreg:$0x9] =	wrdreg s30;
	s0 =	sadd.s32 s5, s28  }
0x12: {  	s25 =	simm.s32 $0x12100;
	s31 =	smax.u32 s7, $0x1;
	[dreg:$0xa] =	wrdreg s0  }
0x13: {  	v1 =	vor.u32 $0x800, v0;
	v2 =	vor.u32 $0x1000, v0;
	v3 =	vor.u32 $0x1800, v0;
	s3 =	simm.s32 $0x0;
	s5 =	simm.s32 $0xC3800;
	[dreg:$0xb] =	wrdreg s31  }
.LBB2_1:
0x14: {  	[dreg:$0xc] =	wrdreg s3  }
0x15: {  	s0 =	simm.s32 $0x0;
	s8 =	rddreg [dreg:$0x7];
	s4 =	simm.s32 $0x3  }
0x16: {  	[tilespmem:s0], [sflag:$0x3] =	stream.linear.gather [hbm4b:s8+s0], $0x80, $0x38;
	[tilespmem:$0x14100] =	vst v63  }
0x17: {  	_ =	swait.ge [sflag:s4], $0x80  }
0x18: {  	[sflag:s4] =	ssyncset.done $0x0  }
0x19: {  	s6 =	simm.s32 $0x80;
	s9 =	rddreg [dreg:$0x8];
	[sflag:s4] =	ssyncadd.s32 $0xFFFFFF80  }
0x1a: {  	[tilespmem:s6], [sflag:$0x3] =	stream.linear.gather [hbm4b:s9+s0], $0x80, $0x38;
	[tilespmem:$0x14100] =	vst v63  }
0x1b: {  	_ =	swait.ge [sflag:s4], $0x80  }
0x1c: {  	[sflag:s4] =	ssyncset.done $0x0  }
0x1d: {  	[sflag:s4] =	ssyncadd.s32 $0xFFFFFF80  }
0x1e: {  	v4 =	vld [tilespmem:$0x0]  }
0x1f: {  	v5 =	vld [tilespmem:$0x80];
	_ =	sdelay $0x3  }
0x20: {  	(v2sf) =	vpush v4, $0x0  }
0x21: {  	(v2sf) =	vpush v5, $0x0;
	_ =	sdelay $0x1  }
0x22: {  	(v2sf) =	vpush v4, $0x1;
	_ =	sdelay $0x4  }
0x23: {  	(v2sf) =	vpush v5, $0x1  }
0x24: {  	(v2sf) =	vpush v4, $0x2;
	_ =	sdelay $0x5  }
0x25: {  	s10 =	spop (v2sf);
	(v2sf) =	vpush v5, $0x2  }
0x26: {  	s12 =	spop (v2sf);
	(v2sf) =	vpush v4, $0x3  }
0x27: {  	s0 =	sand.u32 $0xFFFFF80, s10  }
0x28: {  	s0 =	sadd.s32 s1, s0;
	s26 =	spop (v2sf)  }
0x29: {  	(v2sf) =	vpush v5, $0x3;
	[tilespmem:s13], [sflag:$0x1] =	stream.strided.gather [hbm4b:s0+s11], $0x2000, s14, s11, $0x38;
	[tilespmem:$0x14100] =	vst v63  }
0x2a: {  	s0 =	sand.u32 $0xFFFFF80, s12  }
0x2b: {  	s0 =	sadd.s32 s2, s0  }
0x2c: {  	[tilespmem:s15], [sflag:$0x2] =	stream.strided.gather [hbm4b:s0+s11], $0x2000, s5, s11, $0x38;
	[tilespmem:$0x14100] =	vst v63  }
0x2d: {  	s28 =	spop (v2sf);
	s0 =	sand.u32 $0xFFFFF80, s26  }
0x2e: {  	s4 =	sand.u32 $0xFFFFF80, s28;
	s7 =	spop (v2sf);
	s0 =	sadd.s32 s1, s0  }
0x2f: {  	[tilespmem:s16], [sflag:$0x1] =	stream.strided.gather [hbm4b:s0+s11], $0x2000, s14, s11, $0x38;
	[tilespmem:$0x14100] =	vst v63  }
0x30: {  	s8 =	sand.u32 $0xFFFFF80, s7;
	s0 =	sadd.s32 s2, s4  }
0x31: {  	[tilespmem:s17], [sflag:$0x2] =	stream.strided.gather [hbm4b:s0+s11], $0x2000, s5, s11, $0x38;
	[tilespmem:$0x14100] =	vst v63  }
0x32: {  	s0 =	sadd.s32 s1, s8  }
0x33: {  	[tilespmem:s18], [sflag:$0x1] =	stream.strided.gather [hbm4b:s0+s11], $0x2000, s14, s11, $0x38;
	[tilespmem:$0x14100] =	vst v63  }
0x34: {  	s9 =	spop (v2sf)  }
0x35: {  	s10 =	sand.u32 $0xFFFFF80, s9;
	s12 =	spop (v2sf)  }
0x36: {  	s0 =	sadd.s32 s2, s10;
	s26 =	sand.u32 $0xFFFFF80, s12  }
0x37: {  	[tilespmem:s19], [sflag:$0x2] =	stream.strided.gather [hbm4b:s0+s11], $0x2000, s5, s11, $0x38;
	[tilespmem:$0x14100] =	vst v63  }
0x38: {  	s28 =	spop (v2sf);
	s0 =	sadd.s32 s1, s26  }
0x39: {  	[tilespmem:s20], [sflag:$0x1] =	stream.strided.gather [hbm4b:s0+s11], $0x2000, s14, s11, $0x38;
	[tilespmem:$0x14100] =	vst v63  }
0x3a: {  	s0 =	sand.u32 $0xFFFFF80, s28  }
0x3b: {  	s0 =	sadd.s32 s2, s0  }
0x3c: {  	[tilespmem:s21], [sflag:$0x2] =	stream.strided.gather [hbm4b:s0+s11], $0x2000, s5, s11, $0x38;
	[tilespmem:$0x14100] =	vst v63  }
0x3d: {  	s30 =	simm.s32 $0xF;
	s31 =	simm.s32 $0x0;
	s0 =	simm.s32 $0x1  }
.LBB2_2:
0x3e: {  	v7 =	vld [tilespmem:s31+$0x0]  }
0x3f: {  	s3 =	smin.u32 s0, $0x7  }
0x40: {  	v6 =	vld [tilespmem:s6+$0x0];
	s3 =	sshll.u32 s3, $0x4  }
0x41: {  	[dreg:$0xd] =	wrdreg s6;
	v5 =	vld [tilespmem:s3+$0x0]  }
0x42: {  	v4 =	vld [tilespmem:s3+$0x80];
	_ =	swait.ge [sflag:s22], $0x2000  }
0x43: {  	(v2sf) =	vpush v7, $0x0;
	_ =	sdelay $0xe  }
0x44: {  	s28 =	spop (v2sf)  }
0x45: {  	s3 =	sand.u32 $0x7F, s28  }
0x46: {  	s4 =	sadd.s32 $0xFFFFFFF1, s30;
	v8 =	vor.u32 s3, v0  }
0x47: {  	v9 =	vmov s4  }
0x48: {  	v9 =	vand.u32 $0x70, v9  }
0x49: {  	[sflag:s22] =	ssyncset.done $0x0;
	v9 =	vbroadcast v9, $0x0  }
0x4a: {  	[sflag:s22] =	ssyncadd.s32 $0xFFFFE000  }
0x4b: {  	v10 =	vor.u32 v0, v9;
	v8 =	vld.idx.msk [tilespmem:v8+s13+$0x0], $0xffff  }
0x4c: {  	v11 =	vor.u32 s3, v1;
	_ =	sdelay $0x3  }
0x4d: {  	[tilespmem:v10+s23+$0x0] =	vst.idx.msk $0xffff, v8  }
0x4e: {  	v26 =	vor.u32 v1, v9;
	(v2sf) =	vpush v7, $0x4;
	v8 =	vld.idx.msk [tilespmem:v11+s13+$0x0], $0xffff  }
0x4f: {  	v12 =	vor.u32 s3, v2;
	_ =	sdelay $0x3  }
0x50: {  	[tilespmem:v26+s23+$0x0] =	vst.idx.msk $0xffff, v8  }
0x51: {  	v27 =	vor.u32 v2, v9;
	v8 =	vld.idx.msk [tilespmem:v12+s13+$0x0], $0xffff  }
0x52: {  	v13 =	vor.u32 s3, v3;
	_ =	sdelay $0x3  }
0x53: {  	[tilespmem:v27+s23+$0x0] =	vst.idx.msk $0xffff, v8  }
0x54: {  	v9 =	vor.u32 v3, v9;
	v8 =	vld.idx.msk [tilespmem:v13+s13+$0x0], $0xffff;
	_ =	sdelay $0x2  }
0x55: {  	s5 =	spop (v2sf)  }
0x56: {  	s4 =	sand.u32 $0xFFFFF80, s5  }
0x57: {  	s3 =	sadd.s32 s1, s4;
	[tilespmem:v9+s23+$0x0] =	vst.idx.msk $0xffff, v8  }
0x58: {  	[tilespmem:s13], [sflag:$0x1] =	stream.strided.gather [hbm4b:s3+s11], $0x2000, s14, s11, $0x38;
	[tilespmem:$0x14100] =	vst v63  }
0x59: {  	_ =	swait.ge [sflag:s24], $0x2000  }
0x5a: {  	(v2sf) =	vpush v6, $0x0;
	_ =	sdelay $0xe  }
0x5b: {  	s6 =	spop (v2sf)  }
0x5c: {  	s3 =	sand.u32 $0x7F, s6  }
0x5d: {  	v28 =	vor.u32 s3, v0;
	_ =	sdelay $0x2  }
0x5e: {  	[sflag:s24] =	ssyncset.done $0x0  }
0x5f: {  	[sflag:s24] =	ssyncadd.s32 $0xFFFFE000  }
0x60: {  	v8 =	vld.idx.msk [tilespmem:v28+s15+$0x0], $0xffff  }
0x61: {  	v29 =	vor.u32 s3, v1;
	_ =	sdelay $0x3  }
0x62: {  	[tilespmem:v10+s25+$0x0] =	vst.idx.msk $0xffff, v8  }
0x63: {  	(v2sf) =	vpush v6, $0x4;
	v8 =	vld.idx.msk [tilespmem:v29+s15+$0x0], $0xffff  }
0x64: {  	v30 =	vor.u32 s3, v2;
	_ =	sdelay $0x3  }
0x65: {  	[tilespmem:v26+s25+$0x0] =	vst.idx.msk $0xffff, v8  }
0x66: {  	v8 =	vld.idx.msk [tilespmem:v30+s15+$0x0], $0xffff  }
0x67: {  	v31 =	vor.u32 s3, v3;
	_ =	sdelay $0x3  }
0x68: {  	[tilespmem:v27+s25+$0x0] =	vst.idx.msk $0xffff, v8  }
0x69: {  	v8 =	vld.idx.msk [tilespmem:v31+s15+$0x0], $0xffff;
	_ =	sdelay $0x2  }
0x6a: {  	s3 =	spop (v2sf)  }
0x6b: {  	s7 =	sand.u32 $0xFFFFF80, s3  }
0x6c: {  	s4 =	sadd.s32 s2, s7;
	[tilespmem:v9+s25+$0x0] =	vst.idx.msk $0xffff, v8  }
0x6d: {  	[tilespmem:s15], [sflag:$0x2] =	stream.strided.gather [hbm4b:s4+s11], $0x2000, s29, s11, $0x38;
	[tilespmem:$0x14100] =	vst v63  }
0x6e: {  	_ =	swait.ge [sflag:s22], $0x2000  }
0x6f: {  	(v2sf) =	vpush v7, $0x1;
	_ =	sdelay $0xe  }
0x70: {  	s8 =	spop (v2sf)  }
0x71: {  	s4 =	sand.u32 $0x7F, s8  }
0x72: {  	s9 =	sadd.s32 $0xFFFFFFF2, s30;
	v32 =	vor.u32 s4, v0  }
0x73: {  	v33 =	vmov s9  }
0x74: {  	v9 =	vand.u32 $0x71, v33  }
0x75: {  	v9 =	vbroadcast v9, $0x0;
	[sflag:s22] =	ssyncset.done $0x0  }
0x76: {  	[sflag:s22] =	ssyncadd.s32 $0xFFFFE000  }
0x77: {  	v34 =	vor.u32 v0, v9;
	v8 =	vld.idx.msk [tilespmem:v32+s16+$0x0], $0xffff  }
0x78: {  	v35 =	vor.u32 s4, v1;
	_ =	sdelay $0x3  }
0x79: {  	[tilespmem:v34+s23+$0x0] =	vst.idx.msk $0xffff, v8  }
0x7a: {  	v36 =	vor.u32 v1, v9;
	(v2sf) =	vpush v7, $0x5;
	v8 =	vld.idx.msk [tilespmem:v35+s16+$0x0], $0xffff  }
0x7b: {  	v37 =	vor.u32 s4, v2;
	_ =	sdelay $0x3  }
0x7c: {  	[tilespmem:v36+s23+$0x0] =	vst.idx.msk $0xffff, v8  }
0x7d: {  	v38 =	vor.u32 v2, v9;
	v8 =	vld.idx.msk [tilespmem:v37+s16+$0x0], $0xffff  }
0x7e: {  	v39 =	vor.u32 s4, v3;
	_ =	sdelay $0x3  }
0x7f: {  	[tilespmem:v38+s23+$0x0] =	vst.idx.msk $0xffff, v8  }
0x80: {  	v9 =	vor.u32 v3, v9;
	v8 =	vld.idx.msk [tilespmem:v39+s16+$0x0], $0xffff;
	_ =	sdelay $0x2  }
0x81: {  	s7 =	spop (v2sf)  }
0x82: {  	s10 =	sand.u32 $0xFFFFF80, s7  }
0x83: {  	s4 =	sadd.s32 s1, s10;
	[tilespmem:v9+s23+$0x0] =	vst.idx.msk $0xffff, v8  }
0x84: {  	[tilespmem:s16], [sflag:$0x1] =	stream.strided.gather [hbm4b:s4+s11], $0x2000, s14, s11, $0x38;
	[tilespmem:$0x14100] =	vst v63  }
0x85: {  	_ =	swait.ge [sflag:s24], $0x2000  }
0x86: {  	(v2sf) =	vpush v6, $0x1;
	_ =	sdelay $0xe  }
0x87: {  	s12 =	spop (v2sf)  }
0x88: {  	s4 =	sand.u32 $0x7F, s12  }
0x89: {  	v40 =	vor.u32 s4, v0;
	_ =	sdelay $0x2  }
0x8a: {  	[sflag:s24] =	ssyncset.done $0x0  }
0x8b: {  	[sflag:s24] =	ssyncadd.s32 $0xFFFFE000  }
0x8c: {  	v8 =	vld.idx.msk [tilespmem:v40+s17+$0x0], $0xffff  }
0x8d: {  	v41 =	vor.u32 s4, v1;
	_ =	sdelay $0x3  }
0x8e: {  	[tilespmem:v34+s25+$0x0] =	vst.idx.msk $0xffff, v8  }
0x8f: {  	(v2sf) =	vpush v6, $0x5;
	v8 =	vld.idx.msk [tilespmem:v41+s17+$0x0], $0xffff  }
0x90: {  	v42 =	vor.u32 s4, v2;
	_ =	sdelay $0x3  }
0x91: {  	[tilespmem:v36+s25+$0x0] =	vst.idx.msk $0xffff, v8  }
0x92: {  	v8 =	vld.idx.msk [tilespmem:v42+s17+$0x0], $0xffff  }
0x93: {  	v43 =	vor.u32 s4, v3;
	_ =	sdelay $0x3  }
0x94: {  	[tilespmem:v38+s25+$0x0] =	vst.idx.msk $0xffff, v8  }
0x95: {  	v8 =	vld.idx.msk [tilespmem:v43+s17+$0x0], $0xffff;
	_ =	sdelay $0x2  }
0x96: {  	s4 =	spop (v2sf)  }
0x97: {  	s26 =	sand.u32 $0xFFFFF80, s4  }
0x98: {  	s6 =	sadd.s32 s2, s26;
	[tilespmem:v9+s25+$0x0] =	vst.idx.msk $0xffff, v8  }
0x99: {  	[tilespmem:s17], [sflag:$0x2] =	stream.strided.gather [hbm4b:s6+s11], $0x2000, s29, s11, $0x38;
	[tilespmem:$0x14100] =	vst v63  }
0x9a: {  	_ =	swait.ge [sflag:s22], $0x2000  }
0x9b: {  	(v2sf) =	vpush v7, $0x2;
	_ =	sdelay $0xe  }
0x9c: {  	s28 =	spop (v2sf)  }
0x9d: {  	s6 =	sand.u32 $0x7F, s28  }
0x9e: {  	s8 =	sadd.s32 $0xFFFFFFF3, s30;
	v44 =	vor.u32 s6, v0  }
0x9f: {  	v45 =	vmov s8  }
0xa0: {  	v9 =	vand.u32 $0x72, v45  }
0xa1: {  	v9 =	vbroadcast v9, $0x0;
	[sflag:s22] =	ssyncset.done $0x0  }
0xa2: {  	[sflag:s22] =	ssyncadd.s32 $0xFFFFE000  }
0xa3: {  	v46 =	vor.u32 v0, v9;
	v8 =	vld.idx.msk [tilespmem:v44+s18+$0x0], $0xffff  }
0xa4: {  	v47 =	vor.u32 s6, v1;
	_ =	sdelay $0x3  }
0xa5: {  	[tilespmem:v46+s23+$0x0] =	vst.idx.msk $0xffff, v8  }
0xa6: {  	v48 =	vor.u32 v1, v9;
	(v2sf) =	vpush v7, $0x6;
	v8 =	vld.idx.msk [tilespmem:v47+s18+$0x0], $0xffff  }
0xa7: {  	v49 =	vor.u32 s6, v2;
	_ =	sdelay $0x3  }
0xa8: {  	[tilespmem:v48+s23+$0x0] =	vst.idx.msk $0xffff, v8  }
0xa9: {  	v50 =	vor.u32 v2, v9;
	v8 =	vld.idx.msk [tilespmem:v49+s18+$0x0], $0xffff  }
0xaa: {  	v51 =	vor.u32 s6, v3;
	_ =	sdelay $0x3  }
0xab: {  	[tilespmem:v50+s23+$0x0] =	vst.idx.msk $0xffff, v8  }
0xac: {  	v9 =	vor.u32 v3, v9;
	v8 =	vld.idx.msk [tilespmem:v51+s18+$0x0], $0xffff;
	_ =	sdelay $0x2  }
0xad: {  	s9 =	spop (v2sf)  }
0xae: {  	s8 =	sand.u32 $0xFFFFF80, s9  }
0xaf: {  	s6 =	sadd.s32 s1, s8;
	[tilespmem:v9+s23+$0x0] =	vst.idx.msk $0xffff, v8  }
0xb0: {  	[tilespmem:s18], [sflag:$0x1] =	stream.strided.gather [hbm4b:s6+s11], $0x2000, s14, s11, $0x38;
	[tilespmem:$0x14100] =	vst v63  }
0xb1: {  	_ =	swait.ge [sflag:s24], $0x2000  }
0xb2: {  	(v2sf) =	vpush v6, $0x2;
	_ =	sdelay $0xe  }
0xb3: {  	s10 =	spop (v2sf)  }
0xb4: {  	s6 =	sand.u32 $0x7F, s10  }
0xb5: {  	v52 =	vor.u32 s6, v0;
	_ =	sdelay $0x2  }
0xb6: {  	[sflag:s24] =	ssyncset.done $0x0  }
0xb7: {  	[sflag:s24] =	ssyncadd.s32 $0xFFFFE000  }
0xb8: {  	v8 =	vld.idx.msk [tilespmem:v52+s19+$0x0], $0xffff  }
0xb9: {  	v53 =	vor.u32 s6, v1;
	_ =	sdelay $0x3  }
0xba: {  	[tilespmem:v46+s25+$0x0] =	vst.idx.msk $0xffff, v8  }
0xbb: {  	(v2sf) =	vpush v6, $0x6;
	v8 =	vld.idx.msk [tilespmem:v53+s19+$0x0], $0xffff  }
0xbc: {  	v54 =	vor.u32 s6, v2;
	_ =	sdelay $0x3  }
0xbd: {  	[tilespmem:v48+s25+$0x0] =	vst.idx.msk $0xffff, v8  }
0xbe: {  	v8 =	vld.idx.msk [tilespmem:v54+s19+$0x0], $0xffff  }
0xbf: {  	v55 =	vor.u32 s6, v3;
	_ =	sdelay $0x3  }
0xc0: {  	[tilespmem:v50+s25+$0x0] =	vst.idx.msk $0xffff, v8  }
0xc1: {  	v8 =	vld.idx.msk [tilespmem:v55+s19+$0x0], $0xffff;
	_ =	sdelay $0x2  }
0xc2: {  	s6 =	spop (v2sf)  }
0xc3: {  	s12 =	sand.u32 $0xFFFFF80, s6  }
0xc4: {  	s8 =	sadd.s32 s2, s12;
	[tilespmem:v9+s25+$0x0] =	vst.idx.msk $0xffff, v8  }
0xc5: {  	[tilespmem:s19], [sflag:$0x2] =	stream.strided.gather [hbm4b:s8+s11], $0x2000, s29, s11, $0x38;
	[tilespmem:$0x14100] =	vst v63  }
0xc6: {  	_ =	swait.ge [sflag:s22], $0x2000  }
0xc7: {  	(v2sf) =	vpush v7, $0x3;
	_ =	sdelay $0xe  }
0xc8: {  	s26 =	spop (v2sf)  }
0xc9: {  	s8 =	sand.u32 $0x7F, s26  }
0xca: {  	s10 =	sadd.s32 $0xFFFFFFF4, s30;
	v56 =	vor.u32 s8, v0  }
0xcb: {  	v57 =	vmov s10  }
0xcc: {  	v9 =	vand.u32 $0x73, v57  }
0xcd: {  	v9 =	vbroadcast v9, $0x0;
	[sflag:s22] =	ssyncset.done $0x0  }
0xce: {  	[sflag:s22] =	ssyncadd.s32 $0xFFFFE000  }
0xcf: {  	v58 =	vor.u32 v0, v9;
	v8 =	vld.idx.msk [tilespmem:v56+s20+$0x0], $0xffff  }
0xd0: {  	v59 =	vor.u32 s8, v1;
	_ =	sdelay $0x3  }
0xd1: {  	[tilespmem:v58+s23+$0x0] =	vst.idx.msk $0xffff, v8  }
0xd2: {  	v60 =	vor.u32 v1, v9;
	(v2sf) =	vpush v7, $0x7;
	v8 =	vld.idx.msk [tilespmem:v59+s20+$0x0], $0xffff  }
0xd3: {  	v61 =	vor.u32 s8, v2;
	_ =	sdelay $0x3  }
0xd4: {  	[tilespmem:v60+s23+$0x0] =	vst.idx.msk $0xffff, v8  }
0xd5: {  	v62 =	vor.u32 v2, v9;
	v8 =	vld.idx.msk [tilespmem:v61+s20+$0x0], $0xffff  }
0xd6: {  	v63 =	vor.u32 s8, v3;
	_ =	sdelay $0x3  }
0xd7: {  	[tilespmem:v62+s23+$0x0] =	vst.idx.msk $0xffff, v8  }
0xd8: {  	v9 =	vor.u32 v3, v9;
	v8 =	vld.idx.msk [tilespmem:v63+s20+$0x0], $0xffff;
	_ =	sdelay $0x2  }
0xd9: {  	s26 =	spop (v2sf)  }
0xda: {  	s28 =	sand.u32 $0xFFFFF80, s26  }
0xdb: {  	s8 =	sadd.s32 s1, s28;
	[tilespmem:v9+s23+$0x0] =	vst.idx.msk $0xffff, v8  }
0xdc: {  	[tilespmem:s20], [sflag:$0x1] =	stream.strided.gather [hbm4b:s8+s11], $0x2000, s14, s11, $0x38;
	[tilespmem:$0x14100] =	vst v63  }
0xdd: {  	_ =	swait.ge [sflag:s24], $0x2000  }
0xde: {  	(v2sf) =	vpush v6, $0x3;
	_ =	sdelay $0xe  }
0xdf: {  	s10 =	spop (v2sf)  }
0xe0: {  	s8 =	sand.u32 $0x7F, s10  }
0xe1: {  	v16 =	vor.u32 s8, v0;
	_ =	sdelay $0x2  }
0xe2: {  	[sflag:s24] =	ssyncset.done $0x0  }
0xe3: {  	[sflag:s24] =	ssyncadd.s32 $0xFFFFE000  }
0xe4: {  	v8 =	vld.idx.msk [tilespmem:v16+s21+$0x0], $0xffff  }
0xe5: {  	v17 =	vor.u32 s8, v1;
	_ =	sdelay $0x3  }
0xe6: {  	[tilespmem:v58+s25+$0x0] =	vst.idx.msk $0xffff, v8  }
0xe7: {  	(v2sf) =	vpush v6, $0x7;
	v8 =	vld.idx.msk [tilespmem:v17+s21+$0x0], $0xffff  }
0xe8: {  	v18 =	vor.u32 s8, v2;
	_ =	sdelay $0x3  }
0xe9: {  	[tilespmem:v60+s25+$0x0] =	vst.idx.msk $0xffff, v8  }
0xea: {  	v8 =	vld.idx.msk [tilespmem:v18+s21+$0x0], $0xffff  }
0xeb: {  	v19 =	vor.u32 s8, v3;
	_ =	sdelay $0x3  }
0xec: {  	[tilespmem:v62+s25+$0x0] =	vst.idx.msk $0xffff, v8  }
0xed: {  	v8 =	vld.idx.msk [tilespmem:v19+s21+$0x0], $0xffff;
	_ =	sdelay $0x2  }
0xee: {  	s8 =	spop (v2sf)  }
0xef: {  	s5 =	sand.u32 $0x7F, s5;
	s12 =	sand.u32 $0xFFFFF80, s8  }
0xf0: {  	v20 =	vor.u32 s5, v0;
	s10 =	sadd.s32 s2, s12;
	s12 =	sadd.s32 $0xFFFFFFF5, s30;
	[tilespmem:v9+s25+$0x0] =	vst.idx.msk $0xffff, v8  }
0xf1: {  	v21 =	vmov s12;
	[tilespmem:s21], [sflag:$0x2] =	stream.strided.gather [hbm4b:s10+s11], $0x2000, s29, s11, $0x38;
	[tilespmem:$0x14100] =	vst v63  }
0xf2: {  	v9 =	vand.u32 $0x74, v21;
	_ =	swait.ge [sflag:s22], $0x2000  }
0xf3: {  	v9 =	vbroadcast v9, $0x0;
	[sflag:s22] =	ssyncset.done $0x0  }
0xf4: {  	[sflag:s22] =	ssyncadd.s32 $0xFFFFE000  }
0xf5: {  	v22 =	vor.u32 v0, v9;
	v8 =	vld.idx.msk [tilespmem:v20+s13+$0x0], $0xffff  }
0xf6: {  	v23 =	vor.u32 s5, v1;
	_ =	sdelay $0x3  }
0xf7: {  	[tilespmem:v22+s23+$0x0] =	vst.idx.msk $0xffff, v8  }
0xf8: {  	v24 =	vor.u32 v1, v9;
	(v2sf) =	vpush v7, $0x8;
	v8 =	vld.idx.msk [tilespmem:v23+s13+$0x0], $0xffff  }
0xf9: {  	v25 =	vor.u32 s5, v2;
	_ =	sdelay $0x3  }
0xfa: {  	[tilespmem:v24+s23+$0x0] =	vst.idx.msk $0xffff, v8  }
0xfb: {  	v26 =	vor.u32 v2, v9;
	v8 =	vld.idx.msk [tilespmem:v25+s13+$0x0], $0xffff  }
0xfc: {  	v27 =	vor.u32 s5, v3;
	_ =	sdelay $0x3  }
0xfd: {  	[tilespmem:v26+s23+$0x0] =	vst.idx.msk $0xffff, v8  }
0xfe: {  	v9 =	vor.u32 v3, v9;
	v8 =	vld.idx.msk [tilespmem:v27+s13+$0x0], $0xffff;
	_ =	sdelay $0x2  }
0xff: {  	s5 =	spop (v2sf)  }
0x100: {  	s3 =	sand.u32 $0x7F, s3;
	s28 =	sand.u32 $0xFFFFF80, s5  }
0x101: {  	v28 =	vor.u32 s3, v0;
	s10 =	sadd.s32 s1, s28;
	[tilespmem:v9+s23+$0x0] =	vst.idx.msk $0xffff, v8  }
0x102: {  	[tilespmem:s13], [sflag:$0x1] =	stream.strided.gather [hbm4b:s10+s11], $0x2000, s14, s11, $0x38;
	[tilespmem:$0x14100] =	vst v63  }
0x103: {  	_ =	swait.ge [sflag:s24], $0x2000  }
0x104: {  	[sflag:s24] =	ssyncset.done $0x0  }
0x105: {  	[sflag:s24] =	ssyncadd.s32 $0xFFFFE000  }
0x106: {  	v8 =	vld.idx.msk [tilespmem:v28+s15+$0x0], $0xffff  }
0x107: {  	v29 =	vor.u32 s3, v1;
	_ =	sdelay $0x3  }
0x108: {  	[tilespmem:v22+s25+$0x0] =	vst.idx.msk $0xffff, v8  }
0x109: {  	(v2sf) =	vpush v6, $0x8;
	v8 =	vld.idx.msk [tilespmem:v29+s15+$0x0], $0xffff  }
0x10a: {  	v30 =	vor.u32 s3, v2;
	_ =	sdelay $0x3  }
0x10b: {  	[tilespmem:v24+s25+$0x0] =	vst.idx.msk $0xffff, v8  }
0x10c: {  	v8 =	vld.idx.msk [tilespmem:v30+s15+$0x0], $0xffff  }
0x10d: {  	v31 =	vor.u32 s3, v3;
	_ =	sdelay $0x3  }
0x10e: {  	[tilespmem:v26+s25+$0x0] =	vst.idx.msk $0xffff, v8  }
0x10f: {  	v8 =	vld.idx.msk [tilespmem:v31+s15+$0x0], $0xffff;
	_ =	sdelay $0x2  }
0x110: {  	s3 =	spop (v2sf)  }
0x111: {  	s7 =	sand.u32 $0x7F, s7;
	s12 =	sand.u32 $0xFFFFF80, s3  }
0x112: {  	v32 =	vor.u32 s7, v0;
	s28 =	sadd.s32 $0xFFFFFFF6, s30;
	s10 =	sadd.s32 s2, s12;
	[tilespmem:v9+s25+$0x0] =	vst.idx.msk $0xffff, v8  }
0x113: {  	v33 =	vmov s28;
	[tilespmem:s15], [sflag:$0x2] =	stream.strided.gather [hbm4b:s10+s11], $0x2000, s29, s11, $0x38;
	[tilespmem:$0x14100] =	vst v63  }
0x114: {  	v9 =	vand.u32 $0x75, v33;
	_ =	swait.ge [sflag:s22], $0x2000  }
0x115: {  	v9 =	vbroadcast v9, $0x0;
	[sflag:s22] =	ssyncset.done $0x0  }
0x116: {  	[sflag:s22] =	ssyncadd.s32 $0xFFFFE000  }
0x117: {  	v34 =	vor.u32 v0, v9;
	v8 =	vld.idx.msk [tilespmem:v32+s16+$0x0], $0xffff  }
0x118: {  	v35 =	vor.u32 s7, v1;
	_ =	sdelay $0x3  }
0x119: {  	[tilespmem:v34+s23+$0x0] =	vst.idx.msk $0xffff, v8  }
0x11a: {  	v36 =	vor.u32 v1, v9;
	(v2sf) =	vpush v7, $0x9;
	v8 =	vld.idx.msk [tilespmem:v35+s16+$0x0], $0xffff  }
0x11b: {  	v37 =	vor.u32 s7, v2;
	_ =	sdelay $0x3  }
0x11c: {  	[tilespmem:v36+s23+$0x0] =	vst.idx.msk $0xffff, v8  }
0x11d: {  	v38 =	vor.u32 v2, v9;
	v8 =	vld.idx.msk [tilespmem:v37+s16+$0x0], $0xffff  }
0x11e: {  	v39 =	vor.u32 s7, v3;
	_ =	sdelay $0x3  }
0x11f: {  	[tilespmem:v38+s23+$0x0] =	vst.idx.msk $0xffff, v8  }
0x120: {  	v9 =	vor.u32 v3, v9;
	v8 =	vld.idx.msk [tilespmem:v39+s16+$0x0], $0xffff;
	_ =	sdelay $0x2  }
0x121: {  	s10 =	spop (v2sf)  }
0x122: {  	s4 =	sand.u32 $0x7F, s4;
	s28 =	sand.u32 $0xFFFFF80, s10  }
0x123: {  	v40 =	vor.u32 s4, v0;
	s7 =	sadd.s32 s1, s28;
	[tilespmem:v9+s23+$0x0] =	vst.idx.msk $0xffff, v8  }
0x124: {  	[tilespmem:s16], [sflag:$0x1] =	stream.strided.gather [hbm4b:s7+s11], $0x2000, s14, s11, $0x38;
	[tilespmem:$0x14100] =	vst v63  }
0x125: {  	_ =	swait.ge [sflag:s24], $0x2000  }
0x126: {  	[sflag:s24] =	ssyncset.done $0x0  }
0x127: {  	[sflag:s24] =	ssyncadd.s32 $0xFFFFE000  }
0x128: {  	v8 =	vld.idx.msk [tilespmem:v40+s17+$0x0], $0xffff  }
0x129: {  	v41 =	vor.u32 s4, v1;
	_ =	sdelay $0x3  }
0x12a: {  	[tilespmem:v34+s25+$0x0] =	vst.idx.msk $0xffff, v8  }
0x12b: {  	(v2sf) =	vpush v6, $0x9;
	v8 =	vld.idx.msk [tilespmem:v41+s17+$0x0], $0xffff  }
0x12c: {  	v42 =	vor.u32 s4, v2;
	_ =	sdelay $0x3  }
0x12d: {  	[tilespmem:v36+s25+$0x0] =	vst.idx.msk $0xffff, v8  }
0x12e: {  	v8 =	vld.idx.msk [tilespmem:v42+s17+$0x0], $0xffff  }
0x12f: {  	v43 =	vor.u32 s4, v3;
	_ =	sdelay $0x3  }
0x130: {  	[tilespmem:v38+s25+$0x0] =	vst.idx.msk $0xffff, v8  }
0x131: {  	v8 =	vld.idx.msk [tilespmem:v43+s17+$0x0], $0xffff;
	_ =	sdelay $0x2  }
0x132: {  	s4 =	spop (v2sf)  }
0x133: {  	s9 =	sand.u32 $0x7F, s9;
	s12 =	sand.u32 $0xFFFFF80, s4  }
0x134: {  	v44 =	vor.u32 s9, v0;
	s28 =	sadd.s32 $0xFFFFFFF7, s30;
	s7 =	sadd.s32 s2, s12;
	[tilespmem:v9+s25+$0x0] =	vst.idx.msk $0xffff, v8  }
0x135: {  	v45 =	vmov s28;
	[tilespmem:s17], [sflag:$0x2] =	stream.strided.gather [hbm4b:s7+s11], $0x2000, s29, s11, $0x38;
	[tilespmem:$0x14100] =	vst v63  }
0x136: {  	v9 =	vand.u32 $0x76, v45;
	_ =	swait.ge [sflag:s22], $0x2000  }
0x137: {  	v9 =	vbroadcast v9, $0x0;
	[sflag:s22] =	ssyncset.done $0x0  }
0x138: {  	[sflag:s22] =	ssyncadd.s32 $0xFFFFE000  }
0x139: {  	v46 =	vor.u32 v0, v9;
	v8 =	vld.idx.msk [tilespmem:v44+s18+$0x0], $0xffff  }
0x13a: {  	v47 =	vor.u32 s9, v1;
	_ =	sdelay $0x3  }
0x13b: {  	[tilespmem:v46+s23+$0x0] =	vst.idx.msk $0xffff, v8  }
0x13c: {  	v48 =	vor.u32 v1, v9;
	(v2sf) =	vpush v7, $0xA;
	v8 =	vld.idx.msk [tilespmem:v47+s18+$0x0], $0xffff  }
0x13d: {  	v49 =	vor.u32 s9, v2;
	_ =	sdelay $0x3  }
0x13e: {  	[tilespmem:v48+s23+$0x0] =	vst.idx.msk $0xffff, v8  }
0x13f: {  	v50 =	vor.u32 v2, v9;
	v8 =	vld.idx.msk [tilespmem:v49+s18+$0x0], $0xffff  }
0x140: {  	v51 =	vor.u32 s9, v3;
	_ =	sdelay $0x3  }
0x141: {  	[tilespmem:v50+s23+$0x0] =	vst.idx.msk $0xffff, v8  }
0x142: {  	v9 =	vor.u32 v3, v9;
	v8 =	vld.idx.msk [tilespmem:v51+s18+$0x0], $0xffff;
	_ =	sdelay $0x2  }
0x143: {  	s9 =	spop (v2sf)  }
0x144: {  	s6 =	sand.u32 $0x7F, s6;
	s12 =	sand.u32 $0xFFFFF80, s9  }
0x145: {  	v52 =	vor.u32 s6, v0;
	s7 =	sadd.s32 s1, s12;
	[tilespmem:v9+s23+$0x0] =	vst.idx.msk $0xffff, v8  }
0x146: {  	[tilespmem:s18], [sflag:$0x1] =	stream.strided.gather [hbm4b:s7+s11], $0x2000, s14, s11, $0x38;
	[tilespmem:$0x14100] =	vst v63  }
0x147: {  	_ =	swait.ge [sflag:s24], $0x2000  }
0x148: {  	[sflag:s24] =	ssyncset.done $0x0  }
0x149: {  	[sflag:s24] =	ssyncadd.s32 $0xFFFFE000  }
0x14a: {  	v8 =	vld.idx.msk [tilespmem:v52+s19+$0x0], $0xffff  }
0x14b: {  	v53 =	vor.u32 s6, v1;
	_ =	sdelay $0x3  }
0x14c: {  	[tilespmem:v46+s25+$0x0] =	vst.idx.msk $0xffff, v8  }
0x14d: {  	(v2sf) =	vpush v6, $0xA;
	v8 =	vld.idx.msk [tilespmem:v53+s19+$0x0], $0xffff  }
0x14e: {  	v54 =	vor.u32 s6, v2;
	_ =	sdelay $0x3  }
0x14f: {  	[tilespmem:v48+s25+$0x0] =	vst.idx.msk $0xffff, v8  }
0x150: {  	v8 =	vld.idx.msk [tilespmem:v54+s19+$0x0], $0xffff  }
0x151: {  	v55 =	vor.u32 s6, v3;
	_ =	sdelay $0x3  }
0x152: {  	[tilespmem:v50+s25+$0x0] =	vst.idx.msk $0xffff, v8  }
0x153: {  	v8 =	vld.idx.msk [tilespmem:v55+s19+$0x0], $0xffff;
	_ =	sdelay $0x2  }
0x154: {  	s7 =	spop (v2sf)  }
0x155: {  	s12 =	sand.u32 $0x7F, s26;
	s28 =	sand.u32 $0xFFFFF80, s7  }
0x156: {  	v56 =	vor.u32 s12, v0;
	s6 =	sadd.s32 s2, s28;
	s28 =	sadd.s32 $0xFFFFFFF8, s30;
	[tilespmem:v9+s25+$0x0] =	vst.idx.msk $0xffff, v8  }
0x157: {  	v57 =	vmov s28;
	[tilespmem:s19], [sflag:$0x2] =	stream.strided.gather [hbm4b:s6+s11], $0x2000, s29, s11, $0x38;
	[tilespmem:$0x14100] =	vst v63  }
0x158: {  	v9 =	vand.u32 $0x77, v57;
	_ =	swait.ge [sflag:s22], $0x2000  }
0x159: {  	v9 =	vbroadcast v9, $0x0;
	[sflag:s22] =	ssyncset.done $0x0  }
0x15a: {  	[sflag:s22] =	ssyncadd.s32 $0xFFFFE000  }
0x15b: {  	v58 =	vor.u32 v0, v9;
	v8 =	vld.idx.msk [tilespmem:v56+s20+$0x0], $0xffff  }
0x15c: {  	v59 =	vor.u32 s12, v1;
	_ =	sdelay $0x3  }
0x15d: {  	[tilespmem:v58+s23+$0x0] =	vst.idx.msk $0xffff, v8  }
0x15e: {  	v60 =	vor.u32 v1, v9;
	(v2sf) =	vpush v7, $0xB;
	v8 =	vld.idx.msk [tilespmem:v59+s20+$0x0], $0xffff  }
0x15f: {  	v61 =	vor.u32 s12, v2;
	_ =	sdelay $0x3  }
0x160: {  	[tilespmem:v60+s23+$0x0] =	vst.idx.msk $0xffff, v8  }
0x161: {  	v62 =	vor.u32 v2, v9;
	v8 =	vld.idx.msk [tilespmem:v61+s20+$0x0], $0xffff  }
0x162: {  	v63 =	vor.u32 s12, v3;
	_ =	sdelay $0x3  }
0x163: {  	[tilespmem:v62+s23+$0x0] =	vst.idx.msk $0xffff, v8  }
0x164: {  	v9 =	vor.u32 v3, v9;
	v8 =	vld.idx.msk [tilespmem:v63+s20+$0x0], $0xffff;
	_ =	sdelay $0x2  }
0x165: {  	s28 =	spop (v2sf)  }
0x166: {  	s8 =	sand.u32 $0x7F, s8;
	s26 =	sand.u32 $0xFFFFF80, s28  }
0x167: {  	v16 =	vor.u32 s8, v0;
	s6 =	sadd.s32 s1, s26;
	[tilespmem:v9+s23+$0x0] =	vst.idx.msk $0xffff, v8  }
0x168: {  	[tilespmem:s20], [sflag:$0x1] =	stream.strided.gather [hbm4b:s6+s11], $0x2000, s14, s11, $0x38;
	[tilespmem:$0x14100] =	vst v63  }
0x169: {  	_ =	swait.ge [sflag:s24], $0x2000  }
0x16a: {  	[sflag:s24] =	ssyncset.done $0x0  }
0x16b: {  	[sflag:s24] =	ssyncadd.s32 $0xFFFFE000  }
0x16c: {  	v8 =	vld.idx.msk [tilespmem:v16+s21+$0x0], $0xffff  }
0x16d: {  	v17 =	vor.u32 s8, v1;
	_ =	sdelay $0x3  }
0x16e: {  	[tilespmem:v58+s25+$0x0] =	vst.idx.msk $0xffff, v8  }
0x16f: {  	(v2sf) =	vpush v6, $0xB;
	v8 =	vld.idx.msk [tilespmem:v17+s21+$0x0], $0xffff  }
0x170: {  	v18 =	vor.u32 s8, v2;
	_ =	sdelay $0x3  }
0x171: {  	[tilespmem:v60+s25+$0x0] =	vst.idx.msk $0xffff, v8  }
0x172: {  	v8 =	vld.idx.msk [tilespmem:v18+s21+$0x0], $0xffff  }
0x173: {  	v19 =	vor.u32 s8, v3;
	_ =	sdelay $0x3  }
0x174: {  	[tilespmem:v62+s25+$0x0] =	vst.idx.msk $0xffff, v8  }
0x175: {  	v8 =	vld.idx.msk [tilespmem:v19+s21+$0x0], $0xffff;
	_ =	sdelay $0x2  }
0x176: {  	s8 =	spop (v2sf)  }
0x177: {  	s5 =	sand.u32 $0x7F, s5;
	s12 =	sand.u32 $0xFFFFF80, s8  }
0x178: {  	v20 =	vor.u32 s5, v0;
	s26 =	sadd.s32 $0xFFFFFFF9, s30;
	s6 =	sadd.s32 s2, s12;
	[tilespmem:v9+s25+$0x0] =	vst.idx.msk $0xffff, v8  }
0x179: {  	v21 =	vmov s26;
	[tilespmem:s21], [sflag:$0x2] =	stream.strided.gather [hbm4b:s6+s11], $0x2000, s29, s11, $0x38;
	[tilespmem:$0x14100] =	vst v63  }
0x17a: {  	v9 =	vand.u32 $0x78, v21;
	_ =	swait.ge [sflag:s22], $0x2000  }
0x17b: {  	v9 =	vbroadcast v9, $0x0;
	[sflag:s22] =	ssyncset.done $0x0  }
0x17c: {  	[sflag:s22] =	ssyncadd.s32 $0xFFFFE000  }
0x17d: {  	v22 =	vor.u32 v0, v9;
	v8 =	vld.idx.msk [tilespmem:v20+s13+$0x0], $0xffff  }
0x17e: {  	v23 =	vor.u32 s5, v1;
	_ =	sdelay $0x3  }
0x17f: {  	[tilespmem:v22+s23+$0x0] =	vst.idx.msk $0xffff, v8  }
0x180: {  	v24 =	vor.u32 v1, v9;
	(v2sf) =	vpush v7, $0xC;
	v8 =	vld.idx.msk [tilespmem:v23+s13+$0x0], $0xffff  }
0x181: {  	v25 =	vor.u32 s5, v2;
	_ =	sdelay $0x3  }
0x182: {  	[tilespmem:v24+s23+$0x0] =	vst.idx.msk $0xffff, v8  }
0x183: {  	v26 =	vor.u32 v2, v9;
	v8 =	vld.idx.msk [tilespmem:v25+s13+$0x0], $0xffff  }
0x184: {  	v27 =	vor.u32 s5, v3;
	_ =	sdelay $0x3  }
0x185: {  	[tilespmem:v26+s23+$0x0] =	vst.idx.msk $0xffff, v8  }
0x186: {  	v9 =	vor.u32 v3, v9;
	v8 =	vld.idx.msk [tilespmem:v27+s13+$0x0], $0xffff;
	_ =	sdelay $0x2  }
0x187: {  	s12 =	spop (v2sf)  }
0x188: {  	s3 =	sand.u32 $0x7F, s3;
	s6 =	sand.u32 $0xFFFFF80, s12  }
0x189: {  	v28 =	vor.u32 s3, v0;
	s5 =	sadd.s32 s1, s6;
	[tilespmem:v9+s23+$0x0] =	vst.idx.msk $0xffff, v8  }
0x18a: {  	[tilespmem:s13], [sflag:$0x1] =	stream.strided.gather [hbm4b:s5+s11], $0x2000, s14, s11, $0x38;
	[tilespmem:$0x14100] =	vst v63  }
0x18b: {  	_ =	swait.ge [sflag:s24], $0x2000  }
0x18c: {  	[sflag:s24] =	ssyncset.done $0x0  }
0x18d: {  	[sflag:s24] =	ssyncadd.s32 $0xFFFFE000  }
0x18e: {  	v8 =	vld.idx.msk [tilespmem:v28+s15+$0x0], $0xffff  }
0x18f: {  	v29 =	vor.u32 s3, v1;
	_ =	sdelay $0x3  }
0x190: {  	[tilespmem:v22+s25+$0x0] =	vst.idx.msk $0xffff, v8  }
0x191: {  	(v2sf) =	vpush v6, $0xC;
	v8 =	vld.idx.msk [tilespmem:v29+s15+$0x0], $0xffff  }
0x192: {  	v30 =	vor.u32 s3, v2;
	_ =	sdelay $0x3  }
0x193: {  	[tilespmem:v24+s25+$0x0] =	vst.idx.msk $0xffff, v8  }
0x194: {  	v8 =	vld.idx.msk [tilespmem:v30+s15+$0x0], $0xffff  }
0x195: {  	v31 =	vor.u32 s3, v3;
	_ =	sdelay $0x3  }
0x196: {  	[tilespmem:v26+s25+$0x0] =	vst.idx.msk $0xffff, v8  }
0x197: {  	v8 =	vld.idx.msk [tilespmem:v31+s15+$0x0], $0xffff;
	_ =	sdelay $0x2  }
0x198: {  	s6 =	spop (v2sf)  }
0x199: {  	s5 =	sand.u32 $0x7F, s10;
	s26 =	sand.u32 $0xFFFFF80, s6  }
0x19a: {  	v32 =	vor.u32 s5, v0;
	s3 =	sadd.s32 s2, s26;
	s26 =	sadd.s32 $0xFFFFFFFA, s30;
	[tilespmem:v9+s25+$0x0] =	vst.idx.msk $0xffff, v8  }
0x19b: {  	v33 =	vmov s26;
	[tilespmem:s15], [sflag:$0x2] =	stream.strided.gather [hbm4b:s3+s11], $0x2000, s29, s11, $0x38;
	[tilespmem:$0x14100] =	vst v63  }
0x19c: {  	v9 =	vand.u32 $0x79, v33;
	_ =	swait.ge [sflag:s22], $0x2000  }
0x19d: {  	v9 =	vbroadcast v9, $0x0;
	[sflag:s22] =	ssyncset.done $0x0  }
0x19e: {  	[sflag:s22] =	ssyncadd.s32 $0xFFFFE000  }
0x19f: {  	v34 =	vor.u32 v0, v9;
	v8 =	vld.idx.msk [tilespmem:v32+s16+$0x0], $0xffff  }
0x1a0: {  	v35 =	vor.u32 s5, v1;
	_ =	sdelay $0x3  }
0x1a1: {  	[tilespmem:v34+s23+$0x0] =	vst.idx.msk $0xffff, v8  }
0x1a2: {  	v36 =	vor.u32 v1, v9;
	(v2sf) =	vpush v7, $0xD;
	v8 =	vld.idx.msk [tilespmem:v35+s16+$0x0], $0xffff  }
0x1a3: {  	v37 =	vor.u32 s5, v2;
	_ =	sdelay $0x3  }
0x1a4: {  	[tilespmem:v36+s23+$0x0] =	vst.idx.msk $0xffff, v8  }
0x1a5: {  	v38 =	vor.u32 v2, v9;
	v8 =	vld.idx.msk [tilespmem:v37+s16+$0x0], $0xffff  }
0x1a6: {  	v39 =	vor.u32 s5, v3;
	_ =	sdelay $0x3  }
0x1a7: {  	[tilespmem:v38+s23+$0x0] =	vst.idx.msk $0xffff, v8  }
0x1a8: {  	v9 =	vor.u32 v3, v9;
	v8 =	vld.idx.msk [tilespmem:v39+s16+$0x0], $0xffff;
	_ =	sdelay $0x2  }
0x1a9: {  	s26 =	spop (v2sf)  }
0x1aa: {  	s4 =	sand.u32 $0x7F, s4;
	s5 =	sand.u32 $0xFFFFF80, s26  }
0x1ab: {  	v40 =	vor.u32 s4, v0;
	s3 =	sadd.s32 s1, s5;
	[tilespmem:v9+s23+$0x0] =	vst.idx.msk $0xffff, v8  }
0x1ac: {  	[tilespmem:s16], [sflag:$0x1] =	stream.strided.gather [hbm4b:s3+s11], $0x2000, s14, s11, $0x38;
	[tilespmem:$0x14100] =	vst v63  }
0x1ad: {  	_ =	swait.ge [sflag:s24], $0x2000  }
0x1ae: {  	[sflag:s24] =	ssyncset.done $0x0  }
0x1af: {  	[sflag:s24] =	ssyncadd.s32 $0xFFFFE000  }
0x1b0: {  	v8 =	vld.idx.msk [tilespmem:v40+s17+$0x0], $0xffff  }
0x1b1: {  	v41 =	vor.u32 s4, v1;
	_ =	sdelay $0x3  }
0x1b2: {  	[tilespmem:v34+s25+$0x0] =	vst.idx.msk $0xffff, v8  }
0x1b3: {  	(v2sf) =	vpush v6, $0xD;
	v8 =	vld.idx.msk [tilespmem:v41+s17+$0x0], $0xffff  }
0x1b4: {  	v42 =	vor.u32 s4, v2;
	_ =	sdelay $0x3  }
0x1b5: {  	[tilespmem:v36+s25+$0x0] =	vst.idx.msk $0xffff, v8  }
0x1b6: {  	v8 =	vld.idx.msk [tilespmem:v42+s17+$0x0], $0xffff  }
0x1b7: {  	v43 =	vor.u32 s4, v3;
	_ =	sdelay $0x3  }
0x1b8: {  	[tilespmem:v38+s25+$0x0] =	vst.idx.msk $0xffff, v8  }
0x1b9: {  	v8 =	vld.idx.msk [tilespmem:v43+s17+$0x0], $0xffff;
	_ =	sdelay $0x2  }
0x1ba: {  	s5 =	spop (v2sf)  }
0x1bb: {  	s4 =	sand.u32 $0x7F, s9;
	s10 =	sand.u32 $0xFFFFF80, s5  }
0x1bc: {  	v44 =	vor.u32 s4, v0;
	s3 =	sadd.s32 s2, s10;
	s10 =	sadd.s32 $0xFFFFFFFB, s30;
	[tilespmem:v9+s25+$0x0] =	vst.idx.msk $0xffff, v8  }
0x1bd: {  	v45 =	vmov s10;
	[tilespmem:s17], [sflag:$0x2] =	stream.strided.gather [hbm4b:s3+s11], $0x2000, s29, s11, $0x38;
	[tilespmem:$0x14100] =	vst v63  }
0x1be: {  	v9 =	vand.u32 $0x7A, v45;
	_ =	swait.ge [sflag:s22], $0x2000  }
0x1bf: {  	v9 =	vbroadcast v9, $0x0;
	[sflag:s22] =	ssyncset.done $0x0  }
0x1c0: {  	[sflag:s22] =	ssyncadd.s32 $0xFFFFE000  }
0x1c1: {  	v46 =	vor.u32 v0, v9;
	v8 =	vld.idx.msk [tilespmem:v44+s18+$0x0], $0xffff  }
0x1c2: {  	v47 =	vor.u32 s4, v1;
	_ =	sdelay $0x3  }
0x1c3: {  	[tilespmem:v46+s23+$0x0] =	vst.idx.msk $0xffff, v8  }
0x1c4: {  	v48 =	vor.u32 v1, v9;
	(v2sf) =	vpush v7, $0xE;
	v8 =	vld.idx.msk [tilespmem:v47+s18+$0x0], $0xffff  }
0x1c5: {  	v49 =	vor.u32 s4, v2;
	_ =	sdelay $0x3  }
0x1c6: {  	[tilespmem:v48+s23+$0x0] =	vst.idx.msk $0xffff, v8  }
0x1c7: {  	v50 =	vor.u32 v2, v9;
	v8 =	vld.idx.msk [tilespmem:v49+s18+$0x0], $0xffff  }
0x1c8: {  	v51 =	vor.u32 s4, v3;
	_ =	sdelay $0x3  }
0x1c9: {  	[tilespmem:v50+s23+$0x0] =	vst.idx.msk $0xffff, v8  }
0x1ca: {  	v9 =	vor.u32 v3, v9;
	v8 =	vld.idx.msk [tilespmem:v51+s18+$0x0], $0xffff;
	_ =	sdelay $0x2  }
0x1cb: {  	s9 =	spop (v2sf)  }
0x1cc: {  	s7 =	sand.u32 $0x7F, s7;
	s4 =	sand.u32 $0xFFFFF80, s9  }
0x1cd: {  	v52 =	vor.u32 s7, v0;
	s3 =	sadd.s32 s1, s4;
	[tilespmem:v9+s23+$0x0] =	vst.idx.msk $0xffff, v8  }
0x1ce: {  	[tilespmem:s18], [sflag:$0x1] =	stream.strided.gather [hbm4b:s3+s11], $0x2000, s14, s11, $0x38;
	[tilespmem:$0x14100] =	vst v63  }
0x1cf: {  	_ =	swait.ge [sflag:s24], $0x2000  }
0x1d0: {  	[sflag:s24] =	ssyncset.done $0x0  }
0x1d1: {  	[sflag:s24] =	ssyncadd.s32 $0xFFFFE000  }
0x1d2: {  	v8 =	vld.idx.msk [tilespmem:v52+s19+$0x0], $0xffff  }
0x1d3: {  	v53 =	vor.u32 s7, v1;
	_ =	sdelay $0x3  }
0x1d4: {  	[tilespmem:v46+s25+$0x0] =	vst.idx.msk $0xffff, v8  }
0x1d5: {  	(v2sf) =	vpush v6, $0xE;
	v8 =	vld.idx.msk [tilespmem:v53+s19+$0x0], $0xffff  }
0x1d6: {  	v54 =	vor.u32 s7, v2;
	_ =	sdelay $0x3  }
0x1d7: {  	[tilespmem:v48+s25+$0x0] =	vst.idx.msk $0xffff, v8  }
0x1d8: {  	v8 =	vld.idx.msk [tilespmem:v54+s19+$0x0], $0xffff  }
0x1d9: {  	v55 =	vor.u32 s7, v3;
	_ =	sdelay $0x3  }
0x1da: {  	[tilespmem:v50+s25+$0x0] =	vst.idx.msk $0xffff, v8  }
0x1db: {  	v8 =	vld.idx.msk [tilespmem:v55+s19+$0x0], $0xffff;
	_ =	sdelay $0x2  }
0x1dc: {  	s4 =	spop (v2sf)  }
0x1dd: {  	s7 =	sand.u32 $0x7F, s28;
	s10 =	sand.u32 $0xFFFFF80, s4  }
0x1de: {  	s28 =	sadd.s32 $0xFFFFFFFC, s30;
	v56 =	vor.u32 s7, v0;
	s3 =	sadd.s32 s2, s10;
	[tilespmem:v9+s25+$0x0] =	vst.idx.msk $0xffff, v8  }
0x1df: {  	v57 =	vmov s28;
	[tilespmem:s19], [sflag:$0x2] =	stream.strided.gather [hbm4b:s3+s11], $0x2000, s29, s11, $0x38;
	[tilespmem:$0x14100] =	vst v63  }
0x1e0: {  	v9 =	vand.u32 $0x7B, v57;
	_ =	swait.ge [sflag:s22], $0x2000  }
0x1e1: {  	v9 =	vbroadcast v9, $0x0;
	[sflag:s22] =	ssyncset.done $0x0  }
0x1e2: {  	[sflag:s22] =	ssyncadd.s32 $0xFFFFE000  }
0x1e3: {  	v58 =	vor.u32 v0, v9;
	v8 =	vld.idx.msk [tilespmem:v56+s20+$0x0], $0xffff  }
0x1e4: {  	v59 =	vor.u32 s7, v1;
	_ =	sdelay $0x3  }
0x1e5: {  	[tilespmem:v58+s23+$0x0] =	vst.idx.msk $0xffff, v8  }
0x1e6: {  	v60 =	vor.u32 v1, v9;
	(v2sf) =	vpush v7, $0xF;
	v8 =	vld.idx.msk [tilespmem:v59+s20+$0x0], $0xffff  }
0x1e7: {  	v61 =	vor.u32 s7, v2;
	_ =	sdelay $0x3  }
0x1e8: {  	[tilespmem:v60+s23+$0x0] =	vst.idx.msk $0xffff, v8  }
0x1e9: {  	v62 =	vor.u32 v2, v9;
	v7 =	vld.idx.msk [tilespmem:v61+s20+$0x0], $0xffff  }
0x1ea: {  	v63 =	vor.u32 s7, v3;
	_ =	sdelay $0x3  }
0x1eb: {  	[tilespmem:v62+s23+$0x0] =	vst.idx.msk $0xffff, v7  }
0x1ec: {  	v9 =	vor.u32 v3, v9;
	v7 =	vld.idx.msk [tilespmem:v63+s20+$0x0], $0xffff;
	_ =	sdelay $0x2  }
0x1ed: {  	s7 =	spop (v2sf)  }
0x1ee: {  	s8 =	sand.u32 $0x7F, s8;
	s28 =	sand.u32 $0xFFFFF80, s7  }
0x1ef: {  	v16 =	vor.u32 s8, v0;
	s3 =	sadd.s32 s1, s28;
	[tilespmem:v9+s23+$0x0] =	vst.idx.msk $0xffff, v7  }
0x1f0: {  	[tilespmem:s20], [sflag:$0x1] =	stream.strided.gather [hbm4b:s3+s11], $0x2000, s14, s11, $0x38;
	[tilespmem:$0x14100] =	vst v63  }
0x1f1: {  	_ =	swait.ge [sflag:s24], $0x2000  }
0x1f2: {  	[sflag:s24] =	ssyncset.done $0x0  }
0x1f3: {  	[sflag:s24] =	ssyncadd.s32 $0xFFFFE000  }
0x1f4: {  	v7 =	vld.idx.msk [tilespmem:v16+s21+$0x0], $0xffff  }
0x1f5: {  	v17 =	vor.u32 s8, v1;
	_ =	sdelay $0x3  }
0x1f6: {  	[tilespmem:v58+s25+$0x0] =	vst.idx.msk $0xffff, v7  }
0x1f7: {  	(v2sf) =	vpush v6, $0xF;
	v7 =	vld.idx.msk [tilespmem:v17+s21+$0x0], $0xffff  }
0x1f8: {  	v18 =	vor.u32 s8, v2;
	_ =	sdelay $0x3  }
0x1f9: {  	[tilespmem:v60+s25+$0x0] =	vst.idx.msk $0xffff, v7  }
0x1fa: {  	v6 =	vld.idx.msk [tilespmem:v18+s21+$0x0], $0xffff  }
0x1fb: {  	v19 =	vor.u32 s8, v3;
	_ =	sdelay $0x3  }
0x1fc: {  	[tilespmem:v62+s25+$0x0] =	vst.idx.msk $0xffff, v6  }
0x1fd: {  	v6 =	vld.idx.msk [tilespmem:v19+s21+$0x0], $0xffff;
	_ =	sdelay $0x2  }
0x1fe: {  	s3 =	spop (v2sf)  }
0x1ff: {  	s14 =	sand.u32 $0x7F, s12;
	s10 =	sand.u32 $0xFFFFF80, s3  }
0x200: {  	s28 =	sadd.s32 $0xFFFFFFFD, s30;
	v20 =	vor.u32 s14, v0;
	s8 =	sadd.s32 s2, s10;
	[tilespmem:v9+s25+$0x0] =	vst.idx.msk $0xffff, v6  }
0x201: {  	v21 =	vmov s28;
	[tilespmem:s21], [sflag:$0x2] =	stream.strided.gather [hbm4b:s8+s11], $0x2000, s29, s11, $0x38;
	[tilespmem:$0x14100] =	vst v63  }
0x202: {  	v7 =	vand.u32 $0x7C, v21;
	_ =	swait.ge [sflag:s22], $0x2000  }
0x203: {  	v7 =	vbroadcast v7, $0x0;
	[sflag:s22] =	ssyncset.done $0x0  }
0x204: {  	[sflag:s22] =	ssyncadd.s32 $0xFFFFE000  }
0x205: {  	v22 =	vor.u32 v0, v7;
	v6 =	vld.idx.msk [tilespmem:v20+s13+$0x0], $0xffff  }
0x206: {  	v23 =	vor.u32 s14, v1;
	_ =	sdelay $0x3  }
0x207: {  	p0 =	seq.s32 s30, $0x7F;
	[tilespmem:v22+s23+$0x0] =	vst.idx.msk $0xffff, v6  }
0x208: {  	v24 =	vor.u32 v1, v7;
	(v2sf) =	vpush @!p0 v5, $0x0;
	v6 =	vld.idx.msk [tilespmem:v23+s13+$0x0], $0xffff  }
0x209: {  	v25 =	vor.u32 s14, v2;
	_ =	sdelay $0x3  }
0x20a: {  	[tilespmem:v24+s23+$0x0] =	vst.idx.msk $0xffff, v6  }
0x20b: {  	v26 =	vor.u32 v2, v7;
	v6 =	vld.idx.msk [tilespmem:v25+s13+$0x0], $0xffff  }
0x20c: {  	v27 =	vor.u32 s14, v3;
	_ =	sdelay $0x3  }
0x20d: {  	[tilespmem:v26+s23+$0x0] =	vst.idx.msk $0xffff, v6  }
0x20e: {  	v7 =	vor.u32 v3, v7;
	v6 =	vld.idx.msk [tilespmem:v27+s13+$0x0], $0xffff;
	_ =	sdelay $0x2  }
0x20f: {  	s8 =	spop @!p0 (v2sf)  }
0x210: {  	s28 =	simm.s32 @!p0 $0x100;
	s14 =	sand.u32 $0x7F, s6;
	s8 =	sand.u32 @!p0 $0xFFFFF80, s8  }
0x211: {  	s6 =	simm.s32 @!p0 $0x400;
	v28 =	vor.u32 s14, v0;
	s10 =	sadd.s32 @!p0 s1, s8;
	s8 =	simm.s32 @!p0 $0x7A1400;
	[tilespmem:v7+s23+$0x0] =	vst.idx.msk $0xffff, v6  }
0x212: {  	[tilespmem:s28], [sflag:$0x1] =	stream.strided.gather @!p0 [hbm4b:s10+s6], $0x2000, s8, s6, $0x38;
	[tilespmem:$0x14100] =	vst v63  }
0x213: {  	_ =	swait.ge [sflag:s24], $0x2000  }
0x214: {  	[sflag:s24] =	ssyncset.done $0x0  }
0x215: {  	[sflag:s24] =	ssyncadd.s32 $0xFFFFE000  }
0x216: {  	v6 =	vld.idx.msk [tilespmem:v28+s15+$0x0], $0xffff  }
0x217: {  	v29 =	vor.u32 s14, v1;
	_ =	sdelay $0x3  }
0x218: {  	[tilespmem:v22+s25+$0x0] =	vst.idx.msk $0xffff, v6  }
0x219: {  	(v2sf) =	vpush @!p0 v4, $0x0;
	v6 =	vld.idx.msk [tilespmem:v29+s15+$0x0], $0xffff  }
0x21a: {  	v30 =	vor.u32 s14, v2;
	_ =	sdelay $0x3  }
0x21b: {  	[tilespmem:v24+s25+$0x0] =	vst.idx.msk $0xffff, v6  }
0x21c: {  	v6 =	vld.idx.msk [tilespmem:v30+s15+$0x0], $0xffff  }
0x21d: {  	v31 =	vor.u32 s14, v3;
	_ =	sdelay $0x3  }
0x21e: {  	[tilespmem:v26+s25+$0x0] =	vst.idx.msk $0xffff, v6  }
0x21f: {  	v6 =	vld.idx.msk [tilespmem:v31+s15+$0x0], $0xffff;
	_ =	sdelay $0x2  }
0x220: {  	s10 =	spop @!p0 (v2sf)  }
0x221: {  	s26 =	sand.u32 $0x7F, s26;
	s14 =	sadd.s32 $0xFFFFFFFE, s30;
	s10 =	sand.u32 @!p0 $0xFFFFF80, s10  }
0x222: {  	v32 =	vor.u32 s26, v0;
	s28 =	simm.s32 @!p0 $0x8100;
	s12 =	sadd.s32 @!p0 s2, s10;
	s10 =	simm.s32 @!p0 $0xC3800;
	[tilespmem:v7+s25+$0x0] =	vst.idx.msk $0xffff, v6  }
0x223: {  	v33 =	vmov s14;
	[tilespmem:s28], [sflag:$0x2] =	stream.strided.gather @!p0 [hbm4b:s12+s6], $0x2000, s10, s6, $0x38;
	[tilespmem:$0x14100] =	vst v63  }
0x224: {  	v7 =	vand.u32 $0x7D, v33;
	_ =	swait.ge [sflag:s22], $0x2000  }
0x225: {  	v7 =	vbroadcast v7, $0x0;
	[sflag:s22] =	ssyncset.done $0x0  }
0x226: {  	[sflag:s22] =	ssyncadd.s32 $0xFFFFE000  }
0x227: {  	v34 =	vor.u32 v0, v7;
	v6 =	vld.idx.msk [tilespmem:v32+s16+$0x0], $0xffff  }
0x228: {  	v35 =	vor.u32 s26, v1;
	_ =	sdelay $0x3  }
0x229: {  	[tilespmem:v34+s23+$0x0] =	vst.idx.msk $0xffff, v6  }
0x22a: {  	v36 =	vor.u32 v1, v7;
	(v2sf) =	vpush @!p0 v5, $0x1;
	v6 =	vld.idx.msk [tilespmem:v35+s16+$0x0], $0xffff  }
0x22b: {  	v37 =	vor.u32 s26, v2;
	_ =	sdelay $0x3  }
0x22c: {  	[tilespmem:v36+s23+$0x0] =	vst.idx.msk $0xffff, v6  }
0x22d: {  	v38 =	vor.u32 v2, v7;
	v6 =	vld.idx.msk [tilespmem:v37+s16+$0x0], $0xffff  }
0x22e: {  	v39 =	vor.u32 s26, v3;
	_ =	sdelay $0x3  }
0x22f: {  	[tilespmem:v38+s23+$0x0] =	vst.idx.msk $0xffff, v6  }
0x230: {  	v7 =	vor.u32 v3, v7;
	v6 =	vld.idx.msk [tilespmem:v39+s16+$0x0], $0xffff;
	_ =	sdelay $0x2  }
0x231: {  	s12 =	spop @!p0 (v2sf)  }
0x232: {  	s5 =	sand.u32 $0x7F, s5;
	s12 =	sand.u32 @!p0 $0xFFFFF80, s12  }
0x233: {  	v40 =	vor.u32 s5, v0;
	s14 =	simm.s32 @!p0 $0x2100;
	s12 =	sadd.s32 @!p0 s1, s12;
	[tilespmem:v7+s23+$0x0] =	vst.idx.msk $0xffff, v6  }
0x234: {  	[tilespmem:s14], [sflag:$0x1] =	stream.strided.gather @!p0 [hbm4b:s12+s6], $0x2000, s8, s6, $0x38;
	[tilespmem:$0x14100] =	vst v63  }
0x235: {  	_ =	swait.ge [sflag:s24], $0x2000  }
0x236: {  	[sflag:s24] =	ssyncset.done $0x0  }
0x237: {  	[sflag:s24] =	ssyncadd.s32 $0xFFFFE000  }
0x238: {  	v6 =	vld.idx.msk [tilespmem:v40+s17+$0x0], $0xffff  }
0x239: {  	v41 =	vor.u32 s5, v1;
	_ =	sdelay $0x3  }
0x23a: {  	[tilespmem:v34+s25+$0x0] =	vst.idx.msk $0xffff, v6  }
0x23b: {  	(v2sf) =	vpush @!p0 v4, $0x1;
	v6 =	vld.idx.msk [tilespmem:v41+s17+$0x0], $0xffff  }
0x23c: {  	v42 =	vor.u32 s5, v2;
	_ =	sdelay $0x3  }
0x23d: {  	[tilespmem:v36+s25+$0x0] =	vst.idx.msk $0xffff, v6  }
0x23e: {  	v6 =	vld.idx.msk [tilespmem:v42+s17+$0x0], $0xffff  }
0x23f: {  	v43 =	vor.u32 s5, v3;
	_ =	sdelay $0x3  }
0x240: {  	[tilespmem:v38+s25+$0x0] =	vst.idx.msk $0xffff, v6  }
0x241: {  	v6 =	vld.idx.msk [tilespmem:v43+s17+$0x0], $0xffff;
	_ =	sdelay $0x2  }
0x242: {  	s5 =	spop @!p0 (v2sf)  }
0x243: {  	s9 =	sand.u32 $0x7F, s9;
	s5 =	sand.u32 @!p0 $0xFFFFF80, s5  }
0x244: {  	s26 =	sadd.s32 $0xFFFFFFFF, s30;
	v44 =	vor.u32 s9, v0;
	s12 =	simm.s32 @!p0 $0xA100;
	s5 =	sadd.s32 @!p0 s2, s5;
	[tilespmem:v7+s25+$0x0] =	vst.idx.msk $0xffff, v6  }
0x245: {  	v45 =	vmov s26;
	[tilespmem:s12], [sflag:$0x2] =	stream.strided.gather @!p0 [hbm4b:s5+s6], $0x2000, s10, s6, $0x38;
	[tilespmem:$0x14100] =	vst v63  }
0x246: {  	v7 =	vand.u32 $0x7E, v45;
	_ =	swait.ge [sflag:s22], $0x2000  }
0x247: {  	v7 =	vbroadcast v7, $0x0;
	[sflag:s22] =	ssyncset.done $0x0  }
0x248: {  	[sflag:s22] =	ssyncadd.s32 $0xFFFFE000  }
0x249: {  	v46 =	vor.u32 v0, v7;
	v6 =	vld.idx.msk [tilespmem:v44+s18+$0x0], $0xffff  }
0x24a: {  	v47 =	vor.u32 s9, v1;
	_ =	sdelay $0x3  }
0x24b: {  	[tilespmem:v46+s23+$0x0] =	vst.idx.msk $0xffff, v6  }
0x24c: {  	v48 =	vor.u32 v1, v7;
	(v2sf) =	vpush @!p0 v5, $0x2;
	v6 =	vld.idx.msk [tilespmem:v47+s18+$0x0], $0xffff  }
0x24d: {  	v49 =	vor.u32 s9, v2;
	_ =	sdelay $0x3  }
0x24e: {  	[tilespmem:v48+s23+$0x0] =	vst.idx.msk $0xffff, v6  }
0x24f: {  	v50 =	vor.u32 v2, v7;
	v6 =	vld.idx.msk [tilespmem:v49+s18+$0x0], $0xffff  }
0x250: {  	v51 =	vor.u32 s9, v3;
	_ =	sdelay $0x3  }
0x251: {  	[tilespmem:v50+s23+$0x0] =	vst.idx.msk $0xffff, v6  }
0x252: {  	v7 =	vor.u32 v3, v7;
	v6 =	vld.idx.msk [tilespmem:v51+s18+$0x0], $0xffff;
	_ =	sdelay $0x2  }
0x253: {  	s5 =	spop @!p0 (v2sf)  }
0x254: {  	s4 =	sand.u32 $0x7F, s4;
	s5 =	sand.u32 @!p0 $0xFFFFF80, s5  }
0x255: {  	s9 =	simm.s32 @!p0 $0x4100;
	v52 =	vor.u32 s4, v0;
	s5 =	sadd.s32 @!p0 s1, s5;
	[tilespmem:v7+s23+$0x0] =	vst.idx.msk $0xffff, v6  }
0x256: {  	[tilespmem:s9], [sflag:$0x1] =	stream.strided.gather @!p0 [hbm4b:s5+s6], $0x2000, s8, s6, $0x38;
	[tilespmem:$0x14100] =	vst v63  }
0x257: {  	_ =	swait.ge [sflag:s24], $0x2000  }
0x258: {  	[sflag:s24] =	ssyncset.done $0x0  }
0x259: {  	[sflag:s24] =	ssyncadd.s32 $0xFFFFE000  }
0x25a: {  	v6 =	vld.idx.msk [tilespmem:v52+s19+$0x0], $0xffff  }
0x25b: {  	v53 =	vor.u32 s4, v1;
	_ =	sdelay $0x3  }
0x25c: {  	[tilespmem:v46+s25+$0x0] =	vst.idx.msk $0xffff, v6  }
0x25d: {  	(v2sf) =	vpush @!p0 v4, $0x2;
	v6 =	vld.idx.msk [tilespmem:v53+s19+$0x0], $0xffff  }
0x25e: {  	v54 =	vor.u32 s4, v2;
	_ =	sdelay $0x3  }
0x25f: {  	[tilespmem:v48+s25+$0x0] =	vst.idx.msk $0xffff, v6  }
0x260: {  	v6 =	vld.idx.msk [tilespmem:v54+s19+$0x0], $0xffff  }
0x261: {  	v55 =	vor.u32 s4, v3;
	_ =	sdelay $0x3  }
0x262: {  	[tilespmem:v50+s25+$0x0] =	vst.idx.msk $0xffff, v6  }
0x263: {  	v6 =	vld.idx.msk [tilespmem:v55+s19+$0x0], $0xffff;
	_ =	sdelay $0x2  }
0x264: {  	s4 =	spop @!p0 (v2sf)  }
0x265: {  	s28 =	sand.u32 $0x7F, s7;
	s4 =	sand.u32 @!p0 $0xFFFFF80, s4  }
0x266: {  	s7 =	simm.s32 @!p0 $0xC100;
	v56 =	vor.u32 s28, v0;
	s4 =	sadd.s32 @!p0 s2, s4;
	[tilespmem:v7+s25+$0x0] =	vst.idx.msk $0xffff, v6  }
0x267: {  	v57 =	vmov s30;
	[tilespmem:s7], [sflag:$0x2] =	stream.strided.gather @!p0 [hbm4b:s4+s6], $0x2000, s10, s6, $0x38;
	[tilespmem:$0x14100] =	vst v63  }
0x268: {  	v7 =	vand.u32 $0x7F, v57;
	_ =	swait.ge [sflag:s22], $0x2000  }
0x269: {  	v7 =	vbroadcast v7, $0x0;
	[sflag:s22] =	ssyncset.done $0x0  }
0x26a: {  	[sflag:s22] =	ssyncadd.s32 $0xFFFFE000  }
0x26b: {  	v58 =	vor.u32 v0, v7;
	v6 =	vld.idx.msk [tilespmem:v56+s20+$0x0], $0xffff  }
0x26c: {  	v59 =	vor.u32 s28, v1;
	_ =	sdelay $0x3  }
0x26d: {  	[tilespmem:v58+s23+$0x0] =	vst.idx.msk $0xffff, v6  }
0x26e: {  	v60 =	vor.u32 v1, v7;
	(v2sf) =	vpush @!p0 v5, $0x3;
	v6 =	vld.idx.msk [tilespmem:v59+s20+$0x0], $0xffff  }
0x26f: {  	v5 =	vor.u32 s28, v2;
	_ =	sdelay $0x3  }
0x270: {  	[tilespmem:v60+s23+$0x0] =	vst.idx.msk $0xffff, v6  }
0x271: {  	v61 =	vor.u32 v2, v7;
	v5 =	vld.idx.msk [tilespmem:v5+s20+$0x0], $0xffff  }
0x272: {  	v62 =	vor.u32 s28, v3;
	_ =	sdelay $0x3  }
0x273: {  	[tilespmem:v61+s23+$0x0] =	vst.idx.msk $0xffff, v5  }
0x274: {  	v7 =	vor.u32 v3, v7;
	v5 =	vld.idx.msk [tilespmem:v62+s20+$0x0], $0xffff;
	_ =	sdelay $0x2  }
0x275: {  	s4 =	spop @!p0 (v2sf)  }
0x276: {  	s3 =	sand.u32 $0x7F, s3;
	s4 =	sand.u32 @!p0 $0xFFFFF80, s4  }
0x277: {  	s5 =	simm.s32 @!p0 $0x6100;
	s4 =	sadd.s32 @!p0 s1, s4;
	[tilespmem:v7+s23+$0x0] =	vst.idx.msk $0xffff, v5;
	v5 =	vor.u32 s3, v0  }
0x278: {  	[tilespmem:s5], [sflag:$0x1] =	stream.strided.gather @!p0 [hbm4b:s4+s6], $0x2000, s8, s6, $0x38;
	[tilespmem:$0x14100] =	vst v63  }
0x279: {  	_ =	swait.ge [sflag:s24], $0x2000  }
0x27a: {  	[sflag:s24] =	ssyncset.done $0x0  }
0x27b: {  	[sflag:s24] =	ssyncadd.s32 $0xFFFFE000  }
0x27c: {  	v5 =	vld.idx.msk [tilespmem:v5+s21+$0x0], $0xffff  }
0x27d: {  	v63 =	vor.u32 s3, v1;
	_ =	sdelay $0x3  }
0x27e: {  	[tilespmem:v58+s25+$0x0] =	vst.idx.msk $0xffff, v5  }
0x27f: {  	(v2sf) =	vpush @!p0 v4, $0x3;
	v5 =	vld.idx.msk [tilespmem:v63+s21+$0x0], $0xffff  }
0x280: {  	v4 =	vor.u32 s3, v2;
	_ =	sdelay $0x3  }
0x281: {  	[tilespmem:v60+s25+$0x0] =	vst.idx.msk $0xffff, v5  }
0x282: {  	v4 =	vld.idx.msk [tilespmem:v4+s21+$0x0], $0xffff  }
0x283: {  	v5 =	vor.u32 s3, v3;
	_ =	sdelay $0x3  }
0x284: {  	[tilespmem:v61+s25+$0x0] =	vst.idx.msk $0xffff, v4  }
0x285: {  	v4 =	vld.idx.msk [tilespmem:v5+s21+$0x0], $0xffff  }
0x286: {  	s30 =	sadd.s32 @!p0 $0x10, s30  }
0x287: {  	p1 =	sne.s32 @!p0 s30, $0x8F  }
0x288: {  	p1 =	por p0, !p1;
	s3 =	spop @!p0 (v2sf)  }
.Ltmp0:
0x289: {  	s3 =	sand.u32 @!p0 $0xFFFFF80, s3;
	(pc) =	sbr.rel @!p1 .LBB2_2-.Ltmp0, $4  }
0x28a: {  	s4 =	simm.s32 @!p0 $0xE100;
	s3 =	sadd.s32 @!p0 s2, s3;
	[tilespmem:v7+s25+$0x0] =	vst.idx.msk $0xffff, v4  }
0x28b: {  	[tilespmem:s4], [sflag:$0x2] =	stream.strided.gather @!p0 [hbm4b:s3+s6], $0x2000, s10, s6, $0x38;
	[tilespmem:$0x14100] =	vst v63  }
0x28c: {  	s0 =	sadd.s32 @!p0 $0x1, s0;
	s6 =	rddreg [dreg:$0xd]  }
0x28d: {  	s31 =	sadd.s32 @!p0 $0x10, s31;
	s14 =	simm.s32 $0x7A1400;
	s6 =	sadd.s32 @!p0 $0x10, s6  }
0x28e: {  	s0 =	rddreg [dreg:$0x9];
	s3 =	simm.s32 $0x8000  }
0x28f: {  	[hbm4b:s0+s11] =	stream.strided.scatter [tilespmem:s23], [sflag:$0x1], $0x2000, s3, s11, $0x38;
	[tilespmem:$0x14100] =	vst v63  }
0x290: {  	s28 =	rddreg [dreg:$0xa]  }
0x291: {  	[hbm4b:s28+s11] =	stream.strided.scatter [tilespmem:s25], [sflag:$0x2], $0x2000, s3, s11, $0x38;
	[tilespmem:$0x14100] =	vst v63  }
0x292: {  	_ =	swait.ge [sflag:s22], $0x2000  }
0x293: {  	[sflag:s22] =	ssyncset.done $0x0  }
0x294: {  	[sflag:s22] =	ssyncadd.s32 $0xFFFFE000  }
0x295: {  	_ =	swait.ge [sflag:s24], $0x2000  }
0x296: {  	s30 =	rddreg [dreg:$0xc]  }
0x297: {  	s31 =	rddreg [dreg:$0xb];
	s3 =	sadd.s32 $0x1, s30  }
0x298: {  	p0 =	sne.s32 s3, s31  }
.Ltmp1:
0x299: {  	_ = 	snop;
	(pc) =	sbr.rel @p0 .LBB2_1-.Ltmp1, $3  }
0x29a: {  	_ =	sdelay $0x1  }
0x29b: {  	[sflag:s24] =	ssyncset.done $0x0  }
0x29c: {  	s5 =	simm.s32 $0xC3800;
	[sflag:s24] =	ssyncadd.s32 $0xFFFFE000  }
0x29d: {  	_ =	sfence.sel $0x180000  }
0x29e: {  	[bflag:$0x0] =	sbarrier.arrive $0xFFFF  }
0x29f: {  	_ =	strace $0x90000047  }
0x2a0: {  	s0 =	stileid.u32;
	[bflag:$0x2] =	sbarrier.arrive $0xFFFF  }
0x2a1: {  	p0 =	sne.s32 s0, $0x0;
	s0 =	rddreg [dreg:$0x6]  }
0x2a2: {  	s0 =	sadd.s32 @!p0 $0x100000, s0  }
0x2a3: {  	[sflag:s0] =	ssyncadd.tile.s32 @!p0 $0x1;
	_ =	shalt  }
.Lfunc_end2:
_tile_overlayer_lowered:
.L_overlay_start_2:
0x2a4: {  	(tag) =	ssettag $0x2  }
0x2a5: {  	s0 =	rddreg [dreg:$0x0];
	s2 =	stileid.u32  }
0x2a6: {  	s1 =	rddreg [dreg:$0x1];
	p0 =	sne.s32 s2, $0x0  }
0x2a7: {  	s3 =	rddreg [dreg:$0x2];
	[bflag:$0x3] =	sbarrier.arrive $0xFFFF;
	s2 =	simm.s32 @!p0 $0x1C03  }
0x2a8: {  	[timem:s3], [sflag:s2] =	dma.local @!p0 [hbm:s0], s1  }
0x2a9: {  	s0 =	simm.s32 @!p0 $0x3  }
0x2aa: {  	_ =	swait.ge @!p0 [sflag:s0], s1  }
0x2ab: {  	s1 =	ssub.s32 @!p0 $0x0, s1;
	[sflag:s0] =	ssyncset.done @!p0 $0x0  }
0x2ac: {  	[sflag:s0] =	ssyncadd.s32 @!p0 s1  }
0x2ad: {  	[bflag:$0x3] =	sbarrier.arrive $0xFFFF  }
0x2ae: {  	_ =	shalt  }

</sc_bundles>
